<compile_context>
chip_gen: v7x
topology: tpu7x:2x2x1
jax: 0.10.2.dev20260603
libtpu: 0.0.44.dev20260713+nightly
codegen_flags: <defaults>
</compile_context>

<pallas_src>
import functools

import jax
import jax.numpy as jnp
from jax import lax
from jax.experimental import pallas as pl
from jax.experimental.pallas import tpu as pltpu
from jax.experimental.pallas import tpu_sc as plsc

N = 10000
E = 320000
F = 128
T = 3
NP = 10240
G = NP // 128
NC, NS = 2, 16
NW = NC * NS
K = 128
CH = 64
JC = 160
EPW = JC * CH
EP = NW * EPW
ROWS_PER_TILE = NP // NS
DPAD = 10200

@functools.lru_cache(maxsize=None)
def _mesh():
    return plsc.VectorSubcoreMesh(
        core_axis_name="c", subcore_axis_name="s",
        num_cores=NC, num_subcores=NS)


def _deg_body(dst3_hbm, zdeg_hbm, ones_hbm, out_hbm, dstv, onesv, acc):
    c = lax.axis_index("c")
    s = lax.axis_index("s")
    w = c * NS + s
    pltpu.sync_copy(zdeg_hbm, acc.at[pl.ds(s * ROWS_PER_TILE, ROWS_PER_TILE)])
    pltpu.sync_copy(ones_hbm, onesv)
    pltpu.sync_copy(dst3_hbm.at[w], dstv)
    plsc.subcore_barrier()

    def body(j, carry):
        pltpu.sync_copy(onesv, acc.at[dstv.at[j]], add=True)
        return carry

    lax.fori_loop(0, JC, body, 0)
    plsc.subcore_barrier()
    pltpu.sync_copy(acc.at[pl.ds(s * ROWS_PER_TILE, ROWS_PER_TILE)],
                    out_hbm.at[c, pl.ds(s * ROWS_PER_TILE, ROWS_PER_TILE)])


@functools.lru_cache(maxsize=None)
def _deg_kernel():
    return pl.kernel(
        _deg_body, mesh=_mesh(),
        out_type=jax.ShapeDtypeStruct((NC, NP), jnp.float32),
        scratch_types=[
            pltpu.VMEM((JC, CH), jnp.int32),
            pltpu.VMEM((CH,), jnp.float32),
            pltpu.VMEM_SHARED((NP,), jnp.float32),
        ])


def _scatter_run(y_hbm, idx3_hbm, w, idxb, bufs, acc, gsems, isems):
    for k in range(7):
        pltpu.make_async_copy(idx3_hbm.at[w, k], idxb.at[k], isems[k]).start()
    for k in range(3):
        pltpu.make_async_copy(idx3_hbm.at[w, k], idxb.at[k], isems[k]).wait()
        pltpu.make_async_copy(y_hbm.at[idxb.at[k].at[0]], bufs[k],
                              gsems[k]).start()

    def body(i, carry):
        j8 = 8 * i
        for k in range(8):
            j = j8 + k
            b = k % 4
            m = k % 8
            bn = (k + 3) % 4
            mp = (k + 3) % 8
            mq = (k + 7) % 8
            pltpu.make_async_copy(y_hbm.at[idxb.at[mp].at[0]], bufs[b],
                                  gsems[b]).wait()
            pltpu.sync_copy(bufs[b], acc.at[idxb.at[m].at[1]], add=True)
            pltpu.make_async_copy(
                idx3_hbm.at[w, jnp.minimum(j + 7, JC - 1)], idxb.at[mq],
                isems[mq]).start()
            pltpu.make_async_copy(idx3_hbm.at[w, 0], idxb.at[mp],
                                  isems[mp]).wait()
            pltpu.make_async_copy(y_hbm.at[idxb.at[mp].at[0]], bufs[bn],
                                  gsems[bn]).start()
        return carry

    lax.fori_loop(0, JC // 8, body, 0)
    for k in range(3):
        pltpu.make_async_copy(y_hbm.at[idxb.at[0].at[0]], bufs[k],
                              gsems[k]).wait()
    for k in range(3, 7):
        pltpu.make_async_copy(idx3_hbm.at[w, 0], idxb.at[k], isems[k]).wait()


def _scatter_body(y_hbm, idx3a_hbm, zmain_hbm, out_hbm,
                  idxb, buf0, buf1, buf2, buf3, acc,
                  g0, g1, g2, g3, i0, i1, i2, i3, i4, i5, i6, i7):
    c = lax.axis_index("c")
    s = lax.axis_index("s")
    w = c * NS + s
    pltpu.sync_copy(zmain_hbm, acc.at[pl.ds(s * ROWS_PER_TILE, ROWS_PER_TILE)])
    plsc.subcore_barrier()
    _scatter_run(y_hbm, idx3a_hbm, w, idxb, [buf0, buf1, buf2, buf3], acc,
                 [g0, g1, g2, g3], [i0, i1, i2, i3, i4, i5, i6, i7])
    plsc.subcore_barrier()
    pltpu.sync_copy(acc.at[pl.ds(s * ROWS_PER_TILE, ROWS_PER_TILE)],
                    out_hbm.at[c, pl.ds(s * ROWS_PER_TILE, ROWS_PER_TILE)])


@functools.lru_cache(maxsize=None)
def _scatter_kernel():
    return pl.kernel(
        _scatter_body, mesh=_mesh(),
        out_type=jax.ShapeDtypeStruct((NC, NP, F), jnp.float32),
        scratch_types=(
            [pltpu.VMEM((8, 2, CH), jnp.int32)]
            + [pltpu.VMEM((CH, F), jnp.float32) for _ in range(4)]
            + [pltpu.VMEM_SHARED((NP, F), jnp.float32)]
            + [pltpu.SemaphoreType.DMA for _ in range(12)]
        ))


def _gathx_body(xflat_hbm, fidx_hbm, out_hbm, idxv, rows, sem):
    c = lax.axis_index("c")
    s = lax.axis_index("s")

    @pl.when(jnp.logical_and(c == 0, s < T))
    def _():
        pltpu.sync_copy(fidx_hbm, idxv)
        pltpu.async_copy(xflat_hbm.at[idxv.at[s]], rows, sem).wait()
        pltpu.sync_copy(rows, out_hbm.at[pl.ds(s * K, K)])


@functools.lru_cache(maxsize=None)
def _gathx_kernel():
    return pl.kernel(
        _gathx_body, mesh=_mesh(),
        out_type=jax.ShapeDtypeStruct((T * K, F), jnp.float32),
        scratch_types=[
            pltpu.VMEM((T, K), jnp.int32),
            pltpu.VMEM((K, F), jnp.float32),
            pltpu.SemaphoreType.DMA,
        ])


def _scores_body(x_ref, p_ref, s_ref):
    g = pl.program_id(1)
    ph = p_ref[...]
    lanes = lax.broadcasted_iota(jnp.int32, (1, 128), 1)
    for j in range(8):
        xb = x_ref[0, j * 128:(j + 1) * 128]
        sr = lax.dot_general(ph, xb, (((1,), (1,)), ((), ())))
        ridx = (g * 8 + j) * 128 + lanes
        s_ref[0, j, 0] = jnp.where(ridx < N, sr, -jnp.inf)[0]


def _scores(x3, p2):
    return pl.pallas_call(
        _scores_body,
        grid=(T, G // 8),
        in_specs=[
            pl.BlockSpec((1, 1024, F), lambda t, g: (t, g, 0)),
            pl.BlockSpec((1, F), lambda t, g: (0, 0)),
        ],
        out_specs=pl.BlockSpec((1, 8, 1, 128), lambda t, g: (t, g, 0, 0)),
        out_shape=jax.ShapeDtypeStruct((T, G, 1, 128), jnp.float32),
    )(x3, p2).reshape(T, G, 128)


def _topk_body(s_ref, fidx_ref, vals_ref):
    s0 = s_ref[...]
    gi = (lax.broadcasted_iota(jnp.int32, (T, G, 128), 1) * 128
          + lax.broadcasted_iota(jnp.int32, (T, G, 128), 2))
    lane = lax.broadcasted_iota(jnp.int32, (T, 128), 1)

    def body(k, carry):
        s, vals, idxs = carry
        m = jnp.max(jnp.max(s, axis=2, keepdims=True), axis=1, keepdims=True)
        cand = jnp.where(s == m, gi, jnp.int32(2**30))
        i = jnp.min(jnp.min(cand, axis=2, keepdims=True), axis=1,
                    keepdims=True)
        vals = jnp.where(lane == k, m[:, :, 0], vals)
        idxs = jnp.where(lane == k, i[:, :, 0], idxs)
        s = jnp.where(gi == i, -jnp.inf, s)
        return s, vals, idxs

    _, vals, idxs = lax.fori_loop(
        0, K, body,
        (s0, jnp.zeros((T, 128), jnp.float32), jnp.zeros((T, 128), jnp.int32)))
    vals_ref[...] = vals
    toff = lax.broadcasted_iota(jnp.int32, (T, 128), 0) * N
    fidx_ref[...] = idxs + toff


def _topk(scores3):
    return pl.pallas_call(
        _topk_body,
        out_shape=[
            jax.ShapeDtypeStruct((T, 128), jnp.int32),
            jax.ShapeDtypeStruct((T, 128), jnp.float32),
        ],
    )(scores3)


def _gru_body(xg_ref, vals_ref, w0_ref, wih_ref, whh_ref, bih_ref, bhh_ref,
              wf_ref):
    W = w0_ref[...]
    wih = wih_ref[...]
    whh = whh_ref[...]
    bih = bih_ref[...]
    bhh = bhh_ref[...]
    rr = lax.broadcasted_iota(jnp.int32, (F, F), 0)
    cc = lax.broadcasted_iota(jnp.int32, (F, F), 1)
    eye = jnp.where(rr == cc, 1.0, 0.0)
    for t in range(T):
        tv = jnp.tanh(vals_ref[t])[None, :]
        diag = eye * tv
        xt = lax.dot_general(diag, xg_ref[t], (((1,), (0,)), ((), ())))
        gi = lax.dot_general(xt, wih, (((1,), (1,)), ((), ()))) + bih
        gh = lax.dot_general(W, whh, (((1,), (1,)), ((), ()))) + bhh
        r = jax.nn.sigmoid(gi[:, :F] + gh[:, :F])
        z = jax.nn.sigmoid(gi[:, F:2 * F] + gh[:, F:2 * F])
        n = jnp.tanh(gi[:, 2 * F:] + r * gh[:, 2 * F:])
        W = (1.0 - z) * n + z * W
    wf_ref[...] = W


def _gru(xg, vals, w0, wih, whh, bih2, bhh2):
    return pl.pallas_call(
        _gru_body,
        out_shape=jax.ShapeDtypeStruct((F, F), jnp.float32),
    )(xg, vals, w0, wih, whh, bih2, bhh2)


def _dinv128(dp_ref):
    d = dp_ref[0] + dp_ref[1] + 1.0
    return lax.rsqrt(d)


def _xw_body(x_ref, w_ref, dp_ref, y_ref):
    xw = lax.dot_general(x_ref[...], w_ref[...], (((1,), (0,)), ((), ())))
    y_ref[...] = _dinv128(dp_ref) * xw


def _xw(x2, wf, dparts):
    B = 1024
    return pl.pallas_call(
        _xw_body,
        grid=(NP // B,),
        in_specs=[
            pl.BlockSpec((B, F), lambda i: (i, 0)),
            pl.BlockSpec((F, F), lambda i: (0, 0)),
            pl.BlockSpec((NC, B, 1), lambda i: (0, i, 0)),
        ],
        out_specs=pl.BlockSpec((B, F), lambda i: (i, 0)),
        out_shape=jax.ShapeDtypeStruct((NP, F), jnp.float32),
    )(x2, wf, dparts)


def _fin_body(a_ref, y_ref, dp_ref, o_ref):
    o_ref[...] = _dinv128(dp_ref) * (a_ref[0] + a_ref[1] + y_ref[...])


def _fin(aparts, y, dparts):
    B = 1000
    return pl.pallas_call(
        _fin_body,
        grid=(N // B,),
        in_specs=[
            pl.BlockSpec((NC, B, F), lambda i: (0, i, 0)),
            pl.BlockSpec((B, F), lambda i: (i, 0)),
            pl.BlockSpec((NC, B, 1), lambda i: (0, i, 0)),
        ],
        out_specs=pl.BlockSpec((B, F), lambda i: (i, 0)),
        out_shape=jax.ShapeDtypeStruct((N, F), jnp.float32),
    )(aparts, y, dparts)


def kernel(x_seq, edge_index, W_init, p, W_ih, W_hh, b_ih, b_hh):
    f32 = jnp.float32
    xflat = x_seq.reshape(T * N, F)

    pad_iota = jnp.arange(EP - E, dtype=jnp.int32)
    pad_dst = N + (pad_iota % (NP - N))
    pad_src = pad_iota % N
    src_f = jnp.concatenate([edge_index[0], pad_src])
    dst_f = jnp.concatenate([edge_index[1], pad_dst])
    idx3a = jnp.stack([src_f.reshape(NW, JC, CH),
                       dst_f.reshape(NW, JC, CH)], axis=2)

    dst_p = dst_f.reshape(NW, JC, CH)
    zdeg = jnp.zeros((ROWS_PER_TILE,), f32)
    ones1 = jnp.ones((CH,), f32)
    zmain = jnp.zeros((ROWS_PER_TILE, F), f32)

    dparts = _deg_kernel()(dst_p, zdeg, ones1).reshape(NC, NP, 1)

    phat = p / (jnp.linalg.norm(p) + 1e-16)
    scores3 = _scores(x_seq, phat.reshape(1, F))
    fidx, vals = _topk(scores3)
    xg = _gathx_kernel()(xflat, fidx).reshape(T, K, F)
    wf = _gru(xg, vals, W_init, W_ih, W_hh,
              b_ih.reshape(1, 3 * F), b_hh.reshape(1, 3 * F))

    y = _xw(x_seq[2], wf, dparts)
    aparts = _scatter_kernel()(y, idx3a, zmain)
    out = _fin(aparts, y, dparts)
    return out

# --- scband reference (transcript-rebuilt; emitter-appended) ---
"""Pipeline reference for scband-evolve-gcn-h-model-2010044695358 (READ-ONLY COPY).

The authoritative reference and input builder live on the scoring server;
editing this copy changes nothing except your own understanding.
"""

import jax, jax.numpy as jnp
import numpy as np

N = 10000
E = 320000
F_IN = 128   # args.batch_size -> in_channels (feature dim of X.x)
F_OUT = 128  # args.lstm_hidden_size -> out_channels
T = 3        # args.lookback


def setup_inputs(seed: int = 0) -> dict:
    key = jax.random.key(seed)
    ks = jax.random.split(key, 8)
    x_seq = jax.random.normal(ks[0], (T, N, F_IN), dtype=jnp.float32)
    edge_index = jax.random.randint(ks[1], (2, E), 0, N, dtype=jnp.int32)
    # learned parameters of EvolveGCNH
    W_init = jax.random.normal(ks[2], (F_IN, F_OUT), dtype=jnp.float32) * 0.1  # initial GCN weight (GRU hidden state)
    p = jax.random.normal(ks[3], (F_IN,), dtype=jnp.float32)                   # TopK pooling score vector
    W_ih = jax.random.normal(ks[4], (3 * F_OUT, F_IN), dtype=jnp.float32) * 0.1
    W_hh = jax.random.normal(ks[5], (3 * F_OUT, F_OUT), dtype=jnp.float32) * 0.1
    b_ih = jnp.zeros((3 * F_OUT,), dtype=jnp.float32)
    b_hh = jnp.zeros((3 * F_OUT,), dtype=jnp.float32)
    return {"x_seq": x_seq, "edge_index": edge_index, "W_init": W_init, "p": p,
            "W_ih": W_ih, "W_hh": W_hh, "b_ih": b_ih, "b_hh": b_hh}


def _gcn_norm(edge_index, num_nodes):
    src = edge_index[0]
    dst = edge_index[1]
    loop = jnp.arange(num_nodes, dtype=src.dtype)
    src = jnp.concatenate([src, loop])
    dst = jnp.concatenate([dst, loop])
    deg = jnp.zeros((num_nodes,), dtype=jnp.float32).at[dst].add(1.0)
    dinv = jnp.where(deg > 0, deg ** -0.5, 0.0)
    w = dinv[src] * dinv[dst]
    return src, dst, w


def _gru_cell(x, h, W_ih, W_hh, b_ih, b_hh):
    gi = x @ W_ih.T + b_ih
    gh = h @ W_hh.T + b_hh
    i_r, i_z, i_n = jnp.split(gi, 3, axis=1)
    h_r, h_z, h_n = jnp.split(gh, 3, axis=1)
    r = jax.nn.sigmoid(i_r + h_r)
    z = jax.nn.sigmoid(i_z + h_z)
    n = jnp.tanh(i_n + r * h_n)
    return (1.0 - z) * n + z * h


def reference(x_seq, edge_index, W_init, p, W_ih, W_hh, b_ih, b_hh):
    src, dst, w = _gcn_norm(edge_index, N)
    W = W_init
    out = None
    for t in range(T):
        X = x_seq[t]
        # TopK pooling summarization: select F_IN nodes (ratio = in_channels / num_nodes)
        score = X @ (p / (jnp.linalg.norm(p) + 1e-16))
        vals, idx = jax.lax.top_k(score, F_IN)
        X_tilde = X[idx] * jnp.tanh(vals)[:, None]  # (F_IN, F_IN)
        # evolve GCN weight via GRU (W is the hidden state)
        W = _gru_cell(X_tilde, W, W_ih, W_hh, b_ih, b_hh)
        # GCN conv with fixed (evolved) weight: D^-1/2 (A+I) D^-1/2 X W
        XW = X @ W
        out = jnp.zeros((N, F_OUT), dtype=jnp.float32).at[dst].add(w[:, None] * XW[src])
    # extrapolate() in the original BaseModel is an identity passthrough of the last embedding
    return out

if __name__ == "__main__":
    import jax
    _d = setup_inputs()
    print(jax.jit(kernel)(*tuple(_d.values())))

</pallas_src>

<mosaic_0001>
#map = affine_map<(d0, d1) -> (0, 0, 0)>
#map1 = affine_map<(d0, d1) -> (0)>
#map2 = affine_map<(d0, d1) -> (0, 0)>
module attributes {stable_mosaic.version = 14 : i64} {
  func.func @_deg_body(%arg0: i32, %arg1: i32, %arg2: memref<32x160x64xi32, #tpu.memory_space<hbm>>, %arg3: memref<640xf32, #tpu.memory_space<hbm>>, %arg4: memref<64xf32, #tpu.memory_space<hbm>>, %arg5: memref<2x10240xf32, #tpu.memory_space<hbm>>, %arg6: memref<160x64xi32, #tpu.memory_space<vmem>>, %arg7: memref<64xf32, #tpu.memory_space<vmem>>, %arg8: memref<10240xf32, #tpu.memory_space<vmem_shared>>) attributes {dimension_semantics = [#tpu.dimension_semantics<core_parallel>, #tpu.dimension_semantics<subcore_parallel>], iteration_bounds = array<i64: 2, 16>, scalar_prefetch = 0 : i64, scratch_operands = 3 : i64, tpu.core_type = #tpu.core_type<sc_vector_subcore>, window_params = [{transform_indices = #map}, {transform_indices = #map1}, {transform_indices = #map1}, {transform_indices = #map2}]} {
    %mul3A = arith.constant 16 : i32
    %mul3A_0 = arith.muli %arg0, %mul3A : i32
    %add3A = arith.addi %mul3A_0, %arg1 : i32
    %mul3A_1 = arith.constant 640 : i32
    %mul3A_2 = arith.muli %arg1, %mul3A_1 : i32
    "tpu.region"() ({
      %run_scoped3A = tpu.sem_alloc : memref<!tpu.dma_semaphore, #tpu.memory_space<semaphore_mem>>
      %dma_start3A = tpu.memref_slice %arg8[%mul3A_2] : memref<10240xf32, #tpu.memory_space<vmem_shared>> -> memref<640xf32, #tpu.memory_space<vmem_shared>>
      tpu.enqueue_dma source(%arg3 : memref<640xf32, #tpu.memory_space<hbm>>) target(%dma_start3A : memref<640xf32, #tpu.memory_space<vmem_shared>>) target_semaphore(%run_scoped3A : memref<!tpu.dma_semaphore, #tpu.memory_space<semaphore_mem>>)
      %dma_wait3A = tpu.memref_slice %arg8[%mul3A_2] : memref<10240xf32, #tpu.memory_space<vmem_shared>> -> memref<640xf32, #tpu.memory_space<vmem_shared>>
      tpu.wait_dma2 semaphore(%run_scoped3A : memref<!tpu.dma_semaphore, #tpu.memory_space<semaphore_mem>>) src(%arg3 : memref<640xf32, #tpu.memory_space<hbm>>) dst(%dma_wait3A : memref<640xf32, #tpu.memory_space<vmem_shared>>)
      tpu.yield
    }) : () -> ()
    "tpu.region"() ({
      %run_scoped3A = tpu.sem_alloc : memref<!tpu.dma_semaphore, #tpu.memory_space<semaphore_mem>>
      tpu.enqueue_dma source(%arg4 : memref<64xf32, #tpu.memory_space<hbm>>) target(%arg7 : memref<64xf32, #tpu.memory_space<vmem>>) target_semaphore(%run_scoped3A : memref<!tpu.dma_semaphore, #tpu.memory_space<semaphore_mem>>)
      tpu.wait_dma2 semaphore(%run_scoped3A : memref<!tpu.dma_semaphore, #tpu.memory_space<semaphore_mem>>) src(%arg4 : memref<64xf32, #tpu.memory_space<hbm>>) dst(%arg7 : memref<64xf32, #tpu.memory_space<vmem>>)
      tpu.yield
    }) : () -> ()
    "tpu.region"() ({
      %run_scoped3A = tpu.sem_alloc : memref<!tpu.dma_semaphore, #tpu.memory_space<semaphore_mem>>
      %dma_start3A = arith.constant 0 : i32
      %dma_start3A_13 = arith.constant 0 : i32
      %dma_start3A_14 = tpu.memref_slice %arg2[%add3A, %dma_start3A, %dma_start3A_13] : memref<32x160x64xi32, #tpu.memory_space<hbm>> -> memref<1x160x64xi32, #tpu.memory_space<hbm>>
      %dma_start3A_15 = tpu.memref_squeeze %dma_start3A_14 : memref<1x160x64xi32, #tpu.memory_space<hbm>> -> memref<160x64xi32, #tpu.memory_space<hbm>>
      %dma_start3A_16 = arith.constant 0 : i32
      %dma_start3A_17 = arith.constant 0 : i32
      %dma_start3A_18 = tpu.memref_slice %arg2[%add3A, %dma_start3A_16, %dma_start3A_17] : memref<32x160x64xi32, #tpu.memory_space<hbm>> -> memref<1x160x64xi32, #tpu.memory_space<hbm>>
      %dma_start3A_19 = tpu.memref_squeeze %dma_start3A_18 : memref<1x160x64xi32, #tpu.memory_space<hbm>> -> memref<160x64xi32, #tpu.memory_space<hbm>>
      tpu.enqueue_dma source(%dma_start3A_19 : memref<160x64xi32, #tpu.memory_space<hbm>>) target(%arg6 : memref<160x64xi32, #tpu.memory_space<vmem>>) target_semaphore(%run_scoped3A : memref<!tpu.dma_semaphore, #tpu.memory_space<semaphore_mem>>)
      %dma_wait3A = arith.constant 0 : i32
      %dma_wait3A_20 = arith.constant 0 : i32
      %dma_wait3A_21 = tpu.memref_slice %arg2[%add3A, %dma_wait3A, %dma_wait3A_20] : memref<32x160x64xi32, #tpu.memory_space<hbm>> -> memref<1x160x64xi32, #tpu.memory_space<hbm>>
      %dma_wait3A_22 = tpu.memref_squeeze %dma_wait3A_21 : memref<1x160x64xi32, #tpu.memory_space<hbm>> -> memref<160x64xi32, #tpu.memory_space<hbm>>
      %dma_wait3A_23 = arith.constant 0 : i32
      %dma_wait3A_24 = arith.constant 0 : i32
      %dma_wait3A_25 = tpu.memref_slice %arg2[%add3A, %dma_wait3A_23, %dma_wait3A_24] : memref<32x160x64xi32, #tpu.memory_space<hbm>> -> memref<1x160x64xi32, #tpu.memory_space<hbm>>
      %dma_wait3A_26 = tpu.memref_squeeze %dma_wait3A_25 : memref<1x160x64xi32, #tpu.memory_space<hbm>> -> memref<160x64xi32, #tpu.memory_space<hbm>>
      tpu.wait_dma2 semaphore(%run_scoped3A : memref<!tpu.dma_semaphore, #tpu.memory_space<semaphore_mem>>) src(%dma_wait3A_26 : memref<160x64xi32, #tpu.memory_space<hbm>>) dst(%arg6 : memref<160x64xi32, #tpu.memory_space<vmem>>)
      tpu.yield
    }) : () -> ()
    %barrier3A = arith.constant 0 : index
    tpu.barrier barrier_id(%barrier3A)
    %scan3A = arith.constant 0 : i32
    %scan3A_3 = arith.constant 0 : i32
    %scan3A_4 = arith.constant 160 : i32
    %scan3A_5 = arith.addi %scan3A_3, %scan3A_4 : i32
    %scan3A_6 = arith.constant 1 : i32
    scf.for %scan3A_13 = %scan3A_3 to %scan3A_5 step %scan3A_6  : i32 {
      "tpu.region"() ({
        %run_scoped3A = tpu.sem_alloc : memref<!tpu.dma_semaphore, #tpu.memory_space<semaphore_mem>>
        %dma_start3A = arith.constant 0 : i32
        %dma_start3A_14 = tpu.memref_slice %arg6[%scan3A_13, %dma_start3A] : memref<160x64xi32, #tpu.memory_space<vmem>> -> memref<1x64xi32, #tpu.memory_space<vmem>>
        %dma_start3A_15 = tpu.memref_squeeze %dma_start3A_14 : memref<1x64xi32, #tpu.memory_space<vmem>> -> memref<64xi32, #tpu.memory_space<vmem>>
        %dma_start3A_16 = arith.constant 0 : i32
        %dma_start3A_17 = tpu.memref_slice %arg8[%dma_start3A_16] : memref<10240xf32, #tpu.memory_space<vmem_shared>> -> memref<10240xf32, #tpu.memory_space<vmem_shared>>
        tpu.enqueue_indirect_dma source(%arg7 : memref<64xf32, #tpu.memory_space<vmem>>) target(%dma_start3A_17 : memref<10240xf32, #tpu.memory_space<vmem_shared>>) offsets(%dma_start3A_15 : memref<64xi32, #tpu.memory_space<vmem>>) semaphore(%run_scoped3A : memref<!tpu.dma_semaphore, #tpu.memory_space<semaphore_mem>>) {add = true}
        %dma_wait3A = arith.constant 0 : i32
        %dma_wait3A_18 = tpu.memref_slice %arg6[%scan3A_13, %dma_wait3A] : memref<160x64xi32, #tpu.memory_space<vmem>> -> memref<1x64xi32, #tpu.memory_space<vmem>>
        %dma_wait3A_19 = tpu.memref_squeeze %dma_wait3A_18 : memref<1x64xi32, #tpu.memory_space<vmem>> -> memref<64xi32, #tpu.memory_space<vmem>>
        %dma_wait3A_20 = arith.constant 0 : i32
        %dma_wait3A_21 = tpu.memref_slice %arg8[%dma_wait3A_20] : memref<10240xf32, #tpu.memory_space<vmem_shared>> -> memref<10240xf32, #tpu.memory_space<vmem_shared>>
        tpu.wait_indirect_dma semaphore(%run_scoped3A : memref<!tpu.dma_semaphore, #tpu.memory_space<semaphore_mem>>) src(%arg7 : memref<64xf32, #tpu.memory_space<vmem>>) dst(%dma_wait3A_21 : memref<10240xf32, #tpu.memory_space<vmem_shared>>)
        tpu.yield
      }) : () -> ()
    }
    %scan3A_7 = arith.constant 160 : i32
    %barrier3A_8 = arith.constant 0 : index
    tpu.barrier barrier_id(%barrier3A_8)
    %mul3A_9 = arith.constant 640 : i32
    %mul3A_10 = arith.muli %arg1, %mul3A_9 : i32
    %mul3A_11 = arith.constant 640 : i32
    %mul3A_12 = arith.muli %arg1, %mul3A_11 : i32
    "tpu.region"() ({
      %run_scoped3A = tpu.sem_alloc : memref<!tpu.dma_semaphore, #tpu.memory_space<semaphore_mem>>
      %dma_start3A = tpu.memref_slice %arg5[%arg0, %mul3A_12] : memref<2x10240xf32, #tpu.memory_space<hbm>> -> memref<1x640xf32, #tpu.memory_space<hbm>>
      %dma_start3A_13 = tpu.memref_squeeze %dma_start3A : memref<1x640xf32, #tpu.memory_space<hbm>> -> memref<640xf32, #tpu.memory_space<hbm>>
      %dma_start3A_14 = tpu.memref_slice %arg8[%mul3A_10] : memref<10240xf32, #tpu.memory_space<vmem_shared>> -> memref<640xf32, #tpu.memory_space<vmem_shared>>
      tpu.enqueue_dma source(%dma_start3A_14 : memref<640xf32, #tpu.memory_space<vmem_shared>>) target(%dma_start3A_13 : memref<640xf32, #tpu.memory_space<hbm>>) target_semaphore(%run_scoped3A : memref<!tpu.dma_semaphore, #tpu.memory_space<semaphore_mem>>)
      %dma_wait3A = tpu.memref_slice %arg5[%arg0, %mul3A_12] : memref<2x10240xf32, #tpu.memory_space<hbm>> -> memref<1x640xf32, #tpu.memory_space<hbm>>
      %dma_wait3A_15 = tpu.memref_squeeze %dma_wait3A : memref<1x640xf32, #tpu.memory_space<hbm>> -> memref<640xf32, #tpu.memory_space<hbm>>
      %dma_wait3A_16 = tpu.memref_slice %arg8[%mul3A_10] : memref<10240xf32, #tpu.memory_space<vmem_shared>> -> memref<640xf32, #tpu.memory_space<vmem_shared>>
      tpu.wait_dma2 semaphore(%run_scoped3A : memref<!tpu.dma_semaphore, #tpu.memory_space<semaphore_mem>>) src(%dma_wait3A_16 : memref<640xf32, #tpu.memory_space<vmem_shared>>) dst(%dma_wait3A_15 : memref<640xf32, #tpu.memory_space<hbm>>)
      tpu.yield
    }) : () -> ()
    return
  }
}

#map = affine_map<(d0, d1) -> (0, 0)>
module attributes {stable_mosaic.version = 14 : i64} {
  func.func @_gathx_body(%arg0: i32, %arg1: i32, %arg2: memref<30000x128xf32, #tpu.memory_space<hbm>>, %arg3: memref<3x128xi32, #tpu.memory_space<hbm>>, %arg4: memref<384x128xf32, #tpu.memory_space<hbm>>, %arg5: memref<3x128xi32, #tpu.memory_space<vmem>>, %arg6: memref<128x128xf32, #tpu.memory_space<vmem>>, %arg7: memref<!tpu.dma_semaphore, #tpu.memory_space<semaphore_mem>>) attributes {dimension_semantics = [#tpu.dimension_semantics<core_parallel>, #tpu.dimension_semantics<subcore_parallel>], iteration_bounds = array<i64: 2, 16>, scalar_prefetch = 0 : i64, scratch_operands = 3 : i64, tpu.core_type = #tpu.core_type<sc_vector_subcore>, window_params = [{transform_indices = #map}, {transform_indices = #map}, {transform_indices = #map}]} {
    %eq3A = arith.constant 0 : i32
    %eq3A_0 = arith.cmpi eq, %arg0, %eq3A : i32
    %lt3A = arith.constant 3 : i32
    %lt3A_1 = arith.cmpi slt, %arg1, %lt3A : i32
    %and3A = arith.andi %eq3A_0, %lt3A_1 : i1
    %convert_element_type3A = arith.extui %and3A : i1 to i32
    %cond3A = arith.constant 0 : i32
    %cond3A_2 = arith.cmpi ne, %convert_element_type3A, %cond3A : i32
    scf.if %cond3A_2 {
      "tpu.region"() ({
        %run_scoped3A = tpu.sem_alloc : memref<!tpu.dma_semaphore, #tpu.memory_space<semaphore_mem>>
        tpu.enqueue_dma source(%arg3 : memref<3x128xi32, #tpu.memory_space<hbm>>) target(%arg5 : memref<3x128xi32, #tpu.memory_space<vmem>>) target_semaphore(%run_scoped3A : memref<!tpu.dma_semaphore, #tpu.memory_space<semaphore_mem>>)
        tpu.wait_dma2 semaphore(%run_scoped3A : memref<!tpu.dma_semaphore, #tpu.memory_space<semaphore_mem>>) src(%arg3 : memref<3x128xi32, #tpu.memory_space<hbm>>) dst(%arg5 : memref<3x128xi32, #tpu.memory_space<vmem>>)
        tpu.yield
      }) : () -> ()
      %dma_start3A = arith.constant 0 : i32
      %dma_start3A_3 = tpu.memref_slice %arg5[%arg1, %dma_start3A] : memref<3x128xi32, #tpu.memory_space<vmem>> -> memref<1x128xi32, #tpu.memory_space<vmem>>
      %dma_start3A_4 = tpu.memref_squeeze %dma_start3A_3 : memref<1x128xi32, #tpu.memory_space<vmem>> -> memref<128xi32, #tpu.memory_space<vmem>>
      %dma_start3A_5 = arith.constant 0 : i32
      %dma_start3A_6 = arith.constant 0 : i32
      %dma_start3A_7 = tpu.memref_slice %arg2[%dma_start3A_5, %dma_start3A_6] : memref<30000x128xf32, #tpu.memory_space<hbm>> -> memref<30000x128xf32, #tpu.memory_space<hbm>>
      tpu.enqueue_indirect_dma source(%dma_start3A_7 : memref<30000x128xf32, #tpu.memory_space<hbm>>) target(%arg6 : memref<128x128xf32, #tpu.memory_space<vmem>>) offsets(%dma_start3A_4 : memref<128xi32, #tpu.memory_space<vmem>>) semaphore(%arg7 : memref<!tpu.dma_semaphore, #tpu.memory_space<semaphore_mem>>)
      %dma_wait3A = arith.constant 0 : i32
      %dma_wait3A_8 = tpu.memref_slice %arg5[%arg1, %dma_wait3A] : memref<3x128xi32, #tpu.memory_space<vmem>> -> memref<1x128xi32, #tpu.memory_space<vmem>>
      %dma_wait3A_9 = tpu.memref_squeeze %dma_wait3A_8 : memref<1x128xi32, #tpu.memory_space<vmem>> -> memref<128xi32, #tpu.memory_space<vmem>>
      %dma_wait3A_10 = arith.constant 0 : i32
      %dma_wait3A_11 = arith.constant 0 : i32
      %dma_wait3A_12 = tpu.memref_slice %arg2[%dma_wait3A_10, %dma_wait3A_11] : memref<30000x128xf32, #tpu.memory_space<hbm>> -> memref<30000x128xf32, #tpu.memory_space<hbm>>
      tpu.wait_indirect_dma semaphore(%arg7 : memref<!tpu.dma_semaphore, #tpu.memory_space<semaphore_mem>>) src(%dma_wait3A_12 : memref<30000x128xf32, #tpu.memory_space<hbm>>) dst(%arg6 : memref<128x128xf32, #tpu.memory_space<vmem>>)
      %mul3A = arith.constant 128 : i32
      %mul3A_13 = arith.muli %arg1, %mul3A : i32
      "tpu.region"() ({
        %run_scoped3A = tpu.sem_alloc : memref<!tpu.dma_semaphore, #tpu.memory_space<semaphore_mem>>
        %dma_start3A_14 = arith.constant 0 : i32
        %dma_start3A_15 = tpu.memref_slice %arg4[%mul3A_13, %dma_start3A_14] : memref<384x128xf32, #tpu.memory_space<hbm>> -> memref<128x128xf32, #tpu.memory_space<hbm>>
        %dma_start3A_16 = arith.constant 0 : i32
        %dma_start3A_17 = tpu.memref_slice %arg4[%mul3A_13, %dma_start3A_16] : memref<384x128xf32, #tpu.memory_space<hbm>> -> memref<128x128xf32, #tpu.memory_space<hbm>>
        tpu.enqueue_dma source(%arg6 : memref<128x128xf32, #tpu.memory_space<vmem>>) target(%dma_start3A_17 : memref<128x128xf32, #tpu.memory_space<hbm>>) target_semaphore(%run_scoped3A : memref<!tpu.dma_semaphore, #tpu.memory_space<semaphore_mem>>)
        %dma_wait3A_18 = arith.constant 0 : i32
        %dma_wait3A_19 = tpu.memref_slice %arg4[%mul3A_13, %dma_wait3A_18] : memref<384x128xf32, #tpu.memory_space<hbm>> -> memref<128x128xf32, #tpu.memory_space<hbm>>
        %dma_wait3A_20 = arith.constant 0 : i32
        %dma_wait3A_21 = tpu.memref_slice %arg4[%mul3A_13, %dma_wait3A_20] : memref<384x128xf32, #tpu.memory_space<hbm>> -> memref<128x128xf32, #tpu.memory_space<hbm>>
        tpu.wait_dma2 semaphore(%run_scoped3A : memref<!tpu.dma_semaphore, #tpu.memory_space<semaphore_mem>>) src(%arg6 : memref<128x128xf32, #tpu.memory_space<vmem>>) dst(%dma_wait3A_21 : memref<128x128xf32, #tpu.memory_space<hbm>>)
        tpu.yield
      }) : () -> ()
    } else {
    }
    return
  }
}

#map = affine_map<(d0, d1) -> (0, 0)>
#map1 = affine_map<(d0, d1) -> (0, 0, 0, 0)>
#map2 = affine_map<(d0, d1) -> (0, 0, 0)>
module attributes {stable_mosaic.version = 14 : i64} {
  func.func @_scatter_body(%arg0: i32, %arg1: i32, %arg2: memref<10240x128xf32, #tpu.memory_space<hbm>>, %arg3: memref<32x160x2x64xi32, #tpu.memory_space<hbm>>, %arg4: memref<640x128xf32, #tpu.memory_space<hbm>>, %arg5: memref<2x10240x128xf32, #tpu.memory_space<hbm>>, %arg6: memref<8x2x64xi32, #tpu.memory_space<vmem>>, %arg7: memref<64x128xf32, #tpu.memory_space<vmem>>, %arg8: memref<64x128xf32, #tpu.memory_space<vmem>>, %arg9: memref<64x128xf32, #tpu.memory_space<vmem>>, %arg10: memref<64x128xf32, #tpu.memory_space<vmem>>, %arg11: memref<10240x128xf32, #tpu.memory_space<vmem_shared>>, %arg12: memref<!tpu.dma_semaphore, #tpu.memory_space<semaphore_mem>>, %arg13: memref<!tpu.dma_semaphore, #tpu.memory_space<semaphore_mem>>, %arg14: memref<!tpu.dma_semaphore, #tpu.memory_space<semaphore_mem>>, %arg15: memref<!tpu.dma_semaphore, #tpu.memory_space<semaphore_mem>>, %arg16: memref<!tpu.dma_semaphore, #tpu.memory_space<semaphore_mem>>, %arg17: memref<!tpu.dma_semaphore, #tpu.memory_space<semaphore_mem>>, %arg18: memref<!tpu.dma_semaphore, #tpu.memory_space<semaphore_mem>>, %arg19: memref<!tpu.dma_semaphore, #tpu.memory_space<semaphore_mem>>, %arg20: memref<!tpu.dma_semaphore, #tpu.memory_space<semaphore_mem>>, %arg21: memref<!tpu.dma_semaphore, #tpu.memory_space<semaphore_mem>>, %arg22: memref<!tpu.dma_semaphore, #tpu.memory_space<semaphore_mem>>, %arg23: memref<!tpu.dma_semaphore, #tpu.memory_space<semaphore_mem>>) attributes {dimension_semantics = [#tpu.dimension_semantics<core_parallel>, #tpu.dimension_semantics<subcore_parallel>], iteration_bounds = array<i64: 2, 16>, scalar_prefetch = 0 : i64, scratch_operands = 18 : i64, tpu.core_type = #tpu.core_type<sc_vector_subcore>, window_params = [{transform_indices = #map}, {transform_indices = #map1}, {transform_indices = #map}, {transform_indices = #map2}]} {
    %mul3A = arith.constant 16 : i32
    %mul3A_0 = arith.muli %arg0, %mul3A : i32
    %add3A = arith.addi %mul3A_0, %arg1 : i32
    %mul3A_1 = arith.constant 640 : i32
    %mul3A_2 = arith.muli %arg1, %mul3A_1 : i32
    "tpu.region"() ({
      %run_scoped3A = tpu.sem_alloc : memref<!tpu.dma_semaphore, #tpu.memory_space<semaphore_mem>>
      %dma_start3A_335 = arith.constant 0 : i32
      %dma_start3A_336 = tpu.memref_slice %arg11[%mul3A_2, %dma_start3A_335] : memref<10240x128xf32, #tpu.memory_space<vmem_shared>> -> memref<640x128xf32, #tpu.memory_space<vmem_shared>>
      tpu.enqueue_dma source(%arg4 : memref<640x128xf32, #tpu.memory_space<hbm>>) target(%dma_start3A_336 : memref<640x128xf32, #tpu.memory_space<vmem_shared>>) target_semaphore(%run_scoped3A : memref<!tpu.dma_semaphore, #tpu.memory_space<semaphore_mem>>)
      %dma_wait3A_337 = arith.constant 0 : i32
      %dma_wait3A_338 = tpu.memref_slice %arg11[%mul3A_2, %dma_wait3A_337] : memref<10240x128xf32, #tpu.memory_space<vmem_shared>> -> memref<640x128xf32, #tpu.memory_space<vmem_shared>>
      tpu.wait_dma2 semaphore(%run_scoped3A : memref<!tpu.dma_semaphore, #tpu.memory_space<semaphore_mem>>) src(%arg4 : memref<640x128xf32, #tpu.memory_space<hbm>>) dst(%dma_wait3A_338 : memref<640x128xf32, #tpu.memory_space<vmem_shared>>)
      tpu.yield
    }) : () -> ()
    %barrier3A = arith.constant 0 : index
    tpu.barrier barrier_id(%barrier3A)
    %dma_start3A = arith.constant 0 : i32
    %dma_start3A_3 = arith.constant 0 : i32
    %dma_start3A_4 = arith.constant 0 : i32
    %dma_start3A_5 = arith.constant 0 : i32
    %dma_start3A_6 = tpu.memref_slice %arg6[%dma_start3A_3, %dma_start3A_4, %dma_start3A_5] : memref<8x2x64xi32, #tpu.memory_space<vmem>> -> memref<1x2x64xi32, #tpu.memory_space<vmem>>
    %dma_start3A_7 = tpu.memref_squeeze %dma_start3A_6 : memref<1x2x64xi32, #tpu.memory_space<vmem>> -> memref<2x64xi32, #tpu.memory_space<vmem>>
    %dma_start3A_8 = arith.constant 0 : i32
    %dma_start3A_9 = arith.constant 0 : i32
    %dma_start3A_10 = tpu.memref_slice %arg3[%add3A, %dma_start3A, %dma_start3A_8, %dma_start3A_9] : memref<32x160x2x64xi32, #tpu.memory_space<hbm>> -> memref<1x1x2x64xi32, #tpu.memory_space<hbm>>
    %dma_start3A_11 = tpu.memref_squeeze %dma_start3A_10 : memref<1x1x2x64xi32, #tpu.memory_space<hbm>> -> memref<2x64xi32, #tpu.memory_space<hbm>>
    %dma_start3A_12 = arith.constant 0 : i32
    %dma_start3A_13 = arith.constant 0 : i32
    %dma_start3A_14 = tpu.memref_slice %arg6[%dma_start3A_3, %dma_start3A_12, %dma_start3A_13] : memref<8x2x64xi32, #tpu.memory_space<vmem>> -> memref<1x2x64xi32, #tpu.memory_space<vmem>>
    %dma_start3A_15 = tpu.memref_squeeze %dma_start3A_14 : memref<1x2x64xi32, #tpu.memory_space<vmem>> -> memref<2x64xi32, #tpu.memory_space<vmem>>
    %dma_start3A_16 = arith.constant 0 : i32
    %dma_start3A_17 = arith.constant 0 : i32
    %dma_start3A_18 = tpu.memref_slice %arg3[%add3A, %dma_start3A, %dma_start3A_16, %dma_start3A_17] : memref<32x160x2x64xi32, #tpu.memory_space<hbm>> -> memref<1x1x2x64xi32, #tpu.memory_space<hbm>>
    %dma_start3A_19 = tpu.memref_squeeze %dma_start3A_18 : memref<1x1x2x64xi32, #tpu.memory_space<hbm>> -> memref<2x64xi32, #tpu.memory_space<hbm>>
    tpu.enqueue_dma source(%dma_start3A_19 : memref<2x64xi32, #tpu.memory_space<hbm>>) target(%dma_start3A_15 : memref<2x64xi32, #tpu.memory_space<vmem>>) target_semaphore(%arg16 : memref<!tpu.dma_semaphore, #tpu.memory_space<semaphore_mem>>)
    %dma_start3A_20 = arith.constant 1 : i32
    %dma_start3A_21 = arith.constant 1 : i32
    %dma_start3A_22 = arith.constant 0 : i32
    %dma_start3A_23 = arith.constant 0 : i32
    %dma_start3A_24 = tpu.memref_slice %arg6[%dma_start3A_21, %dma_start3A_22, %dma_start3A_23] : memref<8x2x64xi32, #tpu.memory_space<vmem>> -> memref<1x2x64xi32, #tpu.memory_space<vmem>>
    %dma_start3A_25 = tpu.memref_squeeze %dma_start3A_24 : memref<1x2x64xi32, #tpu.memory_space<vmem>> -> memref<2x64xi32, #tpu.memory_space<vmem>>
    %dma_start3A_26 = arith.constant 0 : i32
    %dma_start3A_27 = arith.constant 0 : i32
    %dma_start3A_28 = tpu.memref_slice %arg3[%add3A, %dma_start3A_20, %dma_start3A_26, %dma_start3A_27] : memref<32x160x2x64xi32, #tpu.memory_space<hbm>> -> memref<1x1x2x64xi32, #tpu.memory_space<hbm>>
    %dma_start3A_29 = tpu.memref_squeeze %dma_start3A_28 : memref<1x1x2x64xi32, #tpu.memory_space<hbm>> -> memref<2x64xi32, #tpu.memory_space<hbm>>
    %dma_start3A_30 = arith.constant 0 : i32
    %dma_start3A_31 = arith.constant 0 : i32
    %dma_start3A_32 = tpu.memref_slice %arg6[%dma_start3A_21, %dma_start3A_30, %dma_start3A_31] : memref<8x2x64xi32, #tpu.memory_space<vmem>> -> memref<1x2x64xi32, #tpu.memory_space<vmem>>
    %dma_start3A_33 = tpu.memref_squeeze %dma_start3A_32 : memref<1x2x64xi32, #tpu.memory_space<vmem>> -> memref<2x64xi32, #tpu.memory_space<vmem>>
    %dma_start3A_34 = arith.constant 0 : i32
    %dma_start3A_35 = arith.constant 0 : i32
    %dma_start3A_36 = tpu.memref_slice %arg3[%add3A, %dma_start3A_20, %dma_start3A_34, %dma_start3A_35] : memref<32x160x2x64xi32, #tpu.memory_space<hbm>> -> memref<1x1x2x64xi32, #tpu.memory_space<hbm>>
    %dma_start3A_37 = tpu.memref_squeeze %dma_start3A_36 : memref<1x1x2x64xi32, #tpu.memory_space<hbm>> -> memref<2x64xi32, #tpu.memory_space<hbm>>
    tpu.enqueue_dma source(%dma_start3A_37 : memref<2x64xi32, #tpu.memory_space<hbm>>) target(%dma_start3A_33 : memref<2x64xi32, #tpu.memory_space<vmem>>) target_semaphore(%arg17 : memref<!tpu.dma_semaphore, #tpu.memory_space<semaphore_mem>>)
    %dma_start3A_38 = arith.constant 2 : i32
    %dma_start3A_39 = arith.constant 2 : i32
    %dma_start3A_40 = arith.constant 0 : i32
    %dma_start3A_41 = arith.constant 0 : i32
    %dma_start3A_42 = tpu.memref_slice %arg6[%dma_start3A_39, %dma_start3A_40, %dma_start3A_41] : memref<8x2x64xi32, #tpu.memory_space<vmem>> -> memref<1x2x64xi32, #tpu.memory_space<vmem>>
    %dma_start3A_43 = tpu.memref_squeeze %dma_start3A_42 : memref<1x2x64xi32, #tpu.memory_space<vmem>> -> memref<2x64xi32, #tpu.memory_space<vmem>>
    %dma_start3A_44 = arith.constant 0 : i32
    %dma_start3A_45 = arith.constant 0 : i32
    %dma_start3A_46 = tpu.memref_slice %arg3[%add3A, %dma_start3A_38, %dma_start3A_44, %dma_start3A_45] : memref<32x160x2x64xi32, #tpu.memory_space<hbm>> -> memref<1x1x2x64xi32, #tpu.memory_space<hbm>>
    %dma_start3A_47 = tpu.memref_squeeze %dma_start3A_46 : memref<1x1x2x64xi32, #tpu.memory_space<hbm>> -> memref<2x64xi32, #tpu.memory_space<hbm>>
    %dma_start3A_48 = arith.constant 0 : i32
    %dma_start3A_49 = arith.constant 0 : i32
    %dma_start3A_50 = tpu.memref_slice %arg6[%dma_start3A_39, %dma_start3A_48, %dma_start3A_49] : memref<8x2x64xi32, #tpu.memory_space<vmem>> -> memref<1x2x64xi32, #tpu.memory_space<vmem>>
    %dma_start3A_51 = tpu.memref_squeeze %dma_start3A_50 : memref<1x2x64xi32, #tpu.memory_space<vmem>> -> memref<2x64xi32, #tpu.memory_space<vmem>>
    %dma_start3A_52 = arith.constant 0 : i32
    %dma_start3A_53 = arith.constant 0 : i32
    %dma_start3A_54 = tpu.memref_slice %arg3[%add3A, %dma_start3A_38, %dma_start3A_52, %dma_start3A_53] : memref<32x160x2x64xi32, #tpu.memory_space<hbm>> -> memref<1x1x2x64xi32, #tpu.memory_space<hbm>>
    %dma_start3A_55 = tpu.memref_squeeze %dma_start3A_54 : memref<1x1x2x64xi32, #tpu.memory_space<hbm>> -> memref<2x64xi32, #tpu.memory_space<hbm>>
    tpu.enqueue_dma source(%dma_start3A_55 : memref<2x64xi32, #tpu.memory_space<hbm>>) target(%dma_start3A_51 : memref<2x64xi32, #tpu.memory_space<vmem>>) target_semaphore(%arg18 : memref<!tpu.dma_semaphore, #tpu.memory_space<semaphore_mem>>)
    %dma_start3A_56 = arith.constant 3 : i32
    %dma_start3A_57 = arith.constant 3 : i32
    %dma_start3A_58 = arith.constant 0 : i32
    %dma_start3A_59 = arith.constant 0 : i32
    %dma_start3A_60 = tpu.memref_slice %arg6[%dma_start3A_57, %dma_start3A_58, %dma_start3A_59] : memref<8x2x64xi32, #tpu.memory_space<vmem>> -> memref<1x2x64xi32, #tpu.memory_space<vmem>>
    %dma_start3A_61 = tpu.memref_squeeze %dma_start3A_60 : memref<1x2x64xi32, #tpu.memory_space<vmem>> -> memref<2x64xi32, #tpu.memory_space<vmem>>
    %dma_start3A_62 = arith.constant 0 : i32
    %dma_start3A_63 = arith.constant 0 : i32
    %dma_start3A_64 = tpu.memref_slice %arg3[%add3A, %dma_start3A_56, %dma_start3A_62, %dma_start3A_63] : memref<32x160x2x64xi32, #tpu.memory_space<hbm>> -> memref<1x1x2x64xi32, #tpu.memory_space<hbm>>
    %dma_start3A_65 = tpu.memref_squeeze %dma_start3A_64 : memref<1x1x2x64xi32, #tpu.memory_space<hbm>> -> memref<2x64xi32, #tpu.memory_space<hbm>>
    %dma_start3A_66 = arith.constant 0 : i32
    %dma_start3A_67 = arith.constant 0 : i32
    %dma_start3A_68 = tpu.memref_slice %arg6[%dma_start3A_57, %dma_start3A_66, %dma_start3A_67] : memref<8x2x64xi32, #tpu.memory_space<vmem>> -> memref<1x2x64xi32, #tpu.memory_space<vmem>>
    %dma_start3A_69 = tpu.memref_squeeze %dma_start3A_68 : memref<1x2x64xi32, #tpu.memory_space<vmem>> -> memref<2x64xi32, #tpu.memory_space<vmem>>
    %dma_start3A_70 = arith.constant 0 : i32
    %dma_start3A_71 = arith.constant 0 : i32
    %dma_start3A_72 = tpu.memref_slice %arg3[%add3A, %dma_start3A_56, %dma_start3A_70, %dma_start3A_71] : memref<32x160x2x64xi32, #tpu.memory_space<hbm>> -> memref<1x1x2x64xi32, #tpu.memory_space<hbm>>
    %dma_start3A_73 = tpu.memref_squeeze %dma_start3A_72 : memref<1x1x2x64xi32, #tpu.memory_space<hbm>> -> memref<2x64xi32, #tpu.memory_space<hbm>>
    tpu.enqueue_dma source(%dma_start3A_73 : memref<2x64xi32, #tpu.memory_space<hbm>>) target(%dma_start3A_69 : memref<2x64xi32, #tpu.memory_space<vmem>>) target_semaphore(%arg19 : memref<!tpu.dma_semaphore, #tpu.memory_space<semaphore_mem>>)
    %dma_start3A_74 = arith.constant 4 : i32
    %dma_start3A_75 = arith.constant 4 : i32
    %dma_start3A_76 = arith.constant 0 : i32
    %dma_start3A_77 = arith.constant 0 : i32
    %dma_start3A_78 = tpu.memref_slice %arg6[%dma_start3A_75, %dma_start3A_76, %dma_start3A_77] : memref<8x2x64xi32, #tpu.memory_space<vmem>> -> memref<1x2x64xi32, #tpu.memory_space<vmem>>
    %dma_start3A_79 = tpu.memref_squeeze %dma_start3A_78 : memref<1x2x64xi32, #tpu.memory_space<vmem>> -> memref<2x64xi32, #tpu.memory_space<vmem>>
    %dma_start3A_80 = arith.constant 0 : i32
    %dma_start3A_81 = arith.constant 0 : i32
    %dma_start3A_82 = tpu.memref_slice %arg3[%add3A, %dma_start3A_74, %dma_start3A_80, %dma_start3A_81] : memref<32x160x2x64xi32, #tpu.memory_space<hbm>> -> memref<1x1x2x64xi32, #tpu.memory_space<hbm>>
    %dma_start3A_83 = tpu.memref_squeeze %dma_start3A_82 : memref<1x1x2x64xi32, #tpu.memory_space<hbm>> -> memref<2x64xi32, #tpu.memory_space<hbm>>
    %dma_start3A_84 = arith.constant 0 : i32
    %dma_start3A_85 = arith.constant 0 : i32
    %dma_start3A_86 = tpu.memref_slice %arg6[%dma_start3A_75, %dma_start3A_84, %dma_start3A_85] : memref<8x2x64xi32, #tpu.memory_space<vmem>> -> memref<1x2x64xi32, #tpu.memory_space<vmem>>
    %dma_start3A_87 = tpu.memref_squeeze %dma_start3A_86 : memref<1x2x64xi32, #tpu.memory_space<vmem>> -> memref<2x64xi32, #tpu.memory_space<vmem>>
    %dma_start3A_88 = arith.constant 0 : i32
    %dma_start3A_89 = arith.constant 0 : i32
    %dma_start3A_90 = tpu.memref_slice %arg3[%add3A, %dma_start3A_74, %dma_start3A_88, %dma_start3A_89] : memref<32x160x2x64xi32, #tpu.memory_space<hbm>> -> memref<1x1x2x64xi32, #tpu.memory_space<hbm>>
    %dma_start3A_91 = tpu.memref_squeeze %dma_start3A_90 : memref<1x1x2x64xi32, #tpu.memory_space<hbm>> -> memref<2x64xi32, #tpu.memory_space<hbm>>
    tpu.enqueue_dma source(%dma_start3A_91 : memref<2x64xi32, #tpu.memory_space<hbm>>) target(%dma_start3A_87 : memref<2x64xi32, #tpu.memory_space<vmem>>) target_semaphore(%arg20 : memref<!tpu.dma_semaphore, #tpu.memory_space<semaphore_mem>>)
    %dma_start3A_92 = arith.constant 5 : i32
    %dma_start3A_93 = arith.constant 5 : i32
    %dma_start3A_94 = arith.constant 0 : i32
    %dma_start3A_95 = arith.constant 0 : i32
    %dma_start3A_96 = tpu.memref_slice %arg6[%dma_start3A_93, %dma_start3A_94, %dma_start3A_95] : memref<8x2x64xi32, #tpu.memory_space<vmem>> -> memref<1x2x64xi32, #tpu.memory_space<vmem>>
    %dma_start3A_97 = tpu.memref_squeeze %dma_start3A_96 : memref<1x2x64xi32, #tpu.memory_space<vmem>> -> memref<2x64xi32, #tpu.memory_space<vmem>>
    %dma_start3A_98 = arith.constant 0 : i32
    %dma_start3A_99 = arith.constant 0 : i32
    %dma_start3A_100 = tpu.memref_slice %arg3[%add3A, %dma_start3A_92, %dma_start3A_98, %dma_start3A_99] : memref<32x160x2x64xi32, #tpu.memory_space<hbm>> -> memref<1x1x2x64xi32, #tpu.memory_space<hbm>>
    %dma_start3A_101 = tpu.memref_squeeze %dma_start3A_100 : memref<1x1x2x64xi32, #tpu.memory_space<hbm>> -> memref<2x64xi32, #tpu.memory_space<hbm>>
    %dma_start3A_102 = arith.constant 0 : i32
    %dma_start3A_103 = arith.constant 0 : i32
    %dma_start3A_104 = tpu.memref_slice %arg6[%dma_start3A_93, %dma_start3A_102, %dma_start3A_103] : memref<8x2x64xi32, #tpu.memory_space<vmem>> -> memref<1x2x64xi32, #tpu.memory_space<vmem>>
    %dma_start3A_105 = tpu.memref_squeeze %dma_start3A_104 : memref<1x2x64xi32, #tpu.memory_space<vmem>> -> memref<2x64xi32, #tpu.memory_space<vmem>>
    %dma_start3A_106 = arith.constant 0 : i32
    %dma_start3A_107 = arith.constant 0 : i32
    %dma_start3A_108 = tpu.memref_slice %arg3[%add3A, %dma_start3A_92, %dma_start3A_106, %dma_start3A_107] : memref<32x160x2x64xi32, #tpu.memory_space<hbm>> -> memref<1x1x2x64xi32, #tpu.memory_space<hbm>>
    %dma_start3A_109 = tpu.memref_squeeze %dma_start3A_108 : memref<1x1x2x64xi32, #tpu.memory_space<hbm>> -> memref<2x64xi32, #tpu.memory_space<hbm>>
    tpu.enqueue_dma source(%dma_start3A_109 : memref<2x64xi32, #tpu.memory_space<hbm>>) target(%dma_start3A_105 : memref<2x64xi32, #tpu.memory_space<vmem>>) target_semaphore(%arg21 : memref<!tpu.dma_semaphore, #tpu.memory_space<semaphore_mem>>)
    %dma_start3A_110 = arith.constant 6 : i32
    %dma_start3A_111 = arith.constant 6 : i32
    %dma_start3A_112 = arith.constant 0 : i32
    %dma_start3A_113 = arith.constant 0 : i32
    %dma_start3A_114 = tpu.memref_slice %arg6[%dma_start3A_111, %dma_start3A_112, %dma_start3A_113] : memref<8x2x64xi32, #tpu.memory_space<vmem>> -> memref<1x2x64xi32, #tpu.memory_space<vmem>>
    %dma_start3A_115 = tpu.memref_squeeze %dma_start3A_114 : memref<1x2x64xi32, #tpu.memory_space<vmem>> -> memref<2x64xi32, #tpu.memory_space<vmem>>
    %dma_start3A_116 = arith.constant 0 : i32
    %dma_start3A_117 = arith.constant 0 : i32
    %dma_start3A_118 = tpu.memref_slice %arg3[%add3A, %dma_start3A_110, %dma_start3A_116, %dma_start3A_117] : memref<32x160x2x64xi32, #tpu.memory_space<hbm>> -> memref<1x1x2x64xi32, #tpu.memory_space<hbm>>
    %dma_start3A_119 = tpu.memref_squeeze %dma_start3A_118 : memref<1x1x2x64xi32, #tpu.memory_space<hbm>> -> memref<2x64xi32, #tpu.memory_space<hbm>>
    %dma_start3A_120 = arith.constant 0 : i32
    %dma_start3A_121 = arith.constant 0 : i32
    %dma_start3A_122 = tpu.memref_slice %arg6[%dma_start3A_111, %dma_start3A_120, %dma_start3A_121] : memref<8x2x64xi32, #tpu.memory_space<vmem>> -> memref<1x2x64xi32, #tpu.memory_space<vmem>>
    %dma_start3A_123 = tpu.memref_squeeze %dma_start3A_122 : memref<1x2x64xi32, #tpu.memory_space<vmem>> -> memref<2x64xi32, #tpu.memory_space<vmem>>
    %dma_start3A_124 = arith.constant 0 : i32
    %dma_start3A_125 = arith.constant 0 : i32
    %dma_start3A_126 = tpu.memref_slice %arg3[%add3A, %dma_start3A_110, %dma_start3A_124, %dma_start3A_125] : memref<32x160x2x64xi32, #tpu.memory_space<hbm>> -> memref<1x1x2x64xi32, #tpu.memory_space<hbm>>
    %dma_start3A_127 = tpu.memref_squeeze %dma_start3A_126 : memref<1x1x2x64xi32, #tpu.memory_space<hbm>> -> memref<2x64xi32, #tpu.memory_space<hbm>>
    tpu.enqueue_dma source(%dma_start3A_127 : memref<2x64xi32, #tpu.memory_space<hbm>>) target(%dma_start3A_123 : memref<2x64xi32, #tpu.memory_space<vmem>>) target_semaphore(%arg22 : memref<!tpu.dma_semaphore, #tpu.memory_space<semaphore_mem>>)
    %dma_wait3A = arith.constant 0 : i32
    %dma_wait3A_128 = arith.constant 0 : i32
    %dma_wait3A_129 = arith.constant 0 : i32
    %dma_wait3A_130 = arith.constant 0 : i32
    %dma_wait3A_131 = tpu.memref_slice %arg6[%dma_wait3A_128, %dma_wait3A_129, %dma_wait3A_130] : memref<8x2x64xi32, #tpu.memory_space<vmem>> -> memref<1x2x64xi32, #tpu.memory_space<vmem>>
    %dma_wait3A_132 = tpu.memref_squeeze %dma_wait3A_131 : memref<1x2x64xi32, #tpu.memory_space<vmem>> -> memref<2x64xi32, #tpu.memory_space<vmem>>
    %dma_wait3A_133 = arith.constant 0 : i32
    %dma_wait3A_134 = arith.constant 0 : i32
    %dma_wait3A_135 = tpu.memref_slice %arg3[%add3A, %dma_wait3A, %dma_wait3A_133, %dma_wait3A_134] : memref<32x160x2x64xi32, #tpu.memory_space<hbm>> -> memref<1x1x2x64xi32, #tpu.memory_space<hbm>>
    %dma_wait3A_136 = tpu.memref_squeeze %dma_wait3A_135 : memref<1x1x2x64xi32, #tpu.memory_space<hbm>> -> memref<2x64xi32, #tpu.memory_space<hbm>>
    %dma_wait3A_137 = arith.constant 0 : i32
    %dma_wait3A_138 = arith.constant 0 : i32
    %dma_wait3A_139 = tpu.memref_slice %arg6[%dma_wait3A_128, %dma_wait3A_137, %dma_wait3A_138] : memref<8x2x64xi32, #tpu.memory_space<vmem>> -> memref<1x2x64xi32, #tpu.memory_space<vmem>>
    %dma_wait3A_140 = tpu.memref_squeeze %dma_wait3A_139 : memref<1x2x64xi32, #tpu.memory_space<vmem>> -> memref<2x64xi32, #tpu.memory_space<vmem>>
    %dma_wait3A_141 = arith.constant 0 : i32
    %dma_wait3A_142 = arith.constant 0 : i32
    %dma_wait3A_143 = tpu.memref_slice %arg3[%add3A, %dma_wait3A, %dma_wait3A_141, %dma_wait3A_142] : memref<32x160x2x64xi32, #tpu.memory_space<hbm>> -> memref<1x1x2x64xi32, #tpu.memory_space<hbm>>
    %dma_wait3A_144 = tpu.memref_squeeze %dma_wait3A_143 : memref<1x1x2x64xi32, #tpu.memory_space<hbm>> -> memref<2x64xi32, #tpu.memory_space<hbm>>
    tpu.wait_dma2 semaphore(%arg16 : memref<!tpu.dma_semaphore, #tpu.memory_space<semaphore_mem>>) src(%dma_wait3A_144 : memref<2x64xi32, #tpu.memory_space<hbm>>) dst(%dma_wait3A_140 : memref<2x64xi32, #tpu.memory_space<vmem>>)
    %dma_start3A_145 = arith.constant 0 : i32
    %dma_start3A_146 = arith.constant 0 : i32
    %dma_start3A_147 = arith.constant 0 : i32
    %dma_start3A_148 = arith.constant 0 : i32
    %dma_start3A_149 = tpu.memref_slice %arg6[%dma_start3A_145, %dma_start3A_147, %dma_start3A_148] : memref<8x2x64xi32, #tpu.memory_space<vmem>> -> memref<1x2x64xi32, #tpu.memory_space<vmem>>
    %dma_start3A_150 = tpu.memref_squeeze %dma_start3A_149 : memref<1x2x64xi32, #tpu.memory_space<vmem>> -> memref<2x64xi32, #tpu.memory_space<vmem>>
    %dma_start3A_151 = arith.constant 0 : i32
    %dma_start3A_152 = tpu.memref_slice %dma_start3A_150[%dma_start3A_146, %dma_start3A_151] : memref<2x64xi32, #tpu.memory_space<vmem>> -> memref<1x64xi32, #tpu.memory_space<vmem>>
    %dma_start3A_153 = tpu.memref_squeeze %dma_start3A_152 : memref<1x64xi32, #tpu.memory_space<vmem>> -> memref<64xi32, #tpu.memory_space<vmem>>
    %dma_start3A_154 = arith.constant 0 : i32
    %dma_start3A_155 = arith.constant 0 : i32
    %dma_start3A_156 = tpu.memref_slice %arg2[%dma_start3A_154, %dma_start3A_155] : memref<10240x128xf32, #tpu.memory_space<hbm>> -> memref<10240x128xf32, #tpu.memory_space<hbm>>
    tpu.enqueue_indirect_dma source(%dma_start3A_156 : memref<10240x128xf32, #tpu.memory_space<hbm>>) target(%arg7 : memref<64x128xf32, #tpu.memory_space<vmem>>) offsets(%dma_start3A_153 : memref<64xi32, #tpu.memory_space<vmem>>) semaphore(%arg12 : memref<!tpu.dma_semaphore, #tpu.memory_space<semaphore_mem>>)
    %dma_wait3A_157 = arith.constant 1 : i32
    %dma_wait3A_158 = arith.constant 1 : i32
    %dma_wait3A_159 = arith.constant 0 : i32
    %dma_wait3A_160 = arith.constant 0 : i32
    %dma_wait3A_161 = tpu.memref_slice %arg6[%dma_wait3A_158, %dma_wait3A_159, %dma_wait3A_160] : memref<8x2x64xi32, #tpu.memory_space<vmem>> -> memref<1x2x64xi32, #tpu.memory_space<vmem>>
    %dma_wait3A_162 = tpu.memref_squeeze %dma_wait3A_161 : memref<1x2x64xi32, #tpu.memory_space<vmem>> -> memref<2x64xi32, #tpu.memory_space<vmem>>
    %dma_wait3A_163 = arith.constant 0 : i32
    %dma_wait3A_164 = arith.constant 0 : i32
    %dma_wait3A_165 = tpu.memref_slice %arg3[%add3A, %dma_wait3A_157, %dma_wait3A_163, %dma_wait3A_164] : memref<32x160x2x64xi32, #tpu.memory_space<hbm>> -> memref<1x1x2x64xi32, #tpu.memory_space<hbm>>
    %dma_wait3A_166 = tpu.memref_squeeze %dma_wait3A_165 : memref<1x1x2x64xi32, #tpu.memory_space<hbm>> -> memref<2x64xi32, #tpu.memory_space<hbm>>
    %dma_wait3A_167 = arith.constant 0 : i32
    %dma_wait3A_168 = arith.constant 0 : i32
    %dma_wait3A_169 = tpu.memref_slice %arg6[%dma_wait3A_158, %dma_wait3A_167, %dma_wait3A_168] : memref<8x2x64xi32, #tpu.memory_space<vmem>> -> memref<1x2x64xi32, #tpu.memory_space<vmem>>
    %dma_wait3A_170 = tpu.memref_squeeze %dma_wait3A_169 : memref<1x2x64xi32, #tpu.memory_space<vmem>> -> memref<2x64xi32, #tpu.memory_space<vmem>>
    %dma_wait3A_171 = arith.constant 0 : i32
    %dma_wait3A_172 = arith.constant 0 : i32
    %dma_wait3A_173 = tpu.memref_slice %arg3[%add3A, %dma_wait3A_157, %dma_wait3A_171, %dma_wait3A_172] : memref<32x160x2x64xi32, #tpu.memory_space<hbm>> -> memref<1x1x2x64xi32, #tpu.memory_space<hbm>>
    %dma_wait3A_174 = tpu.memref_squeeze %dma_wait3A_173 : memref<1x1x2x64xi32, #tpu.memory_space<hbm>> -> memref<2x64xi32, #tpu.memory_space<hbm>>
    tpu.wait_dma2 semaphore(%arg17 : memref<!tpu.dma_semaphore, #tpu.memory_space<semaphore_mem>>) src(%dma_wait3A_174 : memref<2x64xi32, #tpu.memory_space<hbm>>) dst(%dma_wait3A_170 : memref<2x64xi32, #tpu.memory_space<vmem>>)
    %dma_start3A_175 = arith.constant 1 : i32
    %dma_start3A_176 = arith.constant 0 : i32
    %dma_start3A_177 = arith.constant 0 : i32
    %dma_start3A_178 = arith.constant 0 : i32
    %dma_start3A_179 = tpu.memref_slice %arg6[%dma_start3A_175, %dma_start3A_177, %dma_start3A_178] : memref<8x2x64xi32, #tpu.memory_space<vmem>> -> memref<1x2x64xi32, #tpu.memory_space<vmem>>
    %dma_start3A_180 = tpu.memref_squeeze %dma_start3A_179 : memref<1x2x64xi32, #tpu.memory_space<vmem>> -> memref<2x64xi32, #tpu.memory_space<vmem>>
    %dma_start3A_181 = arith.constant 0 : i32
    %dma_start3A_182 = tpu.memref_slice %dma_start3A_180[%dma_start3A_176, %dma_start3A_181] : memref<2x64xi32, #tpu.memory_space<vmem>> -> memref<1x64xi32, #tpu.memory_space<vmem>>
    %dma_start3A_183 = tpu.memref_squeeze %dma_start3A_182 : memref<1x64xi32, #tpu.memory_space<vmem>> -> memref<64xi32, #tpu.memory_space<vmem>>
    %dma_start3A_184 = arith.constant 0 : i32
    %dma_start3A_185 = arith.constant 0 : i32
    %dma_start3A_186 = tpu.memref_slice %arg2[%dma_start3A_184, %dma_start3A_185] : memref<10240x128xf32, #tpu.memory_space<hbm>> -> memref<10240x128xf32, #tpu.memory_space<hbm>>
    tpu.enqueue_indirect_dma source(%dma_start3A_186 : memref<10240x128xf32, #tpu.memory_space<hbm>>) target(%arg8 : memref<64x128xf32, #tpu.memory_space<vmem>>) offsets(%dma_start3A_183 : memref<64xi32, #tpu.memory_space<vmem>>) semaphore(%arg13 : memref<!tpu.dma_semaphore, #tpu.memory_space<semaphore_mem>>)
    %dma_wait3A_187 = arith.constant 2 : i32
    %dma_wait3A_188 = arith.constant 2 : i32
    %dma_wait3A_189 = arith.constant 0 : i32
    %dma_wait3A_190 = arith.constant 0 : i32
    %dma_wait3A_191 = tpu.memref_slice %arg6[%dma_wait3A_188, %dma_wait3A_189, %dma_wait3A_190] : memref<8x2x64xi32, #tpu.memory_space<vmem>> -> memref<1x2x64xi32, #tpu.memory_space<vmem>>
    %dma_wait3A_192 = tpu.memref_squeeze %dma_wait3A_191 : memref<1x2x64xi32, #tpu.memory_space<vmem>> -> memref<2x64xi32, #tpu.memory_space<vmem>>
    %dma_wait3A_193 = arith.constant 0 : i32
    %dma_wait3A_194 = arith.constant 0 : i32
    %dma_wait3A_195 = tpu.memref_slice %arg3[%add3A, %dma_wait3A_187, %dma_wait3A_193, %dma_wait3A_194] : memref<32x160x2x64xi32, #tpu.memory_space<hbm>> -> memref<1x1x2x64xi32, #tpu.memory_space<hbm>>
    %dma_wait3A_196 = tpu.memref_squeeze %dma_wait3A_195 : memref<1x1x2x64xi32, #tpu.memory_space<hbm>> -> memref<2x64xi32, #tpu.memory_space<hbm>>
    %dma_wait3A_197 = arith.constant 0 : i32
    %dma_wait3A_198 = arith.constant 0 : i32
    %dma_wait3A_199 = tpu.memref_slice %arg6[%dma_wait3A_188, %dma_wait3A_197, %dma_wait3A_198] : memref<8x2x64xi32, #tpu.memory_space<vmem>> -> memref<1x2x64xi32, #tpu.memory_space<vmem>>
    %dma_wait3A_200 = tpu.memref_squeeze %dma_wait3A_199 : memref<1x2x64xi32, #tpu.memory_space<vmem>> -> memref<2x64xi32, #tpu.memory_space<vmem>>
    %dma_wait3A_201 = arith.constant 0 : i32
    %dma_wait3A_202 = arith.constant 0 : i32
    %dma_wait3A_203 = tpu.memref_slice %arg3[%add3A, %dma_wait3A_187, %dma_wait3A_201, %dma_wait3A_202] : memref<32x160x2x64xi32, #tpu.memory_space<hbm>> -> memref<1x1x2x64xi32, #tpu.memory_space<hbm>>
    %dma_wait3A_204 = tpu.memref_squeeze %dma_wait3A_203 : memref<1x1x2x64xi32, #tpu.memory_space<hbm>> -> memref<2x64xi32, #tpu.memory_space<hbm>>
    tpu.wait_dma2 semaphore(%arg18 : memref<!tpu.dma_semaphore, #tpu.memory_space<semaphore_mem>>) src(%dma_wait3A_204 : memref<2x64xi32, #tpu.memory_space<hbm>>) dst(%dma_wait3A_200 : memref<2x64xi32, #tpu.memory_space<vmem>>)
    %dma_start3A_205 = arith.constant 2 : i32
    %dma_start3A_206 = arith.constant 0 : i32
    %dma_start3A_207 = arith.constant 0 : i32
    %dma_start3A_208 = arith.constant 0 : i32
    %dma_start3A_209 = tpu.memref_slice %arg6[%dma_start3A_205, %dma_start3A_207, %dma_start3A_208] : memref<8x2x64xi32, #tpu.memory_space<vmem>> -> memref<1x2x64xi32, #tpu.memory_space<vmem>>
    %dma_start3A_210 = tpu.memref_squeeze %dma_start3A_209 : memref<1x2x64xi32, #tpu.memory_space<vmem>> -> memref<2x64xi32, #tpu.memory_space<vmem>>
    %dma_start3A_211 = arith.constant 0 : i32
    %dma_start3A_212 = tpu.memref_slice %dma_start3A_210[%dma_start3A_206, %dma_start3A_211] : memref<2x64xi32, #tpu.memory_space<vmem>> -> memref<1x64xi32, #tpu.memory_space<vmem>>
    %dma_start3A_213 = tpu.memref_squeeze %dma_start3A_212 : memref<1x64xi32, #tpu.memory_space<vmem>> -> memref<64xi32, #tpu.memory_space<vmem>>
    %dma_start3A_214 = arith.constant 0 : i32
    %dma_start3A_215 = arith.constant 0 : i32
    %dma_start3A_216 = tpu.memref_slice %arg2[%dma_start3A_214, %dma_start3A_215] : memref<10240x128xf32, #tpu.memory_space<hbm>> -> memref<10240x128xf32, #tpu.memory_space<hbm>>
    tpu.enqueue_indirect_dma source(%dma_start3A_216 : memref<10240x128xf32, #tpu.memory_space<hbm>>) target(%arg9 : memref<64x128xf32, #tpu.memory_space<vmem>>) offsets(%dma_start3A_213 : memref<64xi32, #tpu.memory_space<vmem>>) semaphore(%arg14 : memref<!tpu.dma_semaphore, #tpu.memory_space<semaphore_mem>>)
    %scan3A = arith.constant 0 : i32
    %scan3A_217 = arith.constant 0 : i32
    %scan3A_218 = arith.constant 20 : i32
    %scan3A_219 = arith.addi %scan3A_217, %scan3A_218 : i32
    %scan3A_220 = arith.constant 1 : i32
    scf.for %scan3A_335 = %scan3A_217 to %scan3A_219 step %scan3A_220  : i32 {
      %mul3A_336 = arith.constant 8 : i32
      %mul3A_337 = arith.muli %mul3A_336, %scan3A_335 : i32
      %add3A_338 = arith.constant 0 : i32
      %add3A_339 = arith.addi %mul3A_337, %add3A_338 : i32
      %dma_wait3A_340 = arith.constant 3 : i32
      %dma_wait3A_341 = arith.constant 0 : i32
      %dma_wait3A_342 = arith.constant 0 : i32
      %dma_wait3A_343 = arith.constant 0 : i32
      %dma_wait3A_344 = tpu.memref_slice %arg6[%dma_wait3A_340, %dma_wait3A_342, %dma_wait3A_343] : memref<8x2x64xi32, #tpu.memory_space<vmem>> -> memref<1x2x64xi32, #tpu.memory_space<vmem>>
      %dma_wait3A_345 = tpu.memref_squeeze %dma_wait3A_344 : memref<1x2x64xi32, #tpu.memory_space<vmem>> -> memref<2x64xi32, #tpu.memory_space<vmem>>
      %dma_wait3A_346 = arith.constant 0 : i32
      %dma_wait3A_347 = tpu.memref_slice %dma_wait3A_345[%dma_wait3A_341, %dma_wait3A_346] : memref<2x64xi32, #tpu.memory_space<vmem>> -> memref<1x64xi32, #tpu.memory_space<vmem>>
      %dma_wait3A_348 = tpu.memref_squeeze %dma_wait3A_347 : memref<1x64xi32, #tpu.memory_space<vmem>> -> memref<64xi32, #tpu.memory_space<vmem>>
      %dma_wait3A_349 = arith.constant 0 : i32
      %dma_wait3A_350 = arith.constant 0 : i32
      %dma_wait3A_351 = tpu.memref_slice %arg2[%dma_wait3A_349, %dma_wait3A_350] : memref<10240x128xf32, #tpu.memory_space<hbm>> -> memref<10240x128xf32, #tpu.memory_space<hbm>>
      tpu.wait_indirect_dma semaphore(%arg12 : memref<!tpu.dma_semaphore, #tpu.memory_space<semaphore_mem>>) src(%dma_wait3A_351 : memref<10240x128xf32, #tpu.memory_space<hbm>>) dst(%arg7 : memref<64x128xf32, #tpu.memory_space<vmem>>)
      %run_scoped3A = arith.constant 0 : i32
      %run_scoped3A_352 = arith.constant 1 : i32
      "tpu.region"() ({
        %run_scoped3A_872 = tpu.sem_alloc : memref<!tpu.dma_semaphore, #tpu.memory_space<semaphore_mem>>
        %dma_start3A_873 = arith.constant 0 : i32
        %dma_start3A_874 = arith.constant 0 : i32
        %dma_start3A_875 = tpu.memref_slice %arg6[%run_scoped3A, %dma_start3A_873, %dma_start3A_874] : memref<8x2x64xi32, #tpu.memory_space<vmem>> -> memref<1x2x64xi32, #tpu.memory_space<vmem>>
        %dma_start3A_876 = tpu.memref_squeeze %dma_start3A_875 : memref<1x2x64xi32, #tpu.memory_space<vmem>> -> memref<2x64xi32, #tpu.memory_space<vmem>>
        %dma_start3A_877 = arith.constant 0 : i32
        %dma_start3A_878 = tpu.memref_slice %dma_start3A_876[%run_scoped3A_352, %dma_start3A_877] : memref<2x64xi32, #tpu.memory_space<vmem>> -> memref<1x64xi32, #tpu.memory_space<vmem>>
        %dma_start3A_879 = tpu.memref_squeeze %dma_start3A_878 : memref<1x64xi32, #tpu.memory_space<vmem>> -> memref<64xi32, #tpu.memory_space<vmem>>
        %dma_start3A_880 = arith.constant 0 : i32
        %dma_start3A_881 = arith.constant 0 : i32
        %dma_start3A_882 = tpu.memref_slice %arg11[%dma_start3A_880, %dma_start3A_881] : memref<10240x128xf32, #tpu.memory_space<vmem_shared>> -> memref<10240x128xf32, #tpu.memory_space<vmem_shared>>
        tpu.enqueue_indirect_dma source(%arg7 : memref<64x128xf32, #tpu.memory_space<vmem>>) target(%dma_start3A_882 : memref<10240x128xf32, #tpu.memory_space<vmem_shared>>) offsets(%dma_start3A_879 : memref<64xi32, #tpu.memory_space<vmem>>) semaphore(%run_scoped3A_872 : memref<!tpu.dma_semaphore, #tpu.memory_space<semaphore_mem>>) {add = true}
        %dma_wait3A_883 = arith.constant 0 : i32
        %dma_wait3A_884 = arith.constant 0 : i32
        %dma_wait3A_885 = tpu.memref_slice %arg6[%run_scoped3A, %dma_wait3A_883, %dma_wait3A_884] : memref<8x2x64xi32, #tpu.memory_space<vmem>> -> memref<1x2x64xi32, #tpu.memory_space<vmem>>
        %dma_wait3A_886 = tpu.memref_squeeze %dma_wait3A_885 : memref<1x2x64xi32, #tpu.memory_space<vmem>> -> memref<2x64xi32, #tpu.memory_space<vmem>>
        %dma_wait3A_887 = arith.constant 0 : i32
        %dma_wait3A_888 = tpu.memref_slice %dma_wait3A_886[%run_scoped3A_352, %dma_wait3A_887] : memref<2x64xi32, #tpu.memory_space<vmem>> -> memref<1x64xi32, #tpu.memory_space<vmem>>
        %dma_wait3A_889 = tpu.memref_squeeze %dma_wait3A_888 : memref<1x64xi32, #tpu.memory_space<vmem>> -> memref<64xi32, #tpu.memory_space<vmem>>
        %dma_wait3A_890 = arith.constant 0 : i32
        %dma_wait3A_891 = arith.constant 0 : i32
        %dma_wait3A_892 = tpu.memref_slice %arg11[%dma_wait3A_890, %dma_wait3A_891] : memref<10240x128xf32, #tpu.memory_space<vmem_shared>> -> memref<10240x128xf32, #tpu.memory_space<vmem_shared>>
        tpu.wait_indirect_dma semaphore(%run_scoped3A_872 : memref<!tpu.dma_semaphore, #tpu.memory_space<semaphore_mem>>) src(%arg7 : memref<64x128xf32, #tpu.memory_space<vmem>>) dst(%dma_wait3A_892 : memref<10240x128xf32, #tpu.memory_space<vmem_shared>>)
        tpu.yield
      }) : () -> ()
      %add3A_353 = arith.constant 7 : i32
      %add3A_354 = arith.addi %add3A_339, %add3A_353 : i32
      %min3A = arith.constant 159 : i32
      %min3A_355 = arith.minsi %add3A_354, %min3A : i32
      %dma_start3A_356 = arith.constant 7 : i32
      %dma_start3A_357 = arith.constant 0 : i32
      %dma_start3A_358 = arith.constant 0 : i32
      %dma_start3A_359 = tpu.memref_slice %arg6[%dma_start3A_356, %dma_start3A_357, %dma_start3A_358] : memref<8x2x64xi32, #tpu.memory_space<vmem>> -> memref<1x2x64xi32, #tpu.memory_space<vmem>>
      %dma_start3A_360 = tpu.memref_squeeze %dma_start3A_359 : memref<1x2x64xi32, #tpu.memory_space<vmem>> -> memref<2x64xi32, #tpu.memory_space<vmem>>
      %dma_start3A_361 = arith.constant 0 : i32
      %dma_start3A_362 = arith.constant 0 : i32
      %dma_start3A_363 = tpu.memref_slice %arg3[%add3A, %min3A_355, %dma_start3A_361, %dma_start3A_362] : memref<32x160x2x64xi32, #tpu.memory_space<hbm>> -> memref<1x1x2x64xi32, #tpu.memory_space<hbm>>
      %dma_start3A_364 = tpu.memref_squeeze %dma_start3A_363 : memref<1x1x2x64xi32, #tpu.memory_space<hbm>> -> memref<2x64xi32, #tpu.memory_space<hbm>>
      %dma_start3A_365 = arith.constant 0 : i32
      %dma_start3A_366 = arith.constant 0 : i32
      %dma_start3A_367 = tpu.memref_slice %arg6[%dma_start3A_356, %dma_start3A_365, %dma_start3A_366] : memref<8x2x64xi32, #tpu.memory_space<vmem>> -> memref<1x2x64xi32, #tpu.memory_space<vmem>>
      %dma_start3A_368 = tpu.memref_squeeze %dma_start3A_367 : memref<1x2x64xi32, #tpu.memory_space<vmem>> -> memref<2x64xi32, #tpu.memory_space<vmem>>
      %dma_start3A_369 = arith.constant 0 : i32
      %dma_start3A_370 = arith.constant 0 : i32
      %dma_start3A_371 = tpu.memref_slice %arg3[%add3A, %min3A_355, %dma_start3A_369, %dma_start3A_370] : memref<32x160x2x64xi32, #tpu.memory_space<hbm>> -> memref<1x1x2x64xi32, #tpu.memory_space<hbm>>
      %dma_start3A_372 = tpu.memref_squeeze %dma_start3A_371 : memref<1x1x2x64xi32, #tpu.memory_space<hbm>> -> memref<2x64xi32, #tpu.memory_space<hbm>>
      tpu.enqueue_dma source(%dma_start3A_372 : memref<2x64xi32, #tpu.memory_space<hbm>>) target(%dma_start3A_368 : memref<2x64xi32, #tpu.memory_space<vmem>>) target_semaphore(%arg23 : memref<!tpu.dma_semaphore, #tpu.memory_space<semaphore_mem>>)
      %dma_wait3A_373 = arith.constant 0 : i32
      %dma_wait3A_374 = arith.constant 3 : i32
      %dma_wait3A_375 = arith.constant 0 : i32
      %dma_wait3A_376 = arith.constant 0 : i32
      %dma_wait3A_377 = tpu.memref_slice %arg6[%dma_wait3A_374, %dma_wait3A_375, %dma_wait3A_376] : memref<8x2x64xi32, #tpu.memory_space<vmem>> -> memref<1x2x64xi32, #tpu.memory_space<vmem>>
      %dma_wait3A_378 = tpu.memref_squeeze %dma_wait3A_377 : memref<1x2x64xi32, #tpu.memory_space<vmem>> -> memref<2x64xi32, #tpu.memory_space<vmem>>
      %dma_wait3A_379 = arith.constant 0 : i32
      %dma_wait3A_380 = arith.constant 0 : i32
      %dma_wait3A_381 = tpu.memref_slice %arg3[%add3A, %dma_wait3A_373, %dma_wait3A_379, %dma_wait3A_380] : memref<32x160x2x64xi32, #tpu.memory_space<hbm>> -> memref<1x1x2x64xi32, #tpu.memory_space<hbm>>
      %dma_wait3A_382 = tpu.memref_squeeze %dma_wait3A_381 : memref<1x1x2x64xi32, #tpu.memory_space<hbm>> -> memref<2x64xi32, #tpu.memory_space<hbm>>
      %dma_wait3A_383 = arith.constant 0 : i32
      %dma_wait3A_384 = arith.constant 0 : i32
      %dma_wait3A_385 = tpu.memref_slice %arg6[%dma_wait3A_374, %dma_wait3A_383, %dma_wait3A_384] : memref<8x2x64xi32, #tpu.memory_space<vmem>> -> memref<1x2x64xi32, #tpu.memory_space<vmem>>
      %dma_wait3A_386 = tpu.memref_squeeze %dma_wait3A_385 : memref<1x2x64xi32, #tpu.memory_space<vmem>> -> memref<2x64xi32, #tpu.memory_space<vmem>>
      %dma_wait3A_387 = arith.constant 0 : i32
      %dma_wait3A_388 = arith.constant 0 : i32
      %dma_wait3A_389 = tpu.memref_slice %arg3[%add3A, %dma_wait3A_373, %dma_wait3A_387, %dma_wait3A_388] : memref<32x160x2x64xi32, #tpu.memory_space<hbm>> -> memref<1x1x2x64xi32, #tpu.memory_space<hbm>>
      %dma_wait3A_390 = tpu.memref_squeeze %dma_wait3A_389 : memref<1x1x2x64xi32, #tpu.memory_space<hbm>> -> memref<2x64xi32, #tpu.memory_space<hbm>>
      tpu.wait_dma2 semaphore(%arg19 : memref<!tpu.dma_semaphore, #tpu.memory_space<semaphore_mem>>) src(%dma_wait3A_390 : memref<2x64xi32, #tpu.memory_space<hbm>>) dst(%dma_wait3A_386 : memref<2x64xi32, #tpu.memory_space<vmem>>)
      %dma_start3A_391 = arith.constant 3 : i32
      %dma_start3A_392 = arith.constant 0 : i32
      %dma_start3A_393 = arith.constant 0 : i32
      %dma_start3A_394 = arith.constant 0 : i32
      %dma_start3A_395 = tpu.memref_slice %arg6[%dma_start3A_391, %dma_start3A_393, %dma_start3A_394] : memref<8x2x64xi32, #tpu.memory_space<vmem>> -> memref<1x2x64xi32, #tpu.memory_space<vmem>>
      %dma_start3A_396 = tpu.memref_squeeze %dma_start3A_395 : memref<1x2x64xi32, #tpu.memory_space<vmem>> -> memref<2x64xi32, #tpu.memory_space<vmem>>
      %dma_start3A_397 = arith.constant 0 : i32
      %dma_start3A_398 = tpu.memref_slice %dma_start3A_396[%dma_start3A_392, %dma_start3A_397] : memref<2x64xi32, #tpu.memory_space<vmem>> -> memref<1x64xi32, #tpu.memory_space<vmem>>
      %dma_start3A_399 = tpu.memref_squeeze %dma_start3A_398 : memref<1x64xi32, #tpu.memory_space<vmem>> -> memref<64xi32, #tpu.memory_space<vmem>>
      %dma_start3A_400 = arith.constant 0 : i32
      %dma_start3A_401 = arith.constant 0 : i32
      %dma_start3A_402 = tpu.memref_slice %arg2[%dma_start3A_400, %dma_start3A_401] : memref<10240x128xf32, #tpu.memory_space<hbm>> -> memref<10240x128xf32, #tpu.memory_space<hbm>>
      tpu.enqueue_indirect_dma source(%dma_start3A_402 : memref<10240x128xf32, #tpu.memory_space<hbm>>) target(%arg10 : memref<64x128xf32, #tpu.memory_space<vmem>>) offsets(%dma_start3A_399 : memref<64xi32, #tpu.memory_space<vmem>>) semaphore(%arg15 : memref<!tpu.dma_semaphore, #tpu.memory_space<semaphore_mem>>)
      %add3A_403 = arith.constant 1 : i32
      %add3A_404 = arith.addi %mul3A_337, %add3A_403 : i32
      %dma_wait3A_405 = arith.constant 4 : i32
      %dma_wait3A_406 = arith.constant 0 : i32
      %dma_wait3A_407 = arith.constant 0 : i32
      %dma_wait3A_408 = arith.constant 0 : i32
      %dma_wait3A_409 = tpu.memref_slice %arg6[%dma_wait3A_405, %dma_wait3A_407, %dma_wait3A_408] : memref<8x2x64xi32, #tpu.memory_space<vmem>> -> memref<1x2x64xi32, #tpu.memory_space<vmem>>
      %dma_wait3A_410 = tpu.memref_squeeze %dma_wait3A_409 : memref<1x2x64xi32, #tpu.memory_space<vmem>> -> memref<2x64xi32, #tpu.memory_space<vmem>>
      %dma_wait3A_411 = arith.constant 0 : i32
      %dma_wait3A_412 = tpu.memref_slice %dma_wait3A_410[%dma_wait3A_406, %dma_wait3A_411] : memref<2x64xi32, #tpu.memory_space<vmem>> -> memref<1x64xi32, #tpu.memory_space<vmem>>
      %dma_wait3A_413 = tpu.memref_squeeze %dma_wait3A_412 : memref<1x64xi32, #tpu.memory_space<vmem>> -> memref<64xi32, #tpu.memory_space<vmem>>
      %dma_wait3A_414 = arith.constant 0 : i32
      %dma_wait3A_415 = arith.constant 0 : i32
      %dma_wait3A_416 = tpu.memref_slice %arg2[%dma_wait3A_414, %dma_wait3A_415] : memref<10240x128xf32, #tpu.memory_space<hbm>> -> memref<10240x128xf32, #tpu.memory_space<hbm>>
      tpu.wait_indirect_dma semaphore(%arg13 : memref<!tpu.dma_semaphore, #tpu.memory_space<semaphore_mem>>) src(%dma_wait3A_416 : memref<10240x128xf32, #tpu.memory_space<hbm>>) dst(%arg8 : memref<64x128xf32, #tpu.memory_space<vmem>>)
      %run_scoped3A_417 = arith.constant 1 : i32
      %run_scoped3A_418 = arith.constant 1 : i32
      "tpu.region"() ({
        %run_scoped3A_872 = tpu.sem_alloc : memref<!tpu.dma_semaphore, #tpu.memory_space<semaphore_mem>>
        %dma_start3A_873 = arith.constant 0 : i32
        %dma_start3A_874 = arith.constant 0 : i32
        %dma_start3A_875 = tpu.memref_slice %arg6[%run_scoped3A_417, %dma_start3A_873, %dma_start3A_874] : memref<8x2x64xi32, #tpu.memory_space<vmem>> -> memref<1x2x64xi32, #tpu.memory_space<vmem>>
        %dma_start3A_876 = tpu.memref_squeeze %dma_start3A_875 : memref<1x2x64xi32, #tpu.memory_space<vmem>> -> memref<2x64xi32, #tpu.memory_space<vmem>>
        %dma_start3A_877 = arith.constant 0 : i32
        %dma_start3A_878 = tpu.memref_slice %dma_start3A_876[%run_scoped3A_418, %dma_start3A_877] : memref<2x64xi32, #tpu.memory_space<vmem>> -> memref<1x64xi32, #tpu.memory_space<vmem>>
        %dma_start3A_879 = tpu.memref_squeeze %dma_start3A_878 : memref<1x64xi32, #tpu.memory_space<vmem>> -> memref<64xi32, #tpu.memory_space<vmem>>
        %dma_start3A_880 = arith.constant 0 : i32
        %dma_start3A_881 = arith.constant 0 : i32
        %dma_start3A_882 = tpu.memref_slice %arg11[%dma_start3A_880, %dma_start3A_881] : memref<10240x128xf32, #tpu.memory_space<vmem_shared>> -> memref<10240x128xf32, #tpu.memory_space<vmem_shared>>
        tpu.enqueue_indirect_dma source(%arg8 : memref<64x128xf32, #tpu.memory_space<vmem>>) target(%dma_start3A_882 : memref<10240x128xf32, #tpu.memory_space<vmem_shared>>) offsets(%dma_start3A_879 : memref<64xi32, #tpu.memory_space<vmem>>) semaphore(%run_scoped3A_872 : memref<!tpu.dma_semaphore, #tpu.memory_space<semaphore_mem>>) {add = true}
        %dma_wait3A_883 = arith.constant 0 : i32
        %dma_wait3A_884 = arith.constant 0 : i32
        %dma_wait3A_885 = tpu.memref_slice %arg6[%run_scoped3A_417, %dma_wait3A_883, %dma_wait3A_884] : memref<8x2x64xi32, #tpu.memory_space<vmem>> -> memref<1x2x64xi32, #tpu.memory_space<vmem>>
        %dma_wait3A_886 = tpu.memref_squeeze %dma_wait3A_885 : memref<1x2x64xi32, #tpu.memory_space<vmem>> -> memref<2x64xi32, #tpu.memory_space<vmem>>
        %dma_wait3A_887 = arith.constant 0 : i32
        %dma_wait3A_888 = tpu.memref_slice %dma_wait3A_886[%run_scoped3A_418, %dma_wait3A_887] : memref<2x64xi32, #tpu.memory_space<vmem>> -> memref<1x64xi32, #tpu.memory_space<vmem>>
        %dma_wait3A_889 = tpu.memref_squeeze %dma_wait3A_888 : memref<1x64xi32, #tpu.memory_space<vmem>> -> memref<64xi32, #tpu.memory_space<vmem>>
        %dma_wait3A_890 = arith.constant 0 : i32
        %dma_wait3A_891 = arith.constant 0 : i32
        %dma_wait3A_892 = tpu.memref_slice %arg11[%dma_wait3A_890, %dma_wait3A_891] : memref<10240x128xf32, #tpu.memory_space<vmem_shared>> -> memref<10240x128xf32, #tpu.memory_space<vmem_shared>>
        tpu.wait_indirect_dma semaphore(%run_scoped3A_872 : memref<!tpu.dma_semaphore, #tpu.memory_space<semaphore_mem>>) src(%arg8 : memref<64x128xf32, #tpu.memory_space<vmem>>) dst(%dma_wait3A_892 : memref<10240x128xf32, #tpu.memory_space<vmem_shared>>)
        tpu.yield
      }) : () -> ()
      %add3A_419 = arith.constant 7 : i32
      %add3A_420 = arith.addi %add3A_404, %add3A_419 : i32
      %min3A_421 = arith.constant 159 : i32
      %min3A_422 = arith.minsi %add3A_420, %min3A_421 : i32
      %dma_start3A_423 = arith.constant 0 : i32
      %dma_start3A_424 = arith.constant 0 : i32
      %dma_start3A_425 = arith.constant 0 : i32
      %dma_start3A_426 = tpu.memref_slice %arg6[%dma_start3A_423, %dma_start3A_424, %dma_start3A_425] : memref<8x2x64xi32, #tpu.memory_space<vmem>> -> memref<1x2x64xi32, #tpu.memory_space<vmem>>
      %dma_start3A_427 = tpu.memref_squeeze %dma_start3A_426 : memref<1x2x64xi32, #tpu.memory_space<vmem>> -> memref<2x64xi32, #tpu.memory_space<vmem>>
      %dma_start3A_428 = arith.constant 0 : i32
      %dma_start3A_429 = arith.constant 0 : i32
      %dma_start3A_430 = tpu.memref_slice %arg3[%add3A, %min3A_422, %dma_start3A_428, %dma_start3A_429] : memref<32x160x2x64xi32, #tpu.memory_space<hbm>> -> memref<1x1x2x64xi32, #tpu.memory_space<hbm>>
      %dma_start3A_431 = tpu.memref_squeeze %dma_start3A_430 : memref<1x1x2x64xi32, #tpu.memory_space<hbm>> -> memref<2x64xi32, #tpu.memory_space<hbm>>
      %dma_start3A_432 = arith.constant 0 : i32
      %dma_start3A_433 = arith.constant 0 : i32
      %dma_start3A_434 = tpu.memref_slice %arg6[%dma_start3A_423, %dma_start3A_432, %dma_start3A_433] : memref<8x2x64xi32, #tpu.memory_space<vmem>> -> memref<1x2x64xi32, #tpu.memory_space<vmem>>
      %dma_start3A_435 = tpu.memref_squeeze %dma_start3A_434 : memref<1x2x64xi32, #tpu.memory_space<vmem>> -> memref<2x64xi32, #tpu.memory_space<vmem>>
      %dma_start3A_436 = arith.constant 0 : i32
      %dma_start3A_437 = arith.constant 0 : i32
      %dma_start3A_438 = tpu.memref_slice %arg3[%add3A, %min3A_422, %dma_start3A_436, %dma_start3A_437] : memref<32x160x2x64xi32, #tpu.memory_space<hbm>> -> memref<1x1x2x64xi32, #tpu.memory_space<hbm>>
      %dma_start3A_439 = tpu.memref_squeeze %dma_start3A_438 : memref<1x1x2x64xi32, #tpu.memory_space<hbm>> -> memref<2x64xi32, #tpu.memory_space<hbm>>
      tpu.enqueue_dma source(%dma_start3A_439 : memref<2x64xi32, #tpu.memory_space<hbm>>) target(%dma_start3A_435 : memref<2x64xi32, #tpu.memory_space<vmem>>) target_semaphore(%arg16 : memref<!tpu.dma_semaphore, #tpu.memory_space<semaphore_mem>>)
      %dma_wait3A_440 = arith.constant 0 : i32
      %dma_wait3A_441 = arith.constant 4 : i32
      %dma_wait3A_442 = arith.constant 0 : i32
      %dma_wait3A_443 = arith.constant 0 : i32
      %dma_wait3A_444 = tpu.memref_slice %arg6[%dma_wait3A_441, %dma_wait3A_442, %dma_wait3A_443] : memref<8x2x64xi32, #tpu.memory_space<vmem>> -> memref<1x2x64xi32, #tpu.memory_space<vmem>>
      %dma_wait3A_445 = tpu.memref_squeeze %dma_wait3A_444 : memref<1x2x64xi32, #tpu.memory_space<vmem>> -> memref<2x64xi32, #tpu.memory_space<vmem>>
      %dma_wait3A_446 = arith.constant 0 : i32
      %dma_wait3A_447 = arith.constant 0 : i32
      %dma_wait3A_448 = tpu.memref_slice %arg3[%add3A, %dma_wait3A_440, %dma_wait3A_446, %dma_wait3A_447] : memref<32x160x2x64xi32, #tpu.memory_space<hbm>> -> memref<1x1x2x64xi32, #tpu.memory_space<hbm>>
      %dma_wait3A_449 = tpu.memref_squeeze %dma_wait3A_448 : memref<1x1x2x64xi32, #tpu.memory_space<hbm>> -> memref<2x64xi32, #tpu.memory_space<hbm>>
      %dma_wait3A_450 = arith.constant 0 : i32
      %dma_wait3A_451 = arith.constant 0 : i32
      %dma_wait3A_452 = tpu.memref_slice %arg6[%dma_wait3A_441, %dma_wait3A_450, %dma_wait3A_451] : memref<8x2x64xi32, #tpu.memory_space<vmem>> -> memref<1x2x64xi32, #tpu.memory_space<vmem>>
      %dma_wait3A_453 = tpu.memref_squeeze %dma_wait3A_452 : memref<1x2x64xi32, #tpu.memory_space<vmem>> -> memref<2x64xi32, #tpu.memory_space<vmem>>
      %dma_wait3A_454 = arith.constant 0 : i32
      %dma_wait3A_455 = arith.constant 0 : i32
      %dma_wait3A_456 = tpu.memref_slice %arg3[%add3A, %dma_wait3A_440, %dma_wait3A_454, %dma_wait3A_455] : memref<32x160x2x64xi32, #tpu.memory_space<hbm>> -> memref<1x1x2x64xi32, #tpu.memory_space<hbm>>
      %dma_wait3A_457 = tpu.memref_squeeze %dma_wait3A_456 : memref<1x1x2x64xi32, #tpu.memory_space<hbm>> -> memref<2x64xi32, #tpu.memory_space<hbm>>
      tpu.wait_dma2 semaphore(%arg20 : memref<!tpu.dma_semaphore, #tpu.memory_space<semaphore_mem>>) src(%dma_wait3A_457 : memref<2x64xi32, #tpu.memory_space<hbm>>) dst(%dma_wait3A_453 : memref<2x64xi32, #tpu.memory_space<vmem>>)
      %dma_start3A_458 = arith.constant 4 : i32
      %dma_start3A_459 = arith.constant 0 : i32
      %dma_start3A_460 = arith.constant 0 : i32
      %dma_start3A_461 = arith.constant 0 : i32
      %dma_start3A_462 = tpu.memref_slice %arg6[%dma_start3A_458, %dma_start3A_460, %dma_start3A_461] : memref<8x2x64xi32, #tpu.memory_space<vmem>> -> memref<1x2x64xi32, #tpu.memory_space<vmem>>
      %dma_start3A_463 = tpu.memref_squeeze %dma_start3A_462 : memref<1x2x64xi32, #tpu.memory_space<vmem>> -> memref<2x64xi32, #tpu.memory_space<vmem>>
      %dma_start3A_464 = arith.constant 0 : i32
      %dma_start3A_465 = tpu.memref_slice %dma_start3A_463[%dma_start3A_459, %dma_start3A_464] : memref<2x64xi32, #tpu.memory_space<vmem>> -> memref<1x64xi32, #tpu.memory_space<vmem>>
      %dma_start3A_466 = tpu.memref_squeeze %dma_start3A_465 : memref<1x64xi32, #tpu.memory_space<vmem>> -> memref<64xi32, #tpu.memory_space<vmem>>
      %dma_start3A_467 = arith.constant 0 : i32
      %dma_start3A_468 = arith.constant 0 : i32
      %dma_start3A_469 = tpu.memref_slice %arg2[%dma_start3A_467, %dma_start3A_468] : memref<10240x128xf32, #tpu.memory_space<hbm>> -> memref<10240x128xf32, #tpu.memory_space<hbm>>
      tpu.enqueue_indirect_dma source(%dma_start3A_469 : memref<10240x128xf32, #tpu.memory_space<hbm>>) target(%arg7 : memref<64x128xf32, #tpu.memory_space<vmem>>) offsets(%dma_start3A_466 : memref<64xi32, #tpu.memory_space<vmem>>) semaphore(%arg12 : memref<!tpu.dma_semaphore, #tpu.memory_space<semaphore_mem>>)
      %add3A_470 = arith.constant 2 : i32
      %add3A_471 = arith.addi %mul3A_337, %add3A_470 : i32
      %dma_wait3A_472 = arith.constant 5 : i32
      %dma_wait3A_473 = arith.constant 0 : i32
      %dma_wait3A_474 = arith.constant 0 : i32
      %dma_wait3A_475 = arith.constant 0 : i32
      %dma_wait3A_476 = tpu.memref_slice %arg6[%dma_wait3A_472, %dma_wait3A_474, %dma_wait3A_475] : memref<8x2x64xi32, #tpu.memory_space<vmem>> -> memref<1x2x64xi32, #tpu.memory_space<vmem>>
      %dma_wait3A_477 = tpu.memref_squeeze %dma_wait3A_476 : memref<1x2x64xi32, #tpu.memory_space<vmem>> -> memref<2x64xi32, #tpu.memory_space<vmem>>
      %dma_wait3A_478 = arith.constant 0 : i32
      %dma_wait3A_479 = tpu.memref_slice %dma_wait3A_477[%dma_wait3A_473, %dma_wait3A_478] : memref<2x64xi32, #tpu.memory_space<vmem>> -> memref<1x64xi32, #tpu.memory_space<vmem>>
      %dma_wait3A_480 = tpu.memref_squeeze %dma_wait3A_479 : memref<1x64xi32, #tpu.memory_space<vmem>> -> memref<64xi32, #tpu.memory_space<vmem>>
      %dma_wait3A_481 = arith.constant 0 : i32
      %dma_wait3A_482 = arith.constant 0 : i32
      %dma_wait3A_483 = tpu.memref_slice %arg2[%dma_wait3A_481, %dma_wait3A_482] : memref<10240x128xf32, #tpu.memory_space<hbm>> -> memref<10240x128xf32, #tpu.memory_space<hbm>>
      tpu.wait_indirect_dma semaphore(%arg14 : memref<!tpu.dma_semaphore, #tpu.memory_space<semaphore_mem>>) src(%dma_wait3A_483 : memref<10240x128xf32, #tpu.memory_space<hbm>>) dst(%arg9 : memref<64x128xf32, #tpu.memory_space<vmem>>)
      %run_scoped3A_484 = arith.constant 2 : i32
      %run_scoped3A_485 = arith.constant 1 : i32
      "tpu.region"() ({
        %run_scoped3A_872 = tpu.sem_alloc : memref<!tpu.dma_semaphore, #tpu.memory_space<semaphore_mem>>
        %dma_start3A_873 = arith.constant 0 : i32
        %dma_start3A_874 = arith.constant 0 : i32
        %dma_start3A_875 = tpu.memref_slice %arg6[%run_scoped3A_484, %dma_start3A_873, %dma_start3A_874] : memref<8x2x64xi32, #tpu.memory_space<vmem>> -> memref<1x2x64xi32, #tpu.memory_space<vmem>>
        %dma_start3A_876 = tpu.memref_squeeze %dma_start3A_875 : memref<1x2x64xi32, #tpu.memory_space<vmem>> -> memref<2x64xi32, #tpu.memory_space<vmem>>
        %dma_start3A_877 = arith.constant 0 : i32
        %dma_start3A_878 = tpu.memref_slice %dma_start3A_876[%run_scoped3A_485, %dma_start3A_877] : memref<2x64xi32, #tpu.memory_space<vmem>> -> memref<1x64xi32, #tpu.memory_space<vmem>>
        %dma_start3A_879 = tpu.memref_squeeze %dma_start3A_878 : memref<1x64xi32, #tpu.memory_space<vmem>> -> memref<64xi32, #tpu.memory_space<vmem>>
        %dma_start3A_880 = arith.constant 0 : i32
        %dma_start3A_881 = arith.constant 0 : i32
        %dma_start3A_882 = tpu.memref_slice %arg11[%dma_start3A_880, %dma_start3A_881] : memref<10240x128xf32, #tpu.memory_space<vmem_shared>> -> memref<10240x128xf32, #tpu.memory_space<vmem_shared>>
        tpu.enqueue_indirect_dma source(%arg9 : memref<64x128xf32, #tpu.memory_space<vmem>>) target(%dma_start3A_882 : memref<10240x128xf32, #tpu.memory_space<vmem_shared>>) offsets(%dma_start3A_879 : memref<64xi32, #tpu.memory_space<vmem>>) semaphore(%run_scoped3A_872 : memref<!tpu.dma_semaphore, #tpu.memory_space<semaphore_mem>>) {add = true}
        %dma_wait3A_883 = arith.constant 0 : i32
        %dma_wait3A_884 = arith.constant 0 : i32
        %dma_wait3A_885 = tpu.memref_slice %arg6[%run_scoped3A_484, %dma_wait3A_883, %dma_wait3A_884] : memref<8x2x64xi32, #tpu.memory_space<vmem>> -> memref<1x2x64xi32, #tpu.memory_space<vmem>>
        %dma_wait3A_886 = tpu.memref_squeeze %dma_wait3A_885 : memref<1x2x64xi32, #tpu.memory_space<vmem>> -> memref<2x64xi32, #tpu.memory_space<vmem>>
        %dma_wait3A_887 = arith.constant 0 : i32
        %dma_wait3A_888 = tpu.memref_slice %dma_wait3A_886[%run_scoped3A_485, %dma_wait3A_887] : memref<2x64xi32, #tpu.memory_space<vmem>> -> memref<1x64xi32, #tpu.memory_space<vmem>>
        %dma_wait3A_889 = tpu.memref_squeeze %dma_wait3A_888 : memref<1x64xi32, #tpu.memory_space<vmem>> -> memref<64xi32, #tpu.memory_space<vmem>>
        %dma_wait3A_890 = arith.constant 0 : i32
        %dma_wait3A_891 = arith.constant 0 : i32
        %dma_wait3A_892 = tpu.memref_slice %arg11[%dma_wait3A_890, %dma_wait3A_891] : memref<10240x128xf32, #tpu.memory_space<vmem_shared>> -> memref<10240x128xf32, #tpu.memory_space<vmem_shared>>
        tpu.wait_indirect_dma semaphore(%run_scoped3A_872 : memref<!tpu.dma_semaphore, #tpu.memory_space<semaphore_mem>>) src(%arg9 : memref<64x128xf32, #tpu.memory_space<vmem>>) dst(%dma_wait3A_892 : memref<10240x128xf32, #tpu.memory_space<vmem_shared>>)
        tpu.yield
      }) : () -> ()
      %add3A_486 = arith.constant 7 : i32
      %add3A_487 = arith.addi %add3A_471, %add3A_486 : i32
      %min3A_488 = arith.constant 159 : i32
      %min3A_489 = arith.minsi %add3A_487, %min3A_488 : i32
      %dma_start3A_490 = arith.constant 1 : i32
      %dma_start3A_491 = arith.constant 0 : i32
      %dma_start3A_492 = arith.constant 0 : i32
      %dma_start3A_493 = tpu.memref_slice %arg6[%dma_start3A_490, %dma_start3A_491, %dma_start3A_492] : memref<8x2x64xi32, #tpu.memory_space<vmem>> -> memref<1x2x64xi32, #tpu.memory_space<vmem>>
      %dma_start3A_494 = tpu.memref_squeeze %dma_start3A_493 : memref<1x2x64xi32, #tpu.memory_space<vmem>> -> memref<2x64xi32, #tpu.memory_space<vmem>>
      %dma_start3A_495 = arith.constant 0 : i32
      %dma_start3A_496 = arith.constant 0 : i32
      %dma_start3A_497 = tpu.memref_slice %arg3[%add3A, %min3A_489, %dma_start3A_495, %dma_start3A_496] : memref<32x160x2x64xi32, #tpu.memory_space<hbm>> -> memref<1x1x2x64xi32, #tpu.memory_space<hbm>>
      %dma_start3A_498 = tpu.memref_squeeze %dma_start3A_497 : memref<1x1x2x64xi32, #tpu.memory_space<hbm>> -> memref<2x64xi32, #tpu.memory_space<hbm>>
      %dma_start3A_499 = arith.constant 0 : i32
      %dma_start3A_500 = arith.constant 0 : i32
      %dma_start3A_501 = tpu.memref_slice %arg6[%dma_start3A_490, %dma_start3A_499, %dma_start3A_500] : memref<8x2x64xi32, #tpu.memory_space<vmem>> -> memref<1x2x64xi32, #tpu.memory_space<vmem>>
      %dma_start3A_502 = tpu.memref_squeeze %dma_start3A_501 : memref<1x2x64xi32, #tpu.memory_space<vmem>> -> memref<2x64xi32, #tpu.memory_space<vmem>>
      %dma_start3A_503 = arith.constant 0 : i32
      %dma_start3A_504 = arith.constant 0 : i32
      %dma_start3A_505 = tpu.memref_slice %arg3[%add3A, %min3A_489, %dma_start3A_503, %dma_start3A_504] : memref<32x160x2x64xi32, #tpu.memory_space<hbm>> -> memref<1x1x2x64xi32, #tpu.memory_space<hbm>>
      %dma_start3A_506 = tpu.memref_squeeze %dma_start3A_505 : memref<1x1x2x64xi32, #tpu.memory_space<hbm>> -> memref<2x64xi32, #tpu.memory_space<hbm>>
      tpu.enqueue_dma source(%dma_start3A_506 : memref<2x64xi32, #tpu.memory_space<hbm>>) target(%dma_start3A_502 : memref<2x64xi32, #tpu.memory_space<vmem>>) target_semaphore(%arg17 : memref<!tpu.dma_semaphore, #tpu.memory_space<semaphore_mem>>)
      %dma_wait3A_507 = arith.constant 0 : i32
      %dma_wait3A_508 = arith.constant 5 : i32
      %dma_wait3A_509 = arith.constant 0 : i32
      %dma_wait3A_510 = arith.constant 0 : i32
      %dma_wait3A_511 = tpu.memref_slice %arg6[%dma_wait3A_508, %dma_wait3A_509, %dma_wait3A_510] : memref<8x2x64xi32, #tpu.memory_space<vmem>> -> memref<1x2x64xi32, #tpu.memory_space<vmem>>
      %dma_wait3A_512 = tpu.memref_squeeze %dma_wait3A_511 : memref<1x2x64xi32, #tpu.memory_space<vmem>> -> memref<2x64xi32, #tpu.memory_space<vmem>>
      %dma_wait3A_513 = arith.constant 0 : i32
      %dma_wait3A_514 = arith.constant 0 : i32
      %dma_wait3A_515 = tpu.memref_slice %arg3[%add3A, %dma_wait3A_507, %dma_wait3A_513, %dma_wait3A_514] : memref<32x160x2x64xi32, #tpu.memory_space<hbm>> -> memref<1x1x2x64xi32, #tpu.memory_space<hbm>>
      %dma_wait3A_516 = tpu.memref_squeeze %dma_wait3A_515 : memref<1x1x2x64xi32, #tpu.memory_space<hbm>> -> memref<2x64xi32, #tpu.memory_space<hbm>>
      %dma_wait3A_517 = arith.constant 0 : i32
      %dma_wait3A_518 = arith.constant 0 : i32
      %dma_wait3A_519 = tpu.memref_slice %arg6[%dma_wait3A_508, %dma_wait3A_517, %dma_wait3A_518] : memref<8x2x64xi32, #tpu.memory_space<vmem>> -> memref<1x2x64xi32, #tpu.memory_space<vmem>>
      %dma_wait3A_520 = tpu.memref_squeeze %dma_wait3A_519 : memref<1x2x64xi32, #tpu.memory_space<vmem>> -> memref<2x64xi32, #tpu.memory_space<vmem>>
      %dma_wait3A_521 = arith.constant 0 : i32
      %dma_wait3A_522 = arith.constant 0 : i32
      %dma_wait3A_523 = tpu.memref_slice %arg3[%add3A, %dma_wait3A_507, %dma_wait3A_521, %dma_wait3A_522] : memref<32x160x2x64xi32, #tpu.memory_space<hbm>> -> memref<1x1x2x64xi32, #tpu.memory_space<hbm>>
      %dma_wait3A_524 = tpu.memref_squeeze %dma_wait3A_523 : memref<1x1x2x64xi32, #tpu.memory_space<hbm>> -> memref<2x64xi32, #tpu.memory_space<hbm>>
      tpu.wait_dma2 semaphore(%arg21 : memref<!tpu.dma_semaphore, #tpu.memory_space<semaphore_mem>>) src(%dma_wait3A_524 : memref<2x64xi32, #tpu.memory_space<hbm>>) dst(%dma_wait3A_520 : memref<2x64xi32, #tpu.memory_space<vmem>>)
      %dma_start3A_525 = arith.constant 5 : i32
      %dma_start3A_526 = arith.constant 0 : i32
      %dma_start3A_527 = arith.constant 0 : i32
      %dma_start3A_528 = arith.constant 0 : i32
      %dma_start3A_529 = tpu.memref_slice %arg6[%dma_start3A_525, %dma_start3A_527, %dma_start3A_528] : memref<8x2x64xi32, #tpu.memory_space<vmem>> -> memref<1x2x64xi32, #tpu.memory_space<vmem>>
      %dma_start3A_530 = tpu.memref_squeeze %dma_start3A_529 : memref<1x2x64xi32, #tpu.memory_space<vmem>> -> memref<2x64xi32, #tpu.memory_space<vmem>>
      %dma_start3A_531 = arith.constant 0 : i32
      %dma_start3A_532 = tpu.memref_slice %dma_start3A_530[%dma_start3A_526, %dma_start3A_531] : memref<2x64xi32, #tpu.memory_space<vmem>> -> memref<1x64xi32, #tpu.memory_space<vmem>>
      %dma_start3A_533 = tpu.memref_squeeze %dma_start3A_532 : memref<1x64xi32, #tpu.memory_space<vmem>> -> memref<64xi32, #tpu.memory_space<vmem>>
      %dma_start3A_534 = arith.constant 0 : i32
      %dma_start3A_535 = arith.constant 0 : i32
      %dma_start3A_536 = tpu.memref_slice %arg2[%dma_start3A_534, %dma_start3A_535] : memref<10240x128xf32, #tpu.memory_space<hbm>> -> memref<10240x128xf32, #tpu.memory_space<hbm>>
      tpu.enqueue_indirect_dma source(%dma_start3A_536 : memref<10240x128xf32, #tpu.memory_space<hbm>>) target(%arg8 : memref<64x128xf32, #tpu.memory_space<vmem>>) offsets(%dma_start3A_533 : memref<64xi32, #tpu.memory_space<vmem>>) semaphore(%arg13 : memref<!tpu.dma_semaphore, #tpu.memory_space<semaphore_mem>>)
      %add3A_537 = arith.constant 3 : i32
      %add3A_538 = arith.addi %mul3A_337, %add3A_537 : i32
      %dma_wait3A_539 = arith.constant 6 : i32
      %dma_wait3A_540 = arith.constant 0 : i32
      %dma_wait3A_541 = arith.constant 0 : i32
      %dma_wait3A_542 = arith.constant 0 : i32
      %dma_wait3A_543 = tpu.memref_slice %arg6[%dma_wait3A_539, %dma_wait3A_541, %dma_wait3A_542] : memref<8x2x64xi32, #tpu.memory_space<vmem>> -> memref<1x2x64xi32, #tpu.memory_space<vmem>>
      %dma_wait3A_544 = tpu.memref_squeeze %dma_wait3A_543 : memref<1x2x64xi32, #tpu.memory_space<vmem>> -> memref<2x64xi32, #tpu.memory_space<vmem>>
      %dma_wait3A_545 = arith.constant 0 : i32
      %dma_wait3A_546 = tpu.memref_slice %dma_wait3A_544[%dma_wait3A_540, %dma_wait3A_545] : memref<2x64xi32, #tpu.memory_space<vmem>> -> memref<1x64xi32, #tpu.memory_space<vmem>>
      %dma_wait3A_547 = tpu.memref_squeeze %dma_wait3A_546 : memref<1x64xi32, #tpu.memory_space<vmem>> -> memref<64xi32, #tpu.memory_space<vmem>>
      %dma_wait3A_548 = arith.constant 0 : i32
      %dma_wait3A_549 = arith.constant 0 : i32
      %dma_wait3A_550 = tpu.memref_slice %arg2[%dma_wait3A_548, %dma_wait3A_549] : memref<10240x128xf32, #tpu.memory_space<hbm>> -> memref<10240x128xf32, #tpu.memory_space<hbm>>
      tpu.wait_indirect_dma semaphore(%arg15 : memref<!tpu.dma_semaphore, #tpu.memory_space<semaphore_mem>>) src(%dma_wait3A_550 : memref<10240x128xf32, #tpu.memory_space<hbm>>) dst(%arg10 : memref<64x128xf32, #tpu.memory_space<vmem>>)
      %run_scoped3A_551 = arith.constant 3 : i32
      %run_scoped3A_552 = arith.constant 1 : i32
      "tpu.region"() ({
        %run_scoped3A_872 = tpu.sem_alloc : memref<!tpu.dma_semaphore, #tpu.memory_space<semaphore_mem>>
        %dma_start3A_873 = arith.constant 0 : i32
        %dma_start3A_874 = arith.constant 0 : i32
        %dma_start3A_875 = tpu.memref_slice %arg6[%run_scoped3A_551, %dma_start3A_873, %dma_start3A_874] : memref<8x2x64xi32, #tpu.memory_space<vmem>> -> memref<1x2x64xi32, #tpu.memory_space<vmem>>
        %dma_start3A_876 = tpu.memref_squeeze %dma_start3A_875 : memref<1x2x64xi32, #tpu.memory_space<vmem>> -> memref<2x64xi32, #tpu.memory_space<vmem>>
        %dma_start3A_877 = arith.constant 0 : i32
        %dma_start3A_878 = tpu.memref_slice %dma_start3A_876[%run_scoped3A_552, %dma_start3A_877] : memref<2x64xi32, #tpu.memory_space<vmem>> -> memref<1x64xi32, #tpu.memory_space<vmem>>
        %dma_start3A_879 = tpu.memref_squeeze %dma_start3A_878 : memref<1x64xi32, #tpu.memory_space<vmem>> -> memref<64xi32, #tpu.memory_space<vmem>>
        %dma_start3A_880 = arith.constant 0 : i32
        %dma_start3A_881 = arith.constant 0 : i32
        %dma_start3A_882 = tpu.memref_slice %arg11[%dma_start3A_880, %dma_start3A_881] : memref<10240x128xf32, #tpu.memory_space<vmem_shared>> -> memref<10240x128xf32, #tpu.memory_space<vmem_shared>>
        tpu.enqueue_indirect_dma source(%arg10 : memref<64x128xf32, #tpu.memory_space<vmem>>) target(%dma_start3A_882 : memref<10240x128xf32, #tpu.memory_space<vmem_shared>>) offsets(%dma_start3A_879 : memref<64xi32, #tpu.memory_space<vmem>>) semaphore(%run_scoped3A_872 : memref<!tpu.dma_semaphore, #tpu.memory_space<semaphore_mem>>) {add = true}
        %dma_wait3A_883 = arith.constant 0 : i32
        %dma_wait3A_884 = arith.constant 0 : i32
        %dma_wait3A_885 = tpu.memref_slice %arg6[%run_scoped3A_551, %dma_wait3A_883, %dma_wait3A_884] : memref<8x2x64xi32, #tpu.memory_space<vmem>> -> memref<1x2x64xi32, #tpu.memory_space<vmem>>
        %dma_wait3A_886 = tpu.memref_squeeze %dma_wait3A_885 : memref<1x2x64xi32, #tpu.memory_space<vmem>> -> memref<2x64xi32, #tpu.memory_space<vmem>>
        %dma_wait3A_887 = arith.constant 0 : i32
        %dma_wait3A_888 = tpu.memref_slice %dma_wait3A_886[%run_scoped3A_552, %dma_wait3A_887] : memref<2x64xi32, #tpu.memory_space<vmem>> -> memref<1x64xi32, #tpu.memory_space<vmem>>
        %dma_wait3A_889 = tpu.memref_squeeze %dma_wait3A_888 : memref<1x64xi32, #tpu.memory_space<vmem>> -> memref<64xi32, #tpu.memory_space<vmem>>
        %dma_wait3A_890 = arith.constant 0 : i32
        %dma_wait3A_891 = arith.constant 0 : i32
        %dma_wait3A_892 = tpu.memref_slice %arg11[%dma_wait3A_890, %dma_wait3A_891] : memref<10240x128xf32, #tpu.memory_space<vmem_shared>> -> memref<10240x128xf32, #tpu.memory_space<vmem_shared>>
        tpu.wait_indirect_dma semaphore(%run_scoped3A_872 : memref<!tpu.dma_semaphore, #tpu.memory_space<semaphore_mem>>) src(%arg10 : memref<64x128xf32, #tpu.memory_space<vmem>>) dst(%dma_wait3A_892 : memref<10240x128xf32, #tpu.memory_space<vmem_shared>>)
        tpu.yield
      }) : () -> ()
      %add3A_553 = arith.constant 7 : i32
      %add3A_554 = arith.addi %add3A_538, %add3A_553 : i32
      %min3A_555 = arith.constant 159 : i32
      %min3A_556 = arith.minsi %add3A_554, %min3A_555 : i32
      %dma_start3A_557 = arith.constant 2 : i32
      %dma_start3A_558 = arith.constant 0 : i32
      %dma_start3A_559 = arith.constant 0 : i32
      %dma_start3A_560 = tpu.memref_slice %arg6[%dma_start3A_557, %dma_start3A_558, %dma_start3A_559] : memref<8x2x64xi32, #tpu.memory_space<vmem>> -> memref<1x2x64xi32, #tpu.memory_space<vmem>>
      %dma_start3A_561 = tpu.memref_squeeze %dma_start3A_560 : memref<1x2x64xi32, #tpu.memory_space<vmem>> -> memref<2x64xi32, #tpu.memory_space<vmem>>
      %dma_start3A_562 = arith.constant 0 : i32
      %dma_start3A_563 = arith.constant 0 : i32
      %dma_start3A_564 = tpu.memref_slice %arg3[%add3A, %min3A_556, %dma_start3A_562, %dma_start3A_563] : memref<32x160x2x64xi32, #tpu.memory_space<hbm>> -> memref<1x1x2x64xi32, #tpu.memory_space<hbm>>
      %dma_start3A_565 = tpu.memref_squeeze %dma_start3A_564 : memref<1x1x2x64xi32, #tpu.memory_space<hbm>> -> memref<2x64xi32, #tpu.memory_space<hbm>>
      %dma_start3A_566 = arith.constant 0 : i32
      %dma_start3A_567 = arith.constant 0 : i32
      %dma_start3A_568 = tpu.memref_slice %arg6[%dma_start3A_557, %dma_start3A_566, %dma_start3A_567] : memref<8x2x64xi32, #tpu.memory_space<vmem>> -> memref<1x2x64xi32, #tpu.memory_space<vmem>>
      %dma_start3A_569 = tpu.memref_squeeze %dma_start3A_568 : memref<1x2x64xi32, #tpu.memory_space<vmem>> -> memref<2x64xi32, #tpu.memory_space<vmem>>
      %dma_start3A_570 = arith.constant 0 : i32
      %dma_start3A_571 = arith.constant 0 : i32
      %dma_start3A_572 = tpu.memref_slice %arg3[%add3A, %min3A_556, %dma_start3A_570, %dma_start3A_571] : memref<32x160x2x64xi32, #tpu.memory_space<hbm>> -> memref<1x1x2x64xi32, #tpu.memory_space<hbm>>
      %dma_start3A_573 = tpu.memref_squeeze %dma_start3A_572 : memref<1x1x2x64xi32, #tpu.memory_space<hbm>> -> memref<2x64xi32, #tpu.memory_space<hbm>>
      tpu.enqueue_dma source(%dma_start3A_573 : memref<2x64xi32, #tpu.memory_space<hbm>>) target(%dma_start3A_569 : memref<2x64xi32, #tpu.memory_space<vmem>>) target_semaphore(%arg18 : memref<!tpu.dma_semaphore, #tpu.memory_space<semaphore_mem>>)
      %dma_wait3A_574 = arith.constant 0 : i32
      %dma_wait3A_575 = arith.constant 6 : i32
      %dma_wait3A_576 = arith.constant 0 : i32
      %dma_wait3A_577 = arith.constant 0 : i32
      %dma_wait3A_578 = tpu.memref_slice %arg6[%dma_wait3A_575, %dma_wait3A_576, %dma_wait3A_577] : memref<8x2x64xi32, #tpu.memory_space<vmem>> -> memref<1x2x64xi32, #tpu.memory_space<vmem>>
      %dma_wait3A_579 = tpu.memref_squeeze %dma_wait3A_578 : memref<1x2x64xi32, #tpu.memory_space<vmem>> -> memref<2x64xi32, #tpu.memory_space<vmem>>
      %dma_wait3A_580 = arith.constant 0 : i32
      %dma_wait3A_581 = arith.constant 0 : i32
      %dma_wait3A_582 = tpu.memref_slice %arg3[%add3A, %dma_wait3A_574, %dma_wait3A_580, %dma_wait3A_581] : memref<32x160x2x64xi32, #tpu.memory_space<hbm>> -> memref<1x1x2x64xi32, #tpu.memory_space<hbm>>
      %dma_wait3A_583 = tpu.memref_squeeze %dma_wait3A_582 : memref<1x1x2x64xi32, #tpu.memory_space<hbm>> -> memref<2x64xi32, #tpu.memory_space<hbm>>
      %dma_wait3A_584 = arith.constant 0 : i32
      %dma_wait3A_585 = arith.constant 0 : i32
      %dma_wait3A_586 = tpu.memref_slice %arg6[%dma_wait3A_575, %dma_wait3A_584, %dma_wait3A_585] : memref<8x2x64xi32, #tpu.memory_space<vmem>> -> memref<1x2x64xi32, #tpu.memory_space<vmem>>
      %dma_wait3A_587 = tpu.memref_squeeze %dma_wait3A_586 : memref<1x2x64xi32, #tpu.memory_space<vmem>> -> memref<2x64xi32, #tpu.memory_space<vmem>>
      %dma_wait3A_588 = arith.constant 0 : i32
      %dma_wait3A_589 = arith.constant 0 : i32
      %dma_wait3A_590 = tpu.memref_slice %arg3[%add3A, %dma_wait3A_574, %dma_wait3A_588, %dma_wait3A_589] : memref<32x160x2x64xi32, #tpu.memory_space<hbm>> -> memref<1x1x2x64xi32, #tpu.memory_space<hbm>>
      %dma_wait3A_591 = tpu.memref_squeeze %dma_wait3A_590 : memref<1x1x2x64xi32, #tpu.memory_space<hbm>> -> memref<2x64xi32, #tpu.memory_space<hbm>>
      tpu.wait_dma2 semaphore(%arg22 : memref<!tpu.dma_semaphore, #tpu.memory_space<semaphore_mem>>) src(%dma_wait3A_591 : memref<2x64xi32, #tpu.memory_space<hbm>>) dst(%dma_wait3A_587 : memref<2x64xi32, #tpu.memory_space<vmem>>)
      %dma_start3A_592 = arith.constant 6 : i32
      %dma_start3A_593 = arith.constant 0 : i32
      %dma_start3A_594 = arith.constant 0 : i32
      %dma_start3A_595 = arith.constant 0 : i32
      %dma_start3A_596 = tpu.memref_slice %arg6[%dma_start3A_592, %dma_start3A_594, %dma_start3A_595] : memref<8x2x64xi32, #tpu.memory_space<vmem>> -> memref<1x2x64xi32, #tpu.memory_space<vmem>>
      %dma_start3A_597 = tpu.memref_squeeze %dma_start3A_596 : memref<1x2x64xi32, #tpu.memory_space<vmem>> -> memref<2x64xi32, #tpu.memory_space<vmem>>
      %dma_start3A_598 = arith.constant 0 : i32
      %dma_start3A_599 = tpu.memref_slice %dma_start3A_597[%dma_start3A_593, %dma_start3A_598] : memref<2x64xi32, #tpu.memory_space<vmem>> -> memref<1x64xi32, #tpu.memory_space<vmem>>
      %dma_start3A_600 = tpu.memref_squeeze %dma_start3A_599 : memref<1x64xi32, #tpu.memory_space<vmem>> -> memref<64xi32, #tpu.memory_space<vmem>>
      %dma_start3A_601 = arith.constant 0 : i32
      %dma_start3A_602 = arith.constant 0 : i32
      %dma_start3A_603 = tpu.memref_slice %arg2[%dma_start3A_601, %dma_start3A_602] : memref<10240x128xf32, #tpu.memory_space<hbm>> -> memref<10240x128xf32, #tpu.memory_space<hbm>>
      tpu.enqueue_indirect_dma source(%dma_start3A_603 : memref<10240x128xf32, #tpu.memory_space<hbm>>) target(%arg9 : memref<64x128xf32, #tpu.memory_space<vmem>>) offsets(%dma_start3A_600 : memref<64xi32, #tpu.memory_space<vmem>>) semaphore(%arg14 : memref<!tpu.dma_semaphore, #tpu.memory_space<semaphore_mem>>)
      %add3A_604 = arith.constant 4 : i32
      %add3A_605 = arith.addi %mul3A_337, %add3A_604 : i32
      %dma_wait3A_606 = arith.constant 7 : i32
      %dma_wait3A_607 = arith.constant 0 : i32
      %dma_wait3A_608 = arith.constant 0 : i32
      %dma_wait3A_609 = arith.constant 0 : i32
      %dma_wait3A_610 = tpu.memref_slice %arg6[%dma_wait3A_606, %dma_wait3A_608, %dma_wait3A_609] : memref<8x2x64xi32, #tpu.memory_space<vmem>> -> memref<1x2x64xi32, #tpu.memory_space<vmem>>
      %dma_wait3A_611 = tpu.memref_squeeze %dma_wait3A_610 : memref<1x2x64xi32, #tpu.memory_space<vmem>> -> memref<2x64xi32, #tpu.memory_space<vmem>>
      %dma_wait3A_612 = arith.constant 0 : i32
      %dma_wait3A_613 = tpu.memref_slice %dma_wait3A_611[%dma_wait3A_607, %dma_wait3A_612] : memref<2x64xi32, #tpu.memory_space<vmem>> -> memref<1x64xi32, #tpu.memory_space<vmem>>
      %dma_wait3A_614 = tpu.memref_squeeze %dma_wait3A_613 : memref<1x64xi32, #tpu.memory_space<vmem>> -> memref<64xi32, #tpu.memory_space<vmem>>
      %dma_wait3A_615 = arith.constant 0 : i32
      %dma_wait3A_616 = arith.constant 0 : i32
      %dma_wait3A_617 = tpu.memref_slice %arg2[%dma_wait3A_615, %dma_wait3A_616] : memref<10240x128xf32, #tpu.memory_space<hbm>> -> memref<10240x128xf32, #tpu.memory_space<hbm>>
      tpu.wait_indirect_dma semaphore(%arg12 : memref<!tpu.dma_semaphore, #tpu.memory_space<semaphore_mem>>) src(%dma_wait3A_617 : memref<10240x128xf32, #tpu.memory_space<hbm>>) dst(%arg7 : memref<64x128xf32, #tpu.memory_space<vmem>>)
      %run_scoped3A_618 = arith.constant 4 : i32
      %run_scoped3A_619 = arith.constant 1 : i32
      "tpu.region"() ({
        %run_scoped3A_872 = tpu.sem_alloc : memref<!tpu.dma_semaphore, #tpu.memory_space<semaphore_mem>>
        %dma_start3A_873 = arith.constant 0 : i32
        %dma_start3A_874 = arith.constant 0 : i32
        %dma_start3A_875 = tpu.memref_slice %arg6[%run_scoped3A_618, %dma_start3A_873, %dma_start3A_874] : memref<8x2x64xi32, #tpu.memory_space<vmem>> -> memref<1x2x64xi32, #tpu.memory_space<vmem>>
        %dma_start3A_876 = tpu.memref_squeeze %dma_start3A_875 : memref<1x2x64xi32, #tpu.memory_space<vmem>> -> memref<2x64xi32, #tpu.memory_space<vmem>>
        %dma_start3A_877 = arith.constant 0 : i32
        %dma_start3A_878 = tpu.memref_slice %dma_start3A_876[%run_scoped3A_619, %dma_start3A_877] : memref<2x64xi32, #tpu.memory_space<vmem>> -> memref<1x64xi32, #tpu.memory_space<vmem>>
        %dma_start3A_879 = tpu.memref_squeeze %dma_start3A_878 : memref<1x64xi32, #tpu.memory_space<vmem>> -> memref<64xi32, #tpu.memory_space<vmem>>
        %dma_start3A_880 = arith.constant 0 : i32
        %dma_start3A_881 = arith.constant 0 : i32
        %dma_start3A_882 = tpu.memref_slice %arg11[%dma_start3A_880, %dma_start3A_881] : memref<10240x128xf32, #tpu.memory_space<vmem_shared>> -> memref<10240x128xf32, #tpu.memory_space<vmem_shared>>
        tpu.enqueue_indirect_dma source(%arg7 : memref<64x128xf32, #tpu.memory_space<vmem>>) target(%dma_start3A_882 : memref<10240x128xf32, #tpu.memory_space<vmem_shared>>) offsets(%dma_start3A_879 : memref<64xi32, #tpu.memory_space<vmem>>) semaphore(%run_scoped3A_872 : memref<!tpu.dma_semaphore, #tpu.memory_space<semaphore_mem>>) {add = true}
        %dma_wait3A_883 = arith.constant 0 : i32
        %dma_wait3A_884 = arith.constant 0 : i32
        %dma_wait3A_885 = tpu.memref_slice %arg6[%run_scoped3A_618, %dma_wait3A_883, %dma_wait3A_884] : memref<8x2x64xi32, #tpu.memory_space<vmem>> -> memref<1x2x64xi32, #tpu.memory_space<vmem>>
        %dma_wait3A_886 = tpu.memref_squeeze %dma_wait3A_885 : memref<1x2x64xi32, #tpu.memory_space<vmem>> -> memref<2x64xi32, #tpu.memory_space<vmem>>
        %dma_wait3A_887 = arith.constant 0 : i32
        %dma_wait3A_888 = tpu.memref_slice %dma_wait3A_886[%run_scoped3A_619, %dma_wait3A_887] : memref<2x64xi32, #tpu.memory_space<vmem>> -> memref<1x64xi32, #tpu.memory_space<vmem>>
        %dma_wait3A_889 = tpu.memref_squeeze %dma_wait3A_888 : memref<1x64xi32, #tpu.memory_space<vmem>> -> memref<64xi32, #tpu.memory_space<vmem>>
        %dma_wait3A_890 = arith.constant 0 : i32
        %dma_wait3A_891 = arith.constant 0 : i32
        %dma_wait3A_892 = tpu.memref_slice %arg11[%dma_wait3A_890, %dma_wait3A_891] : memref<10240x128xf32, #tpu.memory_space<vmem_shared>> -> memref<10240x128xf32, #tpu.memory_space<vmem_shared>>
        tpu.wait_indirect_dma semaphore(%run_scoped3A_872 : memref<!tpu.dma_semaphore, #tpu.memory_space<semaphore_mem>>) src(%arg7 : memref<64x128xf32, #tpu.memory_space<vmem>>) dst(%dma_wait3A_892 : memref<10240x128xf32, #tpu.memory_space<vmem_shared>>)
        tpu.yield
      }) : () -> ()
      %add3A_620 = arith.constant 7 : i32
      %add3A_621 = arith.addi %add3A_605, %add3A_620 : i32
      %min3A_622 = arith.constant 159 : i32
      %min3A_623 = arith.minsi %add3A_621, %min3A_622 : i32
      %dma_start3A_624 = arith.constant 3 : i32
      %dma_start3A_625 = arith.constant 0 : i32
      %dma_start3A_626 = arith.constant 0 : i32
      %dma_start3A_627 = tpu.memref_slice %arg6[%dma_start3A_624, %dma_start3A_625, %dma_start3A_626] : memref<8x2x64xi32, #tpu.memory_space<vmem>> -> memref<1x2x64xi32, #tpu.memory_space<vmem>>
      %dma_start3A_628 = tpu.memref_squeeze %dma_start3A_627 : memref<1x2x64xi32, #tpu.memory_space<vmem>> -> memref<2x64xi32, #tpu.memory_space<vmem>>
      %dma_start3A_629 = arith.constant 0 : i32
      %dma_start3A_630 = arith.constant 0 : i32
      %dma_start3A_631 = tpu.memref_slice %arg3[%add3A, %min3A_623, %dma_start3A_629, %dma_start3A_630] : memref<32x160x2x64xi32, #tpu.memory_space<hbm>> -> memref<1x1x2x64xi32, #tpu.memory_space<hbm>>
      %dma_start3A_632 = tpu.memref_squeeze %dma_start3A_631 : memref<1x1x2x64xi32, #tpu.memory_space<hbm>> -> memref<2x64xi32, #tpu.memory_space<hbm>>
      %dma_start3A_633 = arith.constant 0 : i32
      %dma_start3A_634 = arith.constant 0 : i32
      %dma_start3A_635 = tpu.memref_slice %arg6[%dma_start3A_624, %dma_start3A_633, %dma_start3A_634] : memref<8x2x64xi32, #tpu.memory_space<vmem>> -> memref<1x2x64xi32, #tpu.memory_space<vmem>>
      %dma_start3A_636 = tpu.memref_squeeze %dma_start3A_635 : memref<1x2x64xi32, #tpu.memory_space<vmem>> -> memref<2x64xi32, #tpu.memory_space<vmem>>
      %dma_start3A_637 = arith.constant 0 : i32
      %dma_start3A_638 = arith.constant 0 : i32
      %dma_start3A_639 = tpu.memref_slice %arg3[%add3A, %min3A_623, %dma_start3A_637, %dma_start3A_638] : memref<32x160x2x64xi32, #tpu.memory_space<hbm>> -> memref<1x1x2x64xi32, #tpu.memory_space<hbm>>
      %dma_start3A_640 = tpu.memref_squeeze %dma_start3A_639 : memref<1x1x2x64xi32, #tpu.memory_space<hbm>> -> memref<2x64xi32, #tpu.memory_space<hbm>>
      tpu.enqueue_dma source(%dma_start3A_640 : memref<2x64xi32, #tpu.memory_space<hbm>>) target(%dma_start3A_636 : memref<2x64xi32, #tpu.memory_space<vmem>>) target_semaphore(%arg19 : memref<!tpu.dma_semaphore, #tpu.memory_space<semaphore_mem>>)
      %dma_wait3A_641 = arith.constant 0 : i32
      %dma_wait3A_642 = arith.constant 7 : i32
      %dma_wait3A_643 = arith.constant 0 : i32
      %dma_wait3A_644 = arith.constant 0 : i32
      %dma_wait3A_645 = tpu.memref_slice %arg6[%dma_wait3A_642, %dma_wait3A_643, %dma_wait3A_644] : memref<8x2x64xi32, #tpu.memory_space<vmem>> -> memref<1x2x64xi32, #tpu.memory_space<vmem>>
      %dma_wait3A_646 = tpu.memref_squeeze %dma_wait3A_645 : memref<1x2x64xi32, #tpu.memory_space<vmem>> -> memref<2x64xi32, #tpu.memory_space<vmem>>
      %dma_wait3A_647 = arith.constant 0 : i32
      %dma_wait3A_648 = arith.constant 0 : i32
      %dma_wait3A_649 = tpu.memref_slice %arg3[%add3A, %dma_wait3A_641, %dma_wait3A_647, %dma_wait3A_648] : memref<32x160x2x64xi32, #tpu.memory_space<hbm>> -> memref<1x1x2x64xi32, #tpu.memory_space<hbm>>
      %dma_wait3A_650 = tpu.memref_squeeze %dma_wait3A_649 : memref<1x1x2x64xi32, #tpu.memory_space<hbm>> -> memref<2x64xi32, #tpu.memory_space<hbm>>
      %dma_wait3A_651 = arith.constant 0 : i32
      %dma_wait3A_652 = arith.constant 0 : i32
      %dma_wait3A_653 = tpu.memref_slice %arg6[%dma_wait3A_642, %dma_wait3A_651, %dma_wait3A_652] : memref<8x2x64xi32, #tpu.memory_space<vmem>> -> memref<1x2x64xi32, #tpu.memory_space<vmem>>
      %dma_wait3A_654 = tpu.memref_squeeze %dma_wait3A_653 : memref<1x2x64xi32, #tpu.memory_space<vmem>> -> memref<2x64xi32, #tpu.memory_space<vmem>>
      %dma_wait3A_655 = arith.constant 0 : i32
      %dma_wait3A_656 = arith.constant 0 : i32
      %dma_wait3A_657 = tpu.memref_slice %arg3[%add3A, %dma_wait3A_641, %dma_wait3A_655, %dma_wait3A_656] : memref<32x160x2x64xi32, #tpu.memory_space<hbm>> -> memref<1x1x2x64xi32, #tpu.memory_space<hbm>>
      %dma_wait3A_658 = tpu.memref_squeeze %dma_wait3A_657 : memref<1x1x2x64xi32, #tpu.memory_space<hbm>> -> memref<2x64xi32, #tpu.memory_space<hbm>>
      tpu.wait_dma2 semaphore(%arg23 : memref<!tpu.dma_semaphore, #tpu.memory_space<semaphore_mem>>) src(%dma_wait3A_658 : memref<2x64xi32, #tpu.memory_space<hbm>>) dst(%dma_wait3A_654 : memref<2x64xi32, #tpu.memory_space<vmem>>)
      %dma_start3A_659 = arith.constant 7 : i32
      %dma_start3A_660 = arith.constant 0 : i32
      %dma_start3A_661 = arith.constant 0 : i32
      %dma_start3A_662 = arith.constant 0 : i32
      %dma_start3A_663 = tpu.memref_slice %arg6[%dma_start3A_659, %dma_start3A_661, %dma_start3A_662] : memref<8x2x64xi32, #tpu.memory_space<vmem>> -> memref<1x2x64xi32, #tpu.memory_space<vmem>>
      %dma_start3A_664 = tpu.memref_squeeze %dma_start3A_663 : memref<1x2x64xi32, #tpu.memory_space<vmem>> -> memref<2x64xi32, #tpu.memory_space<vmem>>
      %dma_start3A_665 = arith.constant 0 : i32
      %dma_start3A_666 = tpu.memref_slice %dma_start3A_664[%dma_start3A_660, %dma_start3A_665] : memref<2x64xi32, #tpu.memory_space<vmem>> -> memref<1x64xi32, #tpu.memory_space<vmem>>
      %dma_start3A_667 = tpu.memref_squeeze %dma_start3A_666 : memref<1x64xi32, #tpu.memory_space<vmem>> -> memref<64xi32, #tpu.memory_space<vmem>>
      %dma_start3A_668 = arith.constant 0 : i32
      %dma_start3A_669 = arith.constant 0 : i32
      %dma_start3A_670 = tpu.memref_slice %arg2[%dma_start3A_668, %dma_start3A_669] : memref<10240x128xf32, #tpu.memory_space<hbm>> -> memref<10240x128xf32, #tpu.memory_space<hbm>>
      tpu.enqueue_indirect_dma source(%dma_start3A_670 : memref<10240x128xf32, #tpu.memory_space<hbm>>) target(%arg10 : memref<64x128xf32, #tpu.memory_space<vmem>>) offsets(%dma_start3A_667 : memref<64xi32, #tpu.memory_space<vmem>>) semaphore(%arg15 : memref<!tpu.dma_semaphore, #tpu.memory_space<semaphore_mem>>)
      %add3A_671 = arith.constant 5 : i32
      %add3A_672 = arith.addi %mul3A_337, %add3A_671 : i32
      %dma_wait3A_673 = arith.constant 0 : i32
      %dma_wait3A_674 = arith.constant 0 : i32
      %dma_wait3A_675 = arith.constant 0 : i32
      %dma_wait3A_676 = arith.constant 0 : i32
      %dma_wait3A_677 = tpu.memref_slice %arg6[%dma_wait3A_673, %dma_wait3A_675, %dma_wait3A_676] : memref<8x2x64xi32, #tpu.memory_space<vmem>> -> memref<1x2x64xi32, #tpu.memory_space<vmem>>
      %dma_wait3A_678 = tpu.memref_squeeze %dma_wait3A_677 : memref<1x2x64xi32, #tpu.memory_space<vmem>> -> memref<2x64xi32, #tpu.memory_space<vmem>>
      %dma_wait3A_679 = arith.constant 0 : i32
      %dma_wait3A_680 = tpu.memref_slice %dma_wait3A_678[%dma_wait3A_674, %dma_wait3A_679] : memref<2x64xi32, #tpu.memory_space<vmem>> -> memref<1x64xi32, #tpu.memory_space<vmem>>
      %dma_wait3A_681 = tpu.memref_squeeze %dma_wait3A_680 : memref<1x64xi32, #tpu.memory_space<vmem>> -> memref<64xi32, #tpu.memory_space<vmem>>
      %dma_wait3A_682 = arith.constant 0 : i32
      %dma_wait3A_683 = arith.constant 0 : i32
      %dma_wait3A_684 = tpu.memref_slice %arg2[%dma_wait3A_682, %dma_wait3A_683] : memref<10240x128xf32, #tpu.memory_space<hbm>> -> memref<10240x128xf32, #tpu.memory_space<hbm>>
      tpu.wait_indirect_dma semaphore(%arg13 : memref<!tpu.dma_semaphore, #tpu.memory_space<semaphore_mem>>) src(%dma_wait3A_684 : memref<10240x128xf32, #tpu.memory_space<hbm>>) dst(%arg8 : memref<64x128xf32, #tpu.memory_space<vmem>>)
      %run_scoped3A_685 = arith.constant 5 : i32
      %run_scoped3A_686 = arith.constant 1 : i32
      "tpu.region"() ({
        %run_scoped3A_872 = tpu.sem_alloc : memref<!tpu.dma_semaphore, #tpu.memory_space<semaphore_mem>>
        %dma_start3A_873 = arith.constant 0 : i32
        %dma_start3A_874 = arith.constant 0 : i32
        %dma_start3A_875 = tpu.memref_slice %arg6[%run_scoped3A_685, %dma_start3A_873, %dma_start3A_874] : memref<8x2x64xi32, #tpu.memory_space<vmem>> -> memref<1x2x64xi32, #tpu.memory_space<vmem>>
        %dma_start3A_876 = tpu.memref_squeeze %dma_start3A_875 : memref<1x2x64xi32, #tpu.memory_space<vmem>> -> memref<2x64xi32, #tpu.memory_space<vmem>>
        %dma_start3A_877 = arith.constant 0 : i32
        %dma_start3A_878 = tpu.memref_slice %dma_start3A_876[%run_scoped3A_686, %dma_start3A_877] : memref<2x64xi32, #tpu.memory_space<vmem>> -> memref<1x64xi32, #tpu.memory_space<vmem>>
        %dma_start3A_879 = tpu.memref_squeeze %dma_start3A_878 : memref<1x64xi32, #tpu.memory_space<vmem>> -> memref<64xi32, #tpu.memory_space<vmem>>
        %dma_start3A_880 = arith.constant 0 : i32
        %dma_start3A_881 = arith.constant 0 : i32
        %dma_start3A_882 = tpu.memref_slice %arg11[%dma_start3A_880, %dma_start3A_881] : memref<10240x128xf32, #tpu.memory_space<vmem_shared>> -> memref<10240x128xf32, #tpu.memory_space<vmem_shared>>
        tpu.enqueue_indirect_dma source(%arg8 : memref<64x128xf32, #tpu.memory_space<vmem>>) target(%dma_start3A_882 : memref<10240x128xf32, #tpu.memory_space<vmem_shared>>) offsets(%dma_start3A_879 : memref<64xi32, #tpu.memory_space<vmem>>) semaphore(%run_scoped3A_872 : memref<!tpu.dma_semaphore, #tpu.memory_space<semaphore_mem>>) {add = true}
        %dma_wait3A_883 = arith.constant 0 : i32
        %dma_wait3A_884 = arith.constant 0 : i32
        %dma_wait3A_885 = tpu.memref_slice %arg6[%run_scoped3A_685, %dma_wait3A_883, %dma_wait3A_884] : memref<8x2x64xi32, #tpu.memory_space<vmem>> -> memref<1x2x64xi32, #tpu.memory_space<vmem>>
        %dma_wait3A_886 = tpu.memref_squeeze %dma_wait3A_885 : memref<1x2x64xi32, #tpu.memory_space<vmem>> -> memref<2x64xi32, #tpu.memory_space<vmem>>
        %dma_wait3A_887 = arith.constant 0 : i32
        %dma_wait3A_888 = tpu.memref_slice %dma_wait3A_886[%run_scoped3A_686, %dma_wait3A_887] : memref<2x64xi32, #tpu.memory_space<vmem>> -> memref<1x64xi32, #tpu.memory_space<vmem>>
        %dma_wait3A_889 = tpu.memref_squeeze %dma_wait3A_888 : memref<1x64xi32, #tpu.memory_space<vmem>> -> memref<64xi32, #tpu.memory_space<vmem>>
        %dma_wait3A_890 = arith.constant 0 : i32
        %dma_wait3A_891 = arith.constant 0 : i32
        %dma_wait3A_892 = tpu.memref_slice %arg11[%dma_wait3A_890, %dma_wait3A_891] : memref<10240x128xf32, #tpu.memory_space<vmem_shared>> -> memref<10240x128xf32, #tpu.memory_space<vmem_shared>>
        tpu.wait_indirect_dma semaphore(%run_scoped3A_872 : memref<!tpu.dma_semaphore, #tpu.memory_space<semaphore_mem>>) src(%arg8 : memref<64x128xf32, #tpu.memory_space<vmem>>) dst(%dma_wait3A_892 : memref<10240x128xf32, #tpu.memory_space<vmem_shared>>)
        tpu.yield
      }) : () -> ()
      %add3A_687 = arith.constant 7 : i32
      %add3A_688 = arith.addi %add3A_672, %add3A_687 : i32
      %min3A_689 = arith.constant 159 : i32
      %min3A_690 = arith.minsi %add3A_688, %min3A_689 : i32
      %dma_start3A_691 = arith.constant 4 : i32
      %dma_start3A_692 = arith.constant 0 : i32
      %dma_start3A_693 = arith.constant 0 : i32
      %dma_start3A_694 = tpu.memref_slice %arg6[%dma_start3A_691, %dma_start3A_692, %dma_start3A_693] : memref<8x2x64xi32, #tpu.memory_space<vmem>> -> memref<1x2x64xi32, #tpu.memory_space<vmem>>
      %dma_start3A_695 = tpu.memref_squeeze %dma_start3A_694 : memref<1x2x64xi32, #tpu.memory_space<vmem>> -> memref<2x64xi32, #tpu.memory_space<vmem>>
      %dma_start3A_696 = arith.constant 0 : i32
      %dma_start3A_697 = arith.constant 0 : i32
      %dma_start3A_698 = tpu.memref_slice %arg3[%add3A, %min3A_690, %dma_start3A_696, %dma_start3A_697] : memref<32x160x2x64xi32, #tpu.memory_space<hbm>> -> memref<1x1x2x64xi32, #tpu.memory_space<hbm>>
      %dma_start3A_699 = tpu.memref_squeeze %dma_start3A_698 : memref<1x1x2x64xi32, #tpu.memory_space<hbm>> -> memref<2x64xi32, #tpu.memory_space<hbm>>
      %dma_start3A_700 = arith.constant 0 : i32
      %dma_start3A_701 = arith.constant 0 : i32
      %dma_start3A_702 = tpu.memref_slice %arg6[%dma_start3A_691, %dma_start3A_700, %dma_start3A_701] : memref<8x2x64xi32, #tpu.memory_space<vmem>> -> memref<1x2x64xi32, #tpu.memory_space<vmem>>
      %dma_start3A_703 = tpu.memref_squeeze %dma_start3A_702 : memref<1x2x64xi32, #tpu.memory_space<vmem>> -> memref<2x64xi32, #tpu.memory_space<vmem>>
      %dma_start3A_704 = arith.constant 0 : i32
      %dma_start3A_705 = arith.constant 0 : i32
      %dma_start3A_706 = tpu.memref_slice %arg3[%add3A, %min3A_690, %dma_start3A_704, %dma_start3A_705] : memref<32x160x2x64xi32, #tpu.memory_space<hbm>> -> memref<1x1x2x64xi32, #tpu.memory_space<hbm>>
      %dma_start3A_707 = tpu.memref_squeeze %dma_start3A_706 : memref<1x1x2x64xi32, #tpu.memory_space<hbm>> -> memref<2x64xi32, #tpu.memory_space<hbm>>
      tpu.enqueue_dma source(%dma_start3A_707 : memref<2x64xi32, #tpu.memory_space<hbm>>) target(%dma_start3A_703 : memref<2x64xi32, #tpu.memory_space<vmem>>) target_semaphore(%arg20 : memref<!tpu.dma_semaphore, #tpu.memory_space<semaphore_mem>>)
      %dma_wait3A_708 = arith.constant 0 : i32
      %dma_wait3A_709 = arith.constant 0 : i32
      %dma_wait3A_710 = arith.constant 0 : i32
      %dma_wait3A_711 = arith.constant 0 : i32
      %dma_wait3A_712 = tpu.memref_slice %arg6[%dma_wait3A_709, %dma_wait3A_710, %dma_wait3A_711] : memref<8x2x64xi32, #tpu.memory_space<vmem>> -> memref<1x2x64xi32, #tpu.memory_space<vmem>>
      %dma_wait3A_713 = tpu.memref_squeeze %dma_wait3A_712 : memref<1x2x64xi32, #tpu.memory_space<vmem>> -> memref<2x64xi32, #tpu.memory_space<vmem>>
      %dma_wait3A_714 = arith.constant 0 : i32
      %dma_wait3A_715 = arith.constant 0 : i32
      %dma_wait3A_716 = tpu.memref_slice %arg3[%add3A, %dma_wait3A_708, %dma_wait3A_714, %dma_wait3A_715] : memref<32x160x2x64xi32, #tpu.memory_space<hbm>> -> memref<1x1x2x64xi32, #tpu.memory_space<hbm>>
      %dma_wait3A_717 = tpu.memref_squeeze %dma_wait3A_716 : memref<1x1x2x64xi32, #tpu.memory_space<hbm>> -> memref<2x64xi32, #tpu.memory_space<hbm>>
      %dma_wait3A_718 = arith.constant 0 : i32
      %dma_wait3A_719 = arith.constant 0 : i32
      %dma_wait3A_720 = tpu.memref_slice %arg6[%dma_wait3A_709, %dma_wait3A_718, %dma_wait3A_719] : memref<8x2x64xi32, #tpu.memory_space<vmem>> -> memref<1x2x64xi32, #tpu.memory_space<vmem>>
      %dma_wait3A_721 = tpu.memref_squeeze %dma_wait3A_720 : memref<1x2x64xi32, #tpu.memory_space<vmem>> -> memref<2x64xi32, #tpu.memory_space<vmem>>
      %dma_wait3A_722 = arith.constant 0 : i32
      %dma_wait3A_723 = arith.constant 0 : i32
      %dma_wait3A_724 = tpu.memref_slice %arg3[%add3A, %dma_wait3A_708, %dma_wait3A_722, %dma_wait3A_723] : memref<32x160x2x64xi32, #tpu.memory_space<hbm>> -> memref<1x1x2x64xi32, #tpu.memory_space<hbm>>
      %dma_wait3A_725 = tpu.memref_squeeze %dma_wait3A_724 : memref<1x1x2x64xi32, #tpu.memory_space<hbm>> -> memref<2x64xi32, #tpu.memory_space<hbm>>
      tpu.wait_dma2 semaphore(%arg16 : memref<!tpu.dma_semaphore, #tpu.memory_space<semaphore_mem>>) src(%dma_wait3A_725 : memref<2x64xi32, #tpu.memory_space<hbm>>) dst(%dma_wait3A_721 : memref<2x64xi32, #tpu.memory_space<vmem>>)
      %dma_start3A_726 = arith.constant 0 : i32
      %dma_start3A_727 = arith.constant 0 : i32
      %dma_start3A_728 = arith.constant 0 : i32
      %dma_start3A_729 = arith.constant 0 : i32
      %dma_start3A_730 = tpu.memref_slice %arg6[%dma_start3A_726, %dma_start3A_728, %dma_start3A_729] : memref<8x2x64xi32, #tpu.memory_space<vmem>> -> memref<1x2x64xi32, #tpu.memory_space<vmem>>
      %dma_start3A_731 = tpu.memref_squeeze %dma_start3A_730 : memref<1x2x64xi32, #tpu.memory_space<vmem>> -> memref<2x64xi32, #tpu.memory_space<vmem>>
      %dma_start3A_732 = arith.constant 0 : i32
      %dma_start3A_733 = tpu.memref_slice %dma_start3A_731[%dma_start3A_727, %dma_start3A_732] : memref<2x64xi32, #tpu.memory_space<vmem>> -> memref<1x64xi32, #tpu.memory_space<vmem>>
      %dma_start3A_734 = tpu.memref_squeeze %dma_start3A_733 : memref<1x64xi32, #tpu.memory_space<vmem>> -> memref<64xi32, #tpu.memory_space<vmem>>
      %dma_start3A_735 = arith.constant 0 : i32
      %dma_start3A_736 = arith.constant 0 : i32
      %dma_start3A_737 = tpu.memref_slice %arg2[%dma_start3A_735, %dma_start3A_736] : memref<10240x128xf32, #tpu.memory_space<hbm>> -> memref<10240x128xf32, #tpu.memory_space<hbm>>
      tpu.enqueue_indirect_dma source(%dma_start3A_737 : memref<10240x128xf32, #tpu.memory_space<hbm>>) target(%arg7 : memref<64x128xf32, #tpu.memory_space<vmem>>) offsets(%dma_start3A_734 : memref<64xi32, #tpu.memory_space<vmem>>) semaphore(%arg12 : memref<!tpu.dma_semaphore, #tpu.memory_space<semaphore_mem>>)
      %add3A_738 = arith.constant 6 : i32
      %add3A_739 = arith.addi %mul3A_337, %add3A_738 : i32
      %dma_wait3A_740 = arith.constant 1 : i32
      %dma_wait3A_741 = arith.constant 0 : i32
      %dma_wait3A_742 = arith.constant 0 : i32
      %dma_wait3A_743 = arith.constant 0 : i32
      %dma_wait3A_744 = tpu.memref_slice %arg6[%dma_wait3A_740, %dma_wait3A_742, %dma_wait3A_743] : memref<8x2x64xi32, #tpu.memory_space<vmem>> -> memref<1x2x64xi32, #tpu.memory_space<vmem>>
      %dma_wait3A_745 = tpu.memref_squeeze %dma_wait3A_744 : memref<1x2x64xi32, #tpu.memory_space<vmem>> -> memref<2x64xi32, #tpu.memory_space<vmem>>
      %dma_wait3A_746 = arith.constant 0 : i32
      %dma_wait3A_747 = tpu.memref_slice %dma_wait3A_745[%dma_wait3A_741, %dma_wait3A_746] : memref<2x64xi32, #tpu.memory_space<vmem>> -> memref<1x64xi32, #tpu.memory_space<vmem>>
      %dma_wait3A_748 = tpu.memref_squeeze %dma_wait3A_747 : memref<1x64xi32, #tpu.memory_space<vmem>> -> memref<64xi32, #tpu.memory_space<vmem>>
      %dma_wait3A_749 = arith.constant 0 : i32
      %dma_wait3A_750 = arith.constant 0 : i32
      %dma_wait3A_751 = tpu.memref_slice %arg2[%dma_wait3A_749, %dma_wait3A_750] : memref<10240x128xf32, #tpu.memory_space<hbm>> -> memref<10240x128xf32, #tpu.memory_space<hbm>>
      tpu.wait_indirect_dma semaphore(%arg14 : memref<!tpu.dma_semaphore, #tpu.memory_space<semaphore_mem>>) src(%dma_wait3A_751 : memref<10240x128xf32, #tpu.memory_space<hbm>>) dst(%arg9 : memref<64x128xf32, #tpu.memory_space<vmem>>)
      %run_scoped3A_752 = arith.constant 6 : i32
      %run_scoped3A_753 = arith.constant 1 : i32
      "tpu.region"() ({
        %run_scoped3A_872 = tpu.sem_alloc : memref<!tpu.dma_semaphore, #tpu.memory_space<semaphore_mem>>
        %dma_start3A_873 = arith.constant 0 : i32
        %dma_start3A_874 = arith.constant 0 : i32
        %dma_start3A_875 = tpu.memref_slice %arg6[%run_scoped3A_752, %dma_start3A_873, %dma_start3A_874] : memref<8x2x64xi32, #tpu.memory_space<vmem>> -> memref<1x2x64xi32, #tpu.memory_space<vmem>>
        %dma_start3A_876 = tpu.memref_squeeze %dma_start3A_875 : memref<1x2x64xi32, #tpu.memory_space<vmem>> -> memref<2x64xi32, #tpu.memory_space<vmem>>
        %dma_start3A_877 = arith.constant 0 : i32
        %dma_start3A_878 = tpu.memref_slice %dma_start3A_876[%run_scoped3A_753, %dma_start3A_877] : memref<2x64xi32, #tpu.memory_space<vmem>> -> memref<1x64xi32, #tpu.memory_space<vmem>>
        %dma_start3A_879 = tpu.memref_squeeze %dma_start3A_878 : memref<1x64xi32, #tpu.memory_space<vmem>> -> memref<64xi32, #tpu.memory_space<vmem>>
        %dma_start3A_880 = arith.constant 0 : i32
        %dma_start3A_881 = arith.constant 0 : i32
        %dma_start3A_882 = tpu.memref_slice %arg11[%dma_start3A_880, %dma_start3A_881] : memref<10240x128xf32, #tpu.memory_space<vmem_shared>> -> memref<10240x128xf32, #tpu.memory_space<vmem_shared>>
        tpu.enqueue_indirect_dma source(%arg9 : memref<64x128xf32, #tpu.memory_space<vmem>>) target(%dma_start3A_882 : memref<10240x128xf32, #tpu.memory_space<vmem_shared>>) offsets(%dma_start3A_879 : memref<64xi32, #tpu.memory_space<vmem>>) semaphore(%run_scoped3A_872 : memref<!tpu.dma_semaphore, #tpu.memory_space<semaphore_mem>>) {add = true}
        %dma_wait3A_883 = arith.constant 0 : i32
        %dma_wait3A_884 = arith.constant 0 : i32
        %dma_wait3A_885 = tpu.memref_slice %arg6[%run_scoped3A_752, %dma_wait3A_883, %dma_wait3A_884] : memref<8x2x64xi32, #tpu.memory_space<vmem>> -> memref<1x2x64xi32, #tpu.memory_space<vmem>>
        %dma_wait3A_886 = tpu.memref_squeeze %dma_wait3A_885 : memref<1x2x64xi32, #tpu.memory_space<vmem>> -> memref<2x64xi32, #tpu.memory_space<vmem>>
        %dma_wait3A_887 = arith.constant 0 : i32
        %dma_wait3A_888 = tpu.memref_slice %dma_wait3A_886[%run_scoped3A_753, %dma_wait3A_887] : memref<2x64xi32, #tpu.memory_space<vmem>> -> memref<1x64xi32, #tpu.memory_space<vmem>>
        %dma_wait3A_889 = tpu.memref_squeeze %dma_wait3A_888 : memref<1x64xi32, #tpu.memory_space<vmem>> -> memref<64xi32, #tpu.memory_space<vmem>>
        %dma_wait3A_890 = arith.constant 0 : i32
        %dma_wait3A_891 = arith.constant 0 : i32
        %dma_wait3A_892 = tpu.memref_slice %arg11[%dma_wait3A_890, %dma_wait3A_891] : memref<10240x128xf32, #tpu.memory_space<vmem_shared>> -> memref<10240x128xf32, #tpu.memory_space<vmem_shared>>
        tpu.wait_indirect_dma semaphore(%run_scoped3A_872 : memref<!tpu.dma_semaphore, #tpu.memory_space<semaphore_mem>>) src(%arg9 : memref<64x128xf32, #tpu.memory_space<vmem>>) dst(%dma_wait3A_892 : memref<10240x128xf32, #tpu.memory_space<vmem_shared>>)
        tpu.yield
      }) : () -> ()
      %add3A_754 = arith.constant 7 : i32
      %add3A_755 = arith.addi %add3A_739, %add3A_754 : i32
      %min3A_756 = arith.constant 159 : i32
      %min3A_757 = arith.minsi %add3A_755, %min3A_756 : i32
      %dma_start3A_758 = arith.constant 5 : i32
      %dma_start3A_759 = arith.constant 0 : i32
      %dma_start3A_760 = arith.constant 0 : i32
      %dma_start3A_761 = tpu.memref_slice %arg6[%dma_start3A_758, %dma_start3A_759, %dma_start3A_760] : memref<8x2x64xi32, #tpu.memory_space<vmem>> -> memref<1x2x64xi32, #tpu.memory_space<vmem>>
      %dma_start3A_762 = tpu.memref_squeeze %dma_start3A_761 : memref<1x2x64xi32, #tpu.memory_space<vmem>> -> memref<2x64xi32, #tpu.memory_space<vmem>>
      %dma_start3A_763 = arith.constant 0 : i32
      %dma_start3A_764 = arith.constant 0 : i32
      %dma_start3A_765 = tpu.memref_slice %arg3[%add3A, %min3A_757, %dma_start3A_763, %dma_start3A_764] : memref<32x160x2x64xi32, #tpu.memory_space<hbm>> -> memref<1x1x2x64xi32, #tpu.memory_space<hbm>>
      %dma_start3A_766 = tpu.memref_squeeze %dma_start3A_765 : memref<1x1x2x64xi32, #tpu.memory_space<hbm>> -> memref<2x64xi32, #tpu.memory_space<hbm>>
      %dma_start3A_767 = arith.constant 0 : i32
      %dma_start3A_768 = arith.constant 0 : i32
      %dma_start3A_769 = tpu.memref_slice %arg6[%dma_start3A_758, %dma_start3A_767, %dma_start3A_768] : memref<8x2x64xi32, #tpu.memory_space<vmem>> -> memref<1x2x64xi32, #tpu.memory_space<vmem>>
      %dma_start3A_770 = tpu.memref_squeeze %dma_start3A_769 : memref<1x2x64xi32, #tpu.memory_space<vmem>> -> memref<2x64xi32, #tpu.memory_space<vmem>>
      %dma_start3A_771 = arith.constant 0 : i32
      %dma_start3A_772 = arith.constant 0 : i32
      %dma_start3A_773 = tpu.memref_slice %arg3[%add3A, %min3A_757, %dma_start3A_771, %dma_start3A_772] : memref<32x160x2x64xi32, #tpu.memory_space<hbm>> -> memref<1x1x2x64xi32, #tpu.memory_space<hbm>>
      %dma_start3A_774 = tpu.memref_squeeze %dma_start3A_773 : memref<1x1x2x64xi32, #tpu.memory_space<hbm>> -> memref<2x64xi32, #tpu.memory_space<hbm>>
      tpu.enqueue_dma source(%dma_start3A_774 : memref<2x64xi32, #tpu.memory_space<hbm>>) target(%dma_start3A_770 : memref<2x64xi32, #tpu.memory_space<vmem>>) target_semaphore(%arg21 : memref<!tpu.dma_semaphore, #tpu.memory_space<semaphore_mem>>)
      %dma_wait3A_775 = arith.constant 0 : i32
      %dma_wait3A_776 = arith.constant 1 : i32
      %dma_wait3A_777 = arith.constant 0 : i32
      %dma_wait3A_778 = arith.constant 0 : i32
      %dma_wait3A_779 = tpu.memref_slice %arg6[%dma_wait3A_776, %dma_wait3A_777, %dma_wait3A_778] : memref<8x2x64xi32, #tpu.memory_space<vmem>> -> memref<1x2x64xi32, #tpu.memory_space<vmem>>
      %dma_wait3A_780 = tpu.memref_squeeze %dma_wait3A_779 : memref<1x2x64xi32, #tpu.memory_space<vmem>> -> memref<2x64xi32, #tpu.memory_space<vmem>>
      %dma_wait3A_781 = arith.constant 0 : i32
      %dma_wait3A_782 = arith.constant 0 : i32
      %dma_wait3A_783 = tpu.memref_slice %arg3[%add3A, %dma_wait3A_775, %dma_wait3A_781, %dma_wait3A_782] : memref<32x160x2x64xi32, #tpu.memory_space<hbm>> -> memref<1x1x2x64xi32, #tpu.memory_space<hbm>>
      %dma_wait3A_784 = tpu.memref_squeeze %dma_wait3A_783 : memref<1x1x2x64xi32, #tpu.memory_space<hbm>> -> memref<2x64xi32, #tpu.memory_space<hbm>>
      %dma_wait3A_785 = arith.constant 0 : i32
      %dma_wait3A_786 = arith.constant 0 : i32
      %dma_wait3A_787 = tpu.memref_slice %arg6[%dma_wait3A_776, %dma_wait3A_785, %dma_wait3A_786] : memref<8x2x64xi32, #tpu.memory_space<vmem>> -> memref<1x2x64xi32, #tpu.memory_space<vmem>>
      %dma_wait3A_788 = tpu.memref_squeeze %dma_wait3A_787 : memref<1x2x64xi32, #tpu.memory_space<vmem>> -> memref<2x64xi32, #tpu.memory_space<vmem>>
      %dma_wait3A_789 = arith.constant 0 : i32
      %dma_wait3A_790 = arith.constant 0 : i32
      %dma_wait3A_791 = tpu.memref_slice %arg3[%add3A, %dma_wait3A_775, %dma_wait3A_789, %dma_wait3A_790] : memref<32x160x2x64xi32, #tpu.memory_space<hbm>> -> memref<1x1x2x64xi32, #tpu.memory_space<hbm>>
      %dma_wait3A_792 = tpu.memref_squeeze %dma_wait3A_791 : memref<1x1x2x64xi32, #tpu.memory_space<hbm>> -> memref<2x64xi32, #tpu.memory_space<hbm>>
      tpu.wait_dma2 semaphore(%arg17 : memref<!tpu.dma_semaphore, #tpu.memory_space<semaphore_mem>>) src(%dma_wait3A_792 : memref<2x64xi32, #tpu.memory_space<hbm>>) dst(%dma_wait3A_788 : memref<2x64xi32, #tpu.memory_space<vmem>>)
      %dma_start3A_793 = arith.constant 1 : i32
      %dma_start3A_794 = arith.constant 0 : i32
      %dma_start3A_795 = arith.constant 0 : i32
      %dma_start3A_796 = arith.constant 0 : i32
      %dma_start3A_797 = tpu.memref_slice %arg6[%dma_start3A_793, %dma_start3A_795, %dma_start3A_796] : memref<8x2x64xi32, #tpu.memory_space<vmem>> -> memref<1x2x64xi32, #tpu.memory_space<vmem>>
      %dma_start3A_798 = tpu.memref_squeeze %dma_start3A_797 : memref<1x2x64xi32, #tpu.memory_space<vmem>> -> memref<2x64xi32, #tpu.memory_space<vmem>>
      %dma_start3A_799 = arith.constant 0 : i32
      %dma_start3A_800 = tpu.memref_slice %dma_start3A_798[%dma_start3A_794, %dma_start3A_799] : memref<2x64xi32, #tpu.memory_space<vmem>> -> memref<1x64xi32, #tpu.memory_space<vmem>>
      %dma_start3A_801 = tpu.memref_squeeze %dma_start3A_800 : memref<1x64xi32, #tpu.memory_space<vmem>> -> memref<64xi32, #tpu.memory_space<vmem>>
      %dma_start3A_802 = arith.constant 0 : i32
      %dma_start3A_803 = arith.constant 0 : i32
      %dma_start3A_804 = tpu.memref_slice %arg2[%dma_start3A_802, %dma_start3A_803] : memref<10240x128xf32, #tpu.memory_space<hbm>> -> memref<10240x128xf32, #tpu.memory_space<hbm>>
      tpu.enqueue_indirect_dma source(%dma_start3A_804 : memref<10240x128xf32, #tpu.memory_space<hbm>>) target(%arg8 : memref<64x128xf32, #tpu.memory_space<vmem>>) offsets(%dma_start3A_801 : memref<64xi32, #tpu.memory_space<vmem>>) semaphore(%arg13 : memref<!tpu.dma_semaphore, #tpu.memory_space<semaphore_mem>>)
      %add3A_805 = arith.constant 7 : i32
      %add3A_806 = arith.addi %mul3A_337, %add3A_805 : i32
      %dma_wait3A_807 = arith.constant 2 : i32
      %dma_wait3A_808 = arith.constant 0 : i32
      %dma_wait3A_809 = arith.constant 0 : i32
      %dma_wait3A_810 = arith.constant 0 : i32
      %dma_wait3A_811 = tpu.memref_slice %arg6[%dma_wait3A_807, %dma_wait3A_809, %dma_wait3A_810] : memref<8x2x64xi32, #tpu.memory_space<vmem>> -> memref<1x2x64xi32, #tpu.memory_space<vmem>>
      %dma_wait3A_812 = tpu.memref_squeeze %dma_wait3A_811 : memref<1x2x64xi32, #tpu.memory_space<vmem>> -> memref<2x64xi32, #tpu.memory_space<vmem>>
      %dma_wait3A_813 = arith.constant 0 : i32
      %dma_wait3A_814 = tpu.memref_slice %dma_wait3A_812[%dma_wait3A_808, %dma_wait3A_813] : memref<2x64xi32, #tpu.memory_space<vmem>> -> memref<1x64xi32, #tpu.memory_space<vmem>>
      %dma_wait3A_815 = tpu.memref_squeeze %dma_wait3A_814 : memref<1x64xi32, #tpu.memory_space<vmem>> -> memref<64xi32, #tpu.memory_space<vmem>>
      %dma_wait3A_816 = arith.constant 0 : i32
      %dma_wait3A_817 = arith.constant 0 : i32
      %dma_wait3A_818 = tpu.memref_slice %arg2[%dma_wait3A_816, %dma_wait3A_817] : memref<10240x128xf32, #tpu.memory_space<hbm>> -> memref<10240x128xf32, #tpu.memory_space<hbm>>
      tpu.wait_indirect_dma semaphore(%arg15 : memref<!tpu.dma_semaphore, #tpu.memory_space<semaphore_mem>>) src(%dma_wait3A_818 : memref<10240x128xf32, #tpu.memory_space<hbm>>) dst(%arg10 : memref<64x128xf32, #tpu.memory_space<vmem>>)
      %run_scoped3A_819 = arith.constant 7 : i32
      %run_scoped3A_820 = arith.constant 1 : i32
      "tpu.region"() ({
        %run_scoped3A_872 = tpu.sem_alloc : memref<!tpu.dma_semaphore, #tpu.memory_space<semaphore_mem>>
        %dma_start3A_873 = arith.constant 0 : i32
        %dma_start3A_874 = arith.constant 0 : i32
        %dma_start3A_875 = tpu.memref_slice %arg6[%run_scoped3A_819, %dma_start3A_873, %dma_start3A_874] : memref<8x2x64xi32, #tpu.memory_space<vmem>> -> memref<1x2x64xi32, #tpu.memory_space<vmem>>
        %dma_start3A_876 = tpu.memref_squeeze %dma_start3A_875 : memref<1x2x64xi32, #tpu.memory_space<vmem>> -> memref<2x64xi32, #tpu.memory_space<vmem>>
        %dma_start3A_877 = arith.constant 0 : i32
        %dma_start3A_878 = tpu.memref_slice %dma_start3A_876[%run_scoped3A_820, %dma_start3A_877] : memref<2x64xi32, #tpu.memory_space<vmem>> -> memref<1x64xi32, #tpu.memory_space<vmem>>
        %dma_start3A_879 = tpu.memref_squeeze %dma_start3A_878 : memref<1x64xi32, #tpu.memory_space<vmem>> -> memref<64xi32, #tpu.memory_space<vmem>>
        %dma_start3A_880 = arith.constant 0 : i32
        %dma_start3A_881 = arith.constant 0 : i32
        %dma_start3A_882 = tpu.memref_slice %arg11[%dma_start3A_880, %dma_start3A_881] : memref<10240x128xf32, #tpu.memory_space<vmem_shared>> -> memref<10240x128xf32, #tpu.memory_space<vmem_shared>>
        tpu.enqueue_indirect_dma source(%arg10 : memref<64x128xf32, #tpu.memory_space<vmem>>) target(%dma_start3A_882 : memref<10240x128xf32, #tpu.memory_space<vmem_shared>>) offsets(%dma_start3A_879 : memref<64xi32, #tpu.memory_space<vmem>>) semaphore(%run_scoped3A_872 : memref<!tpu.dma_semaphore, #tpu.memory_space<semaphore_mem>>) {add = true}
        %dma_wait3A_883 = arith.constant 0 : i32
        %dma_wait3A_884 = arith.constant 0 : i32
        %dma_wait3A_885 = tpu.memref_slice %arg6[%run_scoped3A_819, %dma_wait3A_883, %dma_wait3A_884] : memref<8x2x64xi32, #tpu.memory_space<vmem>> -> memref<1x2x64xi32, #tpu.memory_space<vmem>>
        %dma_wait3A_886 = tpu.memref_squeeze %dma_wait3A_885 : memref<1x2x64xi32, #tpu.memory_space<vmem>> -> memref<2x64xi32, #tpu.memory_space<vmem>>
        %dma_wait3A_887 = arith.constant 0 : i32
        %dma_wait3A_888 = tpu.memref_slice %dma_wait3A_886[%run_scoped3A_820, %dma_wait3A_887] : memref<2x64xi32, #tpu.memory_space<vmem>> -> memref<1x64xi32, #tpu.memory_space<vmem>>
        %dma_wait3A_889 = tpu.memref_squeeze %dma_wait3A_888 : memref<1x64xi32, #tpu.memory_space<vmem>> -> memref<64xi32, #tpu.memory_space<vmem>>
        %dma_wait3A_890 = arith.constant 0 : i32
        %dma_wait3A_891 = arith.constant 0 : i32
        %dma_wait3A_892 = tpu.memref_slice %arg11[%dma_wait3A_890, %dma_wait3A_891] : memref<10240x128xf32, #tpu.memory_space<vmem_shared>> -> memref<10240x128xf32, #tpu.memory_space<vmem_shared>>
        tpu.wait_indirect_dma semaphore(%run_scoped3A_872 : memref<!tpu.dma_semaphore, #tpu.memory_space<semaphore_mem>>) src(%arg10 : memref<64x128xf32, #tpu.memory_space<vmem>>) dst(%dma_wait3A_892 : memref<10240x128xf32, #tpu.memory_space<vmem_shared>>)
        tpu.yield
      }) : () -> ()
      %add3A_821 = arith.constant 7 : i32
      %add3A_822 = arith.addi %add3A_806, %add3A_821 : i32
      %min3A_823 = arith.constant 159 : i32
      %min3A_824 = arith.minsi %add3A_822, %min3A_823 : i32
      %dma_start3A_825 = arith.constant 6 : i32
      %dma_start3A_826 = arith.constant 0 : i32
      %dma_start3A_827 = arith.constant 0 : i32
      %dma_start3A_828 = tpu.memref_slice %arg6[%dma_start3A_825, %dma_start3A_826, %dma_start3A_827] : memref<8x2x64xi32, #tpu.memory_space<vmem>> -> memref<1x2x64xi32, #tpu.memory_space<vmem>>
      %dma_start3A_829 = tpu.memref_squeeze %dma_start3A_828 : memref<1x2x64xi32, #tpu.memory_space<vmem>> -> memref<2x64xi32, #tpu.memory_space<vmem>>
      %dma_start3A_830 = arith.constant 0 : i32
      %dma_start3A_831 = arith.constant 0 : i32
      %dma_start3A_832 = tpu.memref_slice %arg3[%add3A, %min3A_824, %dma_start3A_830, %dma_start3A_831] : memref<32x160x2x64xi32, #tpu.memory_space<hbm>> -> memref<1x1x2x64xi32, #tpu.memory_space<hbm>>
      %dma_start3A_833 = tpu.memref_squeeze %dma_start3A_832 : memref<1x1x2x64xi32, #tpu.memory_space<hbm>> -> memref<2x64xi32, #tpu.memory_space<hbm>>
      %dma_start3A_834 = arith.constant 0 : i32
      %dma_start3A_835 = arith.constant 0 : i32
      %dma_start3A_836 = tpu.memref_slice %arg6[%dma_start3A_825, %dma_start3A_834, %dma_start3A_835] : memref<8x2x64xi32, #tpu.memory_space<vmem>> -> memref<1x2x64xi32, #tpu.memory_space<vmem>>
      %dma_start3A_837 = tpu.memref_squeeze %dma_start3A_836 : memref<1x2x64xi32, #tpu.memory_space<vmem>> -> memref<2x64xi32, #tpu.memory_space<vmem>>
      %dma_start3A_838 = arith.constant 0 : i32
      %dma_start3A_839 = arith.constant 0 : i32
      %dma_start3A_840 = tpu.memref_slice %arg3[%add3A, %min3A_824, %dma_start3A_838, %dma_start3A_839] : memref<32x160x2x64xi32, #tpu.memory_space<hbm>> -> memref<1x1x2x64xi32, #tpu.memory_space<hbm>>
      %dma_start3A_841 = tpu.memref_squeeze %dma_start3A_840 : memref<1x1x2x64xi32, #tpu.memory_space<hbm>> -> memref<2x64xi32, #tpu.memory_space<hbm>>
      tpu.enqueue_dma source(%dma_start3A_841 : memref<2x64xi32, #tpu.memory_space<hbm>>) target(%dma_start3A_837 : memref<2x64xi32, #tpu.memory_space<vmem>>) target_semaphore(%arg22 : memref<!tpu.dma_semaphore, #tpu.memory_space<semaphore_mem>>)
      %dma_wait3A_842 = arith.constant 0 : i32
      %dma_wait3A_843 = arith.constant 2 : i32
      %dma_wait3A_844 = arith.constant 0 : i32
      %dma_wait3A_845 = arith.constant 0 : i32
      %dma_wait3A_846 = tpu.memref_slice %arg6[%dma_wait3A_843, %dma_wait3A_844, %dma_wait3A_845] : memref<8x2x64xi32, #tpu.memory_space<vmem>> -> memref<1x2x64xi32, #tpu.memory_space<vmem>>
      %dma_wait3A_847 = tpu.memref_squeeze %dma_wait3A_846 : memref<1x2x64xi32, #tpu.memory_space<vmem>> -> memref<2x64xi32, #tpu.memory_space<vmem>>
      %dma_wait3A_848 = arith.constant 0 : i32
      %dma_wait3A_849 = arith.constant 0 : i32
      %dma_wait3A_850 = tpu.memref_slice %arg3[%add3A, %dma_wait3A_842, %dma_wait3A_848, %dma_wait3A_849] : memref<32x160x2x64xi32, #tpu.memory_space<hbm>> -> memref<1x1x2x64xi32, #tpu.memory_space<hbm>>
      %dma_wait3A_851 = tpu.memref_squeeze %dma_wait3A_850 : memref<1x1x2x64xi32, #tpu.memory_space<hbm>> -> memref<2x64xi32, #tpu.memory_space<hbm>>
      %dma_wait3A_852 = arith.constant 0 : i32
      %dma_wait3A_853 = arith.constant 0 : i32
      %dma_wait3A_854 = tpu.memref_slice %arg6[%dma_wait3A_843, %dma_wait3A_852, %dma_wait3A_853] : memref<8x2x64xi32, #tpu.memory_space<vmem>> -> memref<1x2x64xi32, #tpu.memory_space<vmem>>
      %dma_wait3A_855 = tpu.memref_squeeze %dma_wait3A_854 : memref<1x2x64xi32, #tpu.memory_space<vmem>> -> memref<2x64xi32, #tpu.memory_space<vmem>>
      %dma_wait3A_856 = arith.constant 0 : i32
      %dma_wait3A_857 = arith.constant 0 : i32
      %dma_wait3A_858 = tpu.memref_slice %arg3[%add3A, %dma_wait3A_842, %dma_wait3A_856, %dma_wait3A_857] : memref<32x160x2x64xi32, #tpu.memory_space<hbm>> -> memref<1x1x2x64xi32, #tpu.memory_space<hbm>>
      %dma_wait3A_859 = tpu.memref_squeeze %dma_wait3A_858 : memref<1x1x2x64xi32, #tpu.memory_space<hbm>> -> memref<2x64xi32, #tpu.memory_space<hbm>>
      tpu.wait_dma2 semaphore(%arg18 : memref<!tpu.dma_semaphore, #tpu.memory_space<semaphore_mem>>) src(%dma_wait3A_859 : memref<2x64xi32, #tpu.memory_space<hbm>>) dst(%dma_wait3A_855 : memref<2x64xi32, #tpu.memory_space<vmem>>)
      %dma_start3A_860 = arith.constant 2 : i32
      %dma_start3A_861 = arith.constant 0 : i32
      %dma_start3A_862 = arith.constant 0 : i32
      %dma_start3A_863 = arith.constant 0 : i32
      %dma_start3A_864 = tpu.memref_slice %arg6[%dma_start3A_860, %dma_start3A_862, %dma_start3A_863] : memref<8x2x64xi32, #tpu.memory_space<vmem>> -> memref<1x2x64xi32, #tpu.memory_space<vmem>>
      %dma_start3A_865 = tpu.memref_squeeze %dma_start3A_864 : memref<1x2x64xi32, #tpu.memory_space<vmem>> -> memref<2x64xi32, #tpu.memory_space<vmem>>
      %dma_start3A_866 = arith.constant 0 : i32
      %dma_start3A_867 = tpu.memref_slice %dma_start3A_865[%dma_start3A_861, %dma_start3A_866] : memref<2x64xi32, #tpu.memory_space<vmem>> -> memref<1x64xi32, #tpu.memory_space<vmem>>
      %dma_start3A_868 = tpu.memref_squeeze %dma_start3A_867 : memref<1x64xi32, #tpu.memory_space<vmem>> -> memref<64xi32, #tpu.memory_space<vmem>>
      %dma_start3A_869 = arith.constant 0 : i32
      %dma_start3A_870 = arith.constant 0 : i32
      %dma_start3A_871 = tpu.memref_slice %arg2[%dma_start3A_869, %dma_start3A_870] : memref<10240x128xf32, #tpu.memory_space<hbm>> -> memref<10240x128xf32, #tpu.memory_space<hbm>>
      tpu.enqueue_indirect_dma source(%dma_start3A_871 : memref<10240x128xf32, #tpu.memory_space<hbm>>) target(%arg9 : memref<64x128xf32, #tpu.memory_space<vmem>>) offsets(%dma_start3A_868 : memref<64xi32, #tpu.memory_space<vmem>>) semaphore(%arg14 : memref<!tpu.dma_semaphore, #tpu.memory_space<semaphore_mem>>)
    }
    %scan3A_221 = arith.constant 20 : i32
    %dma_wait3A_222 = arith.constant 0 : i32
    %dma_wait3A_223 = arith.constant 0 : i32
    %dma_wait3A_224 = arith.constant 0 : i32
    %dma_wait3A_225 = arith.constant 0 : i32
    %dma_wait3A_226 = tpu.memref_slice %arg6[%dma_wait3A_222, %dma_wait3A_224, %dma_wait3A_225] : memref<8x2x64xi32, #tpu.memory_space<vmem>> -> memref<1x2x64xi32, #tpu.memory_space<vmem>>
    %dma_wait3A_227 = tpu.memref_squeeze %dma_wait3A_226 : memref<1x2x64xi32, #tpu.memory_space<vmem>> -> memref<2x64xi32, #tpu.memory_space<vmem>>
    %dma_wait3A_228 = arith.constant 0 : i32
    %dma_wait3A_229 = tpu.memref_slice %dma_wait3A_227[%dma_wait3A_223, %dma_wait3A_228] : memref<2x64xi32, #tpu.memory_space<vmem>> -> memref<1x64xi32, #tpu.memory_space<vmem>>
    %dma_wait3A_230 = tpu.memref_squeeze %dma_wait3A_229 : memref<1x64xi32, #tpu.memory_space<vmem>> -> memref<64xi32, #tpu.memory_space<vmem>>
    %dma_wait3A_231 = arith.constant 0 : i32
    %dma_wait3A_232 = arith.constant 0 : i32
    %dma_wait3A_233 = tpu.memref_slice %arg2[%dma_wait3A_231, %dma_wait3A_232] : memref<10240x128xf32, #tpu.memory_space<hbm>> -> memref<10240x128xf32, #tpu.memory_space<hbm>>
    tpu.wait_indirect_dma semaphore(%arg12 : memref<!tpu.dma_semaphore, #tpu.memory_space<semaphore_mem>>) src(%dma_wait3A_233 : memref<10240x128xf32, #tpu.memory_space<hbm>>) dst(%arg7 : memref<64x128xf32, #tpu.memory_space<vmem>>)
    %dma_wait3A_234 = arith.constant 0 : i32
    %dma_wait3A_235 = arith.constant 0 : i32
    %dma_wait3A_236 = arith.constant 0 : i32
    %dma_wait3A_237 = arith.constant 0 : i32
    %dma_wait3A_238 = tpu.memref_slice %arg6[%dma_wait3A_234, %dma_wait3A_236, %dma_wait3A_237] : memref<8x2x64xi32, #tpu.memory_space<vmem>> -> memref<1x2x64xi32, #tpu.memory_space<vmem>>
    %dma_wait3A_239 = tpu.memref_squeeze %dma_wait3A_238 : memref<1x2x64xi32, #tpu.memory_space<vmem>> -> memref<2x64xi32, #tpu.memory_space<vmem>>
    %dma_wait3A_240 = arith.constant 0 : i32
    %dma_wait3A_241 = tpu.memref_slice %dma_wait3A_239[%dma_wait3A_235, %dma_wait3A_240] : memref<2x64xi32, #tpu.memory_space<vmem>> -> memref<1x64xi32, #tpu.memory_space<vmem>>
    %dma_wait3A_242 = tpu.memref_squeeze %dma_wait3A_241 : memref<1x64xi32, #tpu.memory_space<vmem>> -> memref<64xi32, #tpu.memory_space<vmem>>
    %dma_wait3A_243 = arith.constant 0 : i32
    %dma_wait3A_244 = arith.constant 0 : i32
    %dma_wait3A_245 = tpu.memref_slice %arg2[%dma_wait3A_243, %dma_wait3A_244] : memref<10240x128xf32, #tpu.memory_space<hbm>> -> memref<10240x128xf32, #tpu.memory_space<hbm>>
    tpu.wait_indirect_dma semaphore(%arg13 : memref<!tpu.dma_semaphore, #tpu.memory_space<semaphore_mem>>) src(%dma_wait3A_245 : memref<10240x128xf32, #tpu.memory_space<hbm>>) dst(%arg8 : memref<64x128xf32, #tpu.memory_space<vmem>>)
    %dma_wait3A_246 = arith.constant 0 : i32
    %dma_wait3A_247 = arith.constant 0 : i32
    %dma_wait3A_248 = arith.constant 0 : i32
    %dma_wait3A_249 = arith.constant 0 : i32
    %dma_wait3A_250 = tpu.memref_slice %arg6[%dma_wait3A_246, %dma_wait3A_248, %dma_wait3A_249] : memref<8x2x64xi32, #tpu.memory_space<vmem>> -> memref<1x2x64xi32, #tpu.memory_space<vmem>>
    %dma_wait3A_251 = tpu.memref_squeeze %dma_wait3A_250 : memref<1x2x64xi32, #tpu.memory_space<vmem>> -> memref<2x64xi32, #tpu.memory_space<vmem>>
    %dma_wait3A_252 = arith.constant 0 : i32
    %dma_wait3A_253 = tpu.memref_slice %dma_wait3A_251[%dma_wait3A_247, %dma_wait3A_252] : memref<2x64xi32, #tpu.memory_space<vmem>> -> memref<1x64xi32, #tpu.memory_space<vmem>>
    %dma_wait3A_254 = tpu.memref_squeeze %dma_wait3A_253 : memref<1x64xi32, #tpu.memory_space<vmem>> -> memref<64xi32, #tpu.memory_space<vmem>>
    %dma_wait3A_255 = arith.constant 0 : i32
    %dma_wait3A_256 = arith.constant 0 : i32
    %dma_wait3A_257 = tpu.memref_slice %arg2[%dma_wait3A_255, %dma_wait3A_256] : memref<10240x128xf32, #tpu.memory_space<hbm>> -> memref<10240x128xf32, #tpu.memory_space<hbm>>
    tpu.wait_indirect_dma semaphore(%arg14 : memref<!tpu.dma_semaphore, #tpu.memory_space<semaphore_mem>>) src(%dma_wait3A_257 : memref<10240x128xf32, #tpu.memory_space<hbm>>) dst(%arg9 : memref<64x128xf32, #tpu.memory_space<vmem>>)
    %dma_wait3A_258 = arith.constant 0 : i32
    %dma_wait3A_259 = arith.constant 3 : i32
    %dma_wait3A_260 = arith.constant 0 : i32
    %dma_wait3A_261 = arith.constant 0 : i32
    %dma_wait3A_262 = tpu.memref_slice %arg6[%dma_wait3A_259, %dma_wait3A_260, %dma_wait3A_261] : memref<8x2x64xi32, #tpu.memory_space<vmem>> -> memref<1x2x64xi32, #tpu.memory_space<vmem>>
    %dma_wait3A_263 = tpu.memref_squeeze %dma_wait3A_262 : memref<1x2x64xi32, #tpu.memory_space<vmem>> -> memref<2x64xi32, #tpu.memory_space<vmem>>
    %dma_wait3A_264 = arith.constant 0 : i32
    %dma_wait3A_265 = arith.constant 0 : i32
    %dma_wait3A_266 = tpu.memref_slice %arg3[%add3A, %dma_wait3A_258, %dma_wait3A_264, %dma_wait3A_265] : memref<32x160x2x64xi32, #tpu.memory_space<hbm>> -> memref<1x1x2x64xi32, #tpu.memory_space<hbm>>
    %dma_wait3A_267 = tpu.memref_squeeze %dma_wait3A_266 : memref<1x1x2x64xi32, #tpu.memory_space<hbm>> -> memref<2x64xi32, #tpu.memory_space<hbm>>
    %dma_wait3A_268 = arith.constant 0 : i32
    %dma_wait3A_269 = arith.constant 0 : i32
    %dma_wait3A_270 = tpu.memref_slice %arg6[%dma_wait3A_259, %dma_wait3A_268, %dma_wait3A_269] : memref<8x2x64xi32, #tpu.memory_space<vmem>> -> memref<1x2x64xi32, #tpu.memory_space<vmem>>
    %dma_wait3A_271 = tpu.memref_squeeze %dma_wait3A_270 : memref<1x2x64xi32, #tpu.memory_space<vmem>> -> memref<2x64xi32, #tpu.memory_space<vmem>>
    %dma_wait3A_272 = arith.constant 0 : i32
    %dma_wait3A_273 = arith.constant 0 : i32
    %dma_wait3A_274 = tpu.memref_slice %arg3[%add3A, %dma_wait3A_258, %dma_wait3A_272, %dma_wait3A_273] : memref<32x160x2x64xi32, #tpu.memory_space<hbm>> -> memref<1x1x2x64xi32, #tpu.memory_space<hbm>>
    %dma_wait3A_275 = tpu.memref_squeeze %dma_wait3A_274 : memref<1x1x2x64xi32, #tpu.memory_space<hbm>> -> memref<2x64xi32, #tpu.memory_space<hbm>>
    tpu.wait_dma2 semaphore(%arg19 : memref<!tpu.dma_semaphore, #tpu.memory_space<semaphore_mem>>) src(%dma_wait3A_275 : memref<2x64xi32, #tpu.memory_space<hbm>>) dst(%dma_wait3A_271 : memref<2x64xi32, #tpu.memory_space<vmem>>)
    %dma_wait3A_276 = arith.constant 0 : i32
    %dma_wait3A_277 = arith.constant 4 : i32
    %dma_wait3A_278 = arith.constant 0 : i32
    %dma_wait3A_279 = arith.constant 0 : i32
    %dma_wait3A_280 = tpu.memref_slice %arg6[%dma_wait3A_277, %dma_wait3A_278, %dma_wait3A_279] : memref<8x2x64xi32, #tpu.memory_space<vmem>> -> memref<1x2x64xi32, #tpu.memory_space<vmem>>
    %dma_wait3A_281 = tpu.memref_squeeze %dma_wait3A_280 : memref<1x2x64xi32, #tpu.memory_space<vmem>> -> memref<2x64xi32, #tpu.memory_space<vmem>>
    %dma_wait3A_282 = arith.constant 0 : i32
    %dma_wait3A_283 = arith.constant 0 : i32
    %dma_wait3A_284 = tpu.memref_slice %arg3[%add3A, %dma_wait3A_276, %dma_wait3A_282, %dma_wait3A_283] : memref<32x160x2x64xi32, #tpu.memory_space<hbm>> -> memref<1x1x2x64xi32, #tpu.memory_space<hbm>>
    %dma_wait3A_285 = tpu.memref_squeeze %dma_wait3A_284 : memref<1x1x2x64xi32, #tpu.memory_space<hbm>> -> memref<2x64xi32, #tpu.memory_space<hbm>>
    %dma_wait3A_286 = arith.constant 0 : i32
    %dma_wait3A_287 = arith.constant 0 : i32
    %dma_wait3A_288 = tpu.memref_slice %arg6[%dma_wait3A_277, %dma_wait3A_286, %dma_wait3A_287] : memref<8x2x64xi32, #tpu.memory_space<vmem>> -> memref<1x2x64xi32, #tpu.memory_space<vmem>>
    %dma_wait3A_289 = tpu.memref_squeeze %dma_wait3A_288 : memref<1x2x64xi32, #tpu.memory_space<vmem>> -> memref<2x64xi32, #tpu.memory_space<vmem>>
    %dma_wait3A_290 = arith.constant 0 : i32
    %dma_wait3A_291 = arith.constant 0 : i32
    %dma_wait3A_292 = tpu.memref_slice %arg3[%add3A, %dma_wait3A_276, %dma_wait3A_290, %dma_wait3A_291] : memref<32x160x2x64xi32, #tpu.memory_space<hbm>> -> memref<1x1x2x64xi32, #tpu.memory_space<hbm>>
    %dma_wait3A_293 = tpu.memref_squeeze %dma_wait3A_292 : memref<1x1x2x64xi32, #tpu.memory_space<hbm>> -> memref<2x64xi32, #tpu.memory_space<hbm>>
    tpu.wait_dma2 semaphore(%arg20 : memref<!tpu.dma_semaphore, #tpu.memory_space<semaphore_mem>>) src(%dma_wait3A_293 : memref<2x64xi32, #tpu.memory_space<hbm>>) dst(%dma_wait3A_289 : memref<2x64xi32, #tpu.memory_space<vmem>>)
    %dma_wait3A_294 = arith.constant 0 : i32
    %dma_wait3A_295 = arith.constant 5 : i32
    %dma_wait3A_296 = arith.constant 0 : i32
    %dma_wait3A_297 = arith.constant 0 : i32
    %dma_wait3A_298 = tpu.memref_slice %arg6[%dma_wait3A_295, %dma_wait3A_296, %dma_wait3A_297] : memref<8x2x64xi32, #tpu.memory_space<vmem>> -> memref<1x2x64xi32, #tpu.memory_space<vmem>>
    %dma_wait3A_299 = tpu.memref_squeeze %dma_wait3A_298 : memref<1x2x64xi32, #tpu.memory_space<vmem>> -> memref<2x64xi32, #tpu.memory_space<vmem>>
    %dma_wait3A_300 = arith.constant 0 : i32
    %dma_wait3A_301 = arith.constant 0 : i32
    %dma_wait3A_302 = tpu.memref_slice %arg3[%add3A, %dma_wait3A_294, %dma_wait3A_300, %dma_wait3A_301] : memref<32x160x2x64xi32, #tpu.memory_space<hbm>> -> memref<1x1x2x64xi32, #tpu.memory_space<hbm>>
    %dma_wait3A_303 = tpu.memref_squeeze %dma_wait3A_302 : memref<1x1x2x64xi32, #tpu.memory_space<hbm>> -> memref<2x64xi32, #tpu.memory_space<hbm>>
    %dma_wait3A_304 = arith.constant 0 : i32
    %dma_wait3A_305 = arith.constant 0 : i32
    %dma_wait3A_306 = tpu.memref_slice %arg6[%dma_wait3A_295, %dma_wait3A_304, %dma_wait3A_305] : memref<8x2x64xi32, #tpu.memory_space<vmem>> -> memref<1x2x64xi32, #tpu.memory_space<vmem>>
    %dma_wait3A_307 = tpu.memref_squeeze %dma_wait3A_306 : memref<1x2x64xi32, #tpu.memory_space<vmem>> -> memref<2x64xi32, #tpu.memory_space<vmem>>
    %dma_wait3A_308 = arith.constant 0 : i32
    %dma_wait3A_309 = arith.constant 0 : i32
    %dma_wait3A_310 = tpu.memref_slice %arg3[%add3A, %dma_wait3A_294, %dma_wait3A_308, %dma_wait3A_309] : memref<32x160x2x64xi32, #tpu.memory_space<hbm>> -> memref<1x1x2x64xi32, #tpu.memory_space<hbm>>
    %dma_wait3A_311 = tpu.memref_squeeze %dma_wait3A_310 : memref<1x1x2x64xi32, #tpu.memory_space<hbm>> -> memref<2x64xi32, #tpu.memory_space<hbm>>
    tpu.wait_dma2 semaphore(%arg21 : memref<!tpu.dma_semaphore, #tpu.memory_space<semaphore_mem>>) src(%dma_wait3A_311 : memref<2x64xi32, #tpu.memory_space<hbm>>) dst(%dma_wait3A_307 : memref<2x64xi32, #tpu.memory_space<vmem>>)
    %dma_wait3A_312 = arith.constant 0 : i32
    %dma_wait3A_313 = arith.constant 6 : i32
    %dma_wait3A_314 = arith.constant 0 : i32
    %dma_wait3A_315 = arith.constant 0 : i32
    %dma_wait3A_316 = tpu.memref_slice %arg6[%dma_wait3A_313, %dma_wait3A_314, %dma_wait3A_315] : memref<8x2x64xi32, #tpu.memory_space<vmem>> -> memref<1x2x64xi32, #tpu.memory_space<vmem>>
    %dma_wait3A_317 = tpu.memref_squeeze %dma_wait3A_316 : memref<1x2x64xi32, #tpu.memory_space<vmem>> -> memref<2x64xi32, #tpu.memory_space<vmem>>
    %dma_wait3A_318 = arith.constant 0 : i32
    %dma_wait3A_319 = arith.constant 0 : i32
    %dma_wait3A_320 = tpu.memref_slice %arg3[%add3A, %dma_wait3A_312, %dma_wait3A_318, %dma_wait3A_319] : memref<32x160x2x64xi32, #tpu.memory_space<hbm>> -> memref<1x1x2x64xi32, #tpu.memory_space<hbm>>
    %dma_wait3A_321 = tpu.memref_squeeze %dma_wait3A_320 : memref<1x1x2x64xi32, #tpu.memory_space<hbm>> -> memref<2x64xi32, #tpu.memory_space<hbm>>
    %dma_wait3A_322 = arith.constant 0 : i32
    %dma_wait3A_323 = arith.constant 0 : i32
    %dma_wait3A_324 = tpu.memref_slice %arg6[%dma_wait3A_313, %dma_wait3A_322, %dma_wait3A_323] : memref<8x2x64xi32, #tpu.memory_space<vmem>> -> memref<1x2x64xi32, #tpu.memory_space<vmem>>
    %dma_wait3A_325 = tpu.memref_squeeze %dma_wait3A_324 : memref<1x2x64xi32, #tpu.memory_space<vmem>> -> memref<2x64xi32, #tpu.memory_space<vmem>>
    %dma_wait3A_326 = arith.constant 0 : i32
    %dma_wait3A_327 = arith.constant 0 : i32
    %dma_wait3A_328 = tpu.memref_slice %arg3[%add3A, %dma_wait3A_312, %dma_wait3A_326, %dma_wait3A_327] : memref<32x160x2x64xi32, #tpu.memory_space<hbm>> -> memref<1x1x2x64xi32, #tpu.memory_space<hbm>>
    %dma_wait3A_329 = tpu.memref_squeeze %dma_wait3A_328 : memref<1x1x2x64xi32, #tpu.memory_space<hbm>> -> memref<2x64xi32, #tpu.memory_space<hbm>>
    tpu.wait_dma2 semaphore(%arg22 : memref<!tpu.dma_semaphore, #tpu.memory_space<semaphore_mem>>) src(%dma_wait3A_329 : memref<2x64xi32, #tpu.memory_space<hbm>>) dst(%dma_wait3A_325 : memref<2x64xi32, #tpu.memory_space<vmem>>)
    %barrier3A_330 = arith.constant 0 : index
    tpu.barrier barrier_id(%barrier3A_330)
    %mul3A_331 = arith.constant 640 : i32
    %mul3A_332 = arith.muli %arg1, %mul3A_331 : i32
    %mul3A_333 = arith.constant 640 : i32
    %mul3A_334 = arith.muli %arg1, %mul3A_333 : i32
    "tpu.region"() ({
      %run_scoped3A = tpu.sem_alloc : memref<!tpu.dma_semaphore, #tpu.memory_space<semaphore_mem>>
      %dma_start3A_335 = arith.constant 0 : i32
      %dma_start3A_336 = tpu.memref_slice %arg5[%arg0, %mul3A_334, %dma_start3A_335] : memref<2x10240x128xf32, #tpu.memory_space<hbm>> -> memref<1x640x128xf32, #tpu.memory_space<hbm>>
      %dma_start3A_337 = tpu.memref_squeeze %dma_start3A_336 : memref<1x640x128xf32, #tpu.memory_space<hbm>> -> memref<640x128xf32, #tpu.memory_space<hbm>>
      %dma_start3A_338 = arith.constant 0 : i32
      %dma_start3A_339 = tpu.memref_slice %arg11[%mul3A_332, %dma_start3A_338] : memref<10240x128xf32, #tpu.memory_space<vmem_shared>> -> memref<640x128xf32, #tpu.memory_space<vmem_shared>>
      tpu.enqueue_dma source(%dma_start3A_339 : memref<640x128xf32, #tpu.memory_space<vmem_shared>>) target(%dma_start3A_337 : memref<640x128xf32, #tpu.memory_space<hbm>>) target_semaphore(%run_scoped3A : memref<!tpu.dma_semaphore, #tpu.memory_space<semaphore_mem>>)
      %dma_wait3A_340 = arith.constant 0 : i32
      %dma_wait3A_341 = tpu.memref_slice %arg5[%arg0, %mul3A_334, %dma_wait3A_340] : memref<2x10240x128xf32, #tpu.memory_space<hbm>> -> memref<1x640x128xf32, #tpu.memory_space<hbm>>
      %dma_wait3A_342 = tpu.memref_squeeze %dma_wait3A_341 : memref<1x640x128xf32, #tpu.memory_space<hbm>> -> memref<640x128xf32, #tpu.memory_space<hbm>>
      %dma_wait3A_343 = arith.constant 0 : i32
      %dma_wait3A_344 = tpu.memref_slice %arg11[%mul3A_332, %dma_wait3A_343] : memref<10240x128xf32, #tpu.memory_space<vmem_shared>> -> memref<640x128xf32, #tpu.memory_space<vmem_shared>>
      tpu.wait_dma2 semaphore(%run_scoped3A : memref<!tpu.dma_semaphore, #tpu.memory_space<semaphore_mem>>) src(%dma_wait3A_344 : memref<640x128xf32, #tpu.memory_space<vmem_shared>>) dst(%dma_wait3A_342 : memref<640x128xf32, #tpu.memory_space<hbm>>)
      tpu.yield
    }) : () -> ()
    return
  }
}

module attributes {stable_mosaic.version = 14 : i64} {
  func.func @_scores_body(%arg0: i32, %arg1: i32, %arg2: memref<1x1024x128xf32, #tpu.memory_space<vmem>>, %arg3: memref<1x128xf32, #tpu.memory_space<vmem>>, %arg4: memref<1x8x1x128xf32, #tpu.memory_space<vmem>>) attributes {dimension_semantics = [#tpu.dimension_semantics<arbitrary>, #tpu.dimension_semantics<arbitrary>], iteration_bounds = array<i64: 3, 10>, scalar_prefetch = 0 : i64, scratch_operands = 0 : i64, tpu.core_type = #tpu.core_type<tc>, window_params = [{transform_indices = @transform_0, window_bounds = array<i64: 1, 1024, 128>}, {pipeline_mode = #tpu.pipeline_mode<synchronous>, transform_indices = @transform_1, window_bounds = array<i64: 1, 128>}, {transform_indices = @transform_2, window_bounds = array<i64: 1, 8, 1, 128>}]} {
    %get3A = arith.constant 0 : index
    %get3A_0 = arith.constant 0 : index
    %get3A_1 = vector.load %arg3[%get3A, %get3A_0] : memref<1x128xf32, #tpu.memory_space<vmem>>, vector<1x128xf32>
    %iota3A = tpu.iota {dimensions = array<i32: 1>} : vector<1x128xi32>
    %get3A_2 = arith.constant 0 : index
    %get3A_3 = arith.constant 0 : index
    %get3A_4 = arith.constant 0 : index
    %get3A_5 = vector.load %arg2[%get3A_2, %get3A_3, %get3A_4] : memref<1x1024x128xf32, #tpu.memory_space<vmem>>, vector<1x128x128xf32>
    %get3A_6 = vector.shape_cast %get3A_5 : vector<1x128x128xf32> to vector<128x128xf32>
    %dot_general3A = arith.constant dense<0.000000e+00> : vector<1x128xf32>
    %dot_general3A_7 = tpu.matmul %get3A_1, %get3A_6, %dot_general3A {dimension_numbers = #tpu.dot_dimension_numbers<[1], [1], [0], [0], [0, 0, 1, 0], [], []>, transpose_lhs_hint = false} : vector<1x128xf32>, vector<128x128xf32>, vector<1x128xf32> -> vector<1x128xf32>
    %mul3A = arith.constant 8 : i32
    %mul3A_8 = arith.muli %arg1, %mul3A : i32
    %add3A = arith.constant 0 : i32
    %add3A_9 = arith.addi %mul3A_8, %add3A : i32
    %mul3A_10 = arith.constant 128 : i32
    %mul3A_11 = arith.muli %add3A_9, %mul3A_10 : i32
    %add3A_12 = vector.broadcast %mul3A_11 : i32 to vector<1x128xi32>
    %add3A_13 = arith.addi %add3A_12, %iota3A : vector<1x128xi32>
    %lt3A = arith.constant 10000 : i32
    %lt3A_14 = vector.broadcast %lt3A : i32 to vector<1x128xi32>
    %lt3A_15 = arith.cmpi slt, %add3A_13, %lt3A_14 : vector<1x128xi32>
    %jit3A = arith.constant 0xFF800000 : f32
    %broadcast_in_dim3A = vector.broadcast %jit3A : f32 to vector<1x128xf32>
    %select_n3A = arith.select %lt3A_15, %dot_general3A_7, %broadcast_in_dim3A : vector<1x128xi1>, vector<1x128xf32>
    %squeeze3A = vector.shape_cast %select_n3A : vector<1x128xf32> to vector<128xf32>
    %swap3A = arith.constant 0 : index
    %swap3A_16 = arith.constant 0 : index
    %swap3A_17 = arith.constant 0 : index
    %swap3A_18 = arith.constant 0 : index
    %swap3A_19 = vector.load %arg4[%swap3A, %swap3A_16, %swap3A_17, %swap3A_18] : memref<1x8x1x128xf32, #tpu.memory_space<vmem>>, vector<1x1x1x128xf32>
    %swap3A_20 = vector.shape_cast %swap3A_19 : vector<1x1x1x128xf32> to vector<128xf32>
    %swap3A_21 = vector.shape_cast %squeeze3A : vector<128xf32> to vector<1x1x1x128xf32>
    tpu.vector_store %arg4[%swap3A, %swap3A_16, %swap3A_17, %swap3A_18], %swap3A_21 {strides = array<i32>} : memref<1x8x1x128xf32, #tpu.memory_space<vmem>>, vector<1x1x1x128xf32>,
    %get3A_22 = arith.constant 0 : index
    %get3A_23 = arith.constant 128 : index
    %get3A_24 = arith.constant 0 : index
    %get3A_25 = vector.load %arg2[%get3A_22, %get3A_23, %get3A_24] : memref<1x1024x128xf32, #tpu.memory_space<vmem>>, vector<1x128x128xf32>
    %get3A_26 = vector.shape_cast %get3A_25 : vector<1x128x128xf32> to vector<128x128xf32>
    %dot_general3A_27 = arith.constant dense<0.000000e+00> : vector<1x128xf32>
    %dot_general3A_28 = tpu.matmul %get3A_1, %get3A_26, %dot_general3A_27 {dimension_numbers = #tpu.dot_dimension_numbers<[1], [1], [0], [0], [0, 0, 1, 0], [], []>, transpose_lhs_hint = false} : vector<1x128xf32>, vector<128x128xf32>, vector<1x128xf32> -> vector<1x128xf32>
    %mul3A_29 = arith.constant 8 : i32
    %mul3A_30 = arith.muli %arg1, %mul3A_29 : i32
    %add3A_31 = arith.constant 1 : i32
    %add3A_32 = arith.addi %mul3A_30, %add3A_31 : i32
    %mul3A_33 = arith.constant 128 : i32
    %mul3A_34 = arith.muli %add3A_32, %mul3A_33 : i32
    %add3A_35 = vector.broadcast %mul3A_34 : i32 to vector<1x128xi32>
    %add3A_36 = arith.addi %add3A_35, %iota3A : vector<1x128xi32>
    %lt3A_37 = arith.constant 10000 : i32
    %lt3A_38 = vector.broadcast %lt3A_37 : i32 to vector<1x128xi32>
    %lt3A_39 = arith.cmpi slt, %add3A_36, %lt3A_38 : vector<1x128xi32>
    %jit3A_40 = arith.constant 0xFF800000 : f32
    %broadcast_in_dim3A_41 = vector.broadcast %jit3A_40 : f32 to vector<1x128xf32>
    %select_n3A_42 = arith.select %lt3A_39, %dot_general3A_28, %broadcast_in_dim3A_41 : vector<1x128xi1>, vector<1x128xf32>
    %squeeze3A_43 = vector.shape_cast %select_n3A_42 : vector<1x128xf32> to vector<128xf32>
    %swap3A_44 = arith.constant 0 : index
    %swap3A_45 = arith.constant 1 : index
    %swap3A_46 = arith.constant 0 : index
    %swap3A_47 = arith.constant 0 : index
    %swap3A_48 = vector.load %arg4[%swap3A_44, %swap3A_45, %swap3A_46, %swap3A_47] : memref<1x8x1x128xf32, #tpu.memory_space<vmem>>, vector<1x1x1x128xf32>
    %swap3A_49 = vector.shape_cast %swap3A_48 : vector<1x1x1x128xf32> to vector<128xf32>
    %swap3A_50 = vector.shape_cast %squeeze3A_43 : vector<128xf32> to vector<1x1x1x128xf32>
    tpu.vector_store %arg4[%swap3A_44, %swap3A_45, %swap3A_46, %swap3A_47], %swap3A_50 {strides = array<i32>} : memref<1x8x1x128xf32, #tpu.memory_space<vmem>>, vector<1x1x1x128xf32>,
    %get3A_51 = arith.constant 0 : index
    %get3A_52 = arith.constant 256 : index
    %get3A_53 = arith.constant 0 : index
    %get3A_54 = vector.load %arg2[%get3A_51, %get3A_52, %get3A_53] : memref<1x1024x128xf32, #tpu.memory_space<vmem>>, vector<1x128x128xf32>
    %get3A_55 = vector.shape_cast %get3A_54 : vector<1x128x128xf32> to vector<128x128xf32>
    %dot_general3A_56 = arith.constant dense<0.000000e+00> : vector<1x128xf32>
    %dot_general3A_57 = tpu.matmul %get3A_1, %get3A_55, %dot_general3A_56 {dimension_numbers = #tpu.dot_dimension_numbers<[1], [1], [0], [0], [0, 0, 1, 0], [], []>, transpose_lhs_hint = false} : vector<1x128xf32>, vector<128x128xf32>, vector<1x128xf32> -> vector<1x128xf32>
    %mul3A_58 = arith.constant 8 : i32
    %mul3A_59 = arith.muli %arg1, %mul3A_58 : i32
    %add3A_60 = arith.constant 2 : i32
    %add3A_61 = arith.addi %mul3A_59, %add3A_60 : i32
    %mul3A_62 = arith.constant 128 : i32
    %mul3A_63 = arith.muli %add3A_61, %mul3A_62 : i32
    %add3A_64 = vector.broadcast %mul3A_63 : i32 to vector<1x128xi32>
    %add3A_65 = arith.addi %add3A_64, %iota3A : vector<1x128xi32>
    %lt3A_66 = arith.constant 10000 : i32
    %lt3A_67 = vector.broadcast %lt3A_66 : i32 to vector<1x128xi32>
    %lt3A_68 = arith.cmpi slt, %add3A_65, %lt3A_67 : vector<1x128xi32>
    %jit3A_69 = arith.constant 0xFF800000 : f32
    %broadcast_in_dim3A_70 = vector.broadcast %jit3A_69 : f32 to vector<1x128xf32>
    %select_n3A_71 = arith.select %lt3A_68, %dot_general3A_57, %broadcast_in_dim3A_70 : vector<1x128xi1>, vector<1x128xf32>
    %squeeze3A_72 = vector.shape_cast %select_n3A_71 : vector<1x128xf32> to vector<128xf32>
    %swap3A_73 = arith.constant 0 : index
    %swap3A_74 = arith.constant 2 : index
    %swap3A_75 = arith.constant 0 : index
    %swap3A_76 = arith.constant 0 : index
    %swap3A_77 = vector.load %arg4[%swap3A_73, %swap3A_74, %swap3A_75, %swap3A_76] : memref<1x8x1x128xf32, #tpu.memory_space<vmem>>, vector<1x1x1x128xf32>
    %swap3A_78 = vector.shape_cast %swap3A_77 : vector<1x1x1x128xf32> to vector<128xf32>
    %swap3A_79 = vector.shape_cast %squeeze3A_72 : vector<128xf32> to vector<1x1x1x128xf32>
    tpu.vector_store %arg4[%swap3A_73, %swap3A_74, %swap3A_75, %swap3A_76], %swap3A_79 {strides = array<i32>} : memref<1x8x1x128xf32, #tpu.memory_space<vmem>>, vector<1x1x1x128xf32>,
    %get3A_80 = arith.constant 0 : index
    %get3A_81 = arith.constant 384 : index
    %get3A_82 = arith.constant 0 : index
    %get3A_83 = vector.load %arg2[%get3A_80, %get3A_81, %get3A_82] : memref<1x1024x128xf32, #tpu.memory_space<vmem>>, vector<1x128x128xf32>
    %get3A_84 = vector.shape_cast %get3A_83 : vector<1x128x128xf32> to vector<128x128xf32>
    %dot_general3A_85 = arith.constant dense<0.000000e+00> : vector<1x128xf32>
    %dot_general3A_86 = tpu.matmul %get3A_1, %get3A_84, %dot_general3A_85 {dimension_numbers = #tpu.dot_dimension_numbers<[1], [1], [0], [0], [0, 0, 1, 0], [], []>, transpose_lhs_hint = false} : vector<1x128xf32>, vector<128x128xf32>, vector<1x128xf32> -> vector<1x128xf32>
    %mul3A_87 = arith.constant 8 : i32
    %mul3A_88 = arith.muli %arg1, %mul3A_87 : i32
    %add3A_89 = arith.constant 3 : i32
    %add3A_90 = arith.addi %mul3A_88, %add3A_89 : i32
    %mul3A_91 = arith.constant 128 : i32
    %mul3A_92 = arith.muli %add3A_90, %mul3A_91 : i32
    %add3A_93 = vector.broadcast %mul3A_92 : i32 to vector<1x128xi32>
    %add3A_94 = arith.addi %add3A_93, %iota3A : vector<1x128xi32>
    %lt3A_95 = arith.constant 10000 : i32
    %lt3A_96 = vector.broadcast %lt3A_95 : i32 to vector<1x128xi32>
    %lt3A_97 = arith.cmpi slt, %add3A_94, %lt3A_96 : vector<1x128xi32>
    %jit3A_98 = arith.constant 0xFF800000 : f32
    %broadcast_in_dim3A_99 = vector.broadcast %jit3A_98 : f32 to vector<1x128xf32>
    %select_n3A_100 = arith.select %lt3A_97, %dot_general3A_86, %broadcast_in_dim3A_99 : vector<1x128xi1>, vector<1x128xf32>
    %squeeze3A_101 = vector.shape_cast %select_n3A_100 : vector<1x128xf32> to vector<128xf32>
    %swap3A_102 = arith.constant 0 : index
    %swap3A_103 = arith.constant 3 : index
    %swap3A_104 = arith.constant 0 : index
    %swap3A_105 = arith.constant 0 : index
    %swap3A_106 = vector.load %arg4[%swap3A_102, %swap3A_103, %swap3A_104, %swap3A_105] : memref<1x8x1x128xf32, #tpu.memory_space<vmem>>, vector<1x1x1x128xf32>
    %swap3A_107 = vector.shape_cast %swap3A_106 : vector<1x1x1x128xf32> to vector<128xf32>
    %swap3A_108 = vector.shape_cast %squeeze3A_101 : vector<128xf32> to vector<1x1x1x128xf32>
    tpu.vector_store %arg4[%swap3A_102, %swap3A_103, %swap3A_104, %swap3A_105], %swap3A_108 {strides = array<i32>} : memref<1x8x1x128xf32, #tpu.memory_space<vmem>>, vector<1x1x1x128xf32>,
    %get3A_109 = arith.constant 0 : index
    %get3A_110 = arith.constant 512 : index
    %get3A_111 = arith.constant 0 : index
    %get3A_112 = vector.load %arg2[%get3A_109, %get3A_110, %get3A_111] : memref<1x1024x128xf32, #tpu.memory_space<vmem>>, vector<1x128x128xf32>
    %get3A_113 = vector.shape_cast %get3A_112 : vector<1x128x128xf32> to vector<128x128xf32>
    %dot_general3A_114 = arith.constant dense<0.000000e+00> : vector<1x128xf32>
    %dot_general3A_115 = tpu.matmul %get3A_1, %get3A_113, %dot_general3A_114 {dimension_numbers = #tpu.dot_dimension_numbers<[1], [1], [0], [0], [0, 0, 1, 0], [], []>, transpose_lhs_hint = false} : vector<1x128xf32>, vector<128x128xf32>, vector<1x128xf32> -> vector<1x128xf32>
    %mul3A_116 = arith.constant 8 : i32
    %mul3A_117 = arith.muli %arg1, %mul3A_116 : i32
    %add3A_118 = arith.constant 4 : i32
    %add3A_119 = arith.addi %mul3A_117, %add3A_118 : i32
    %mul3A_120 = arith.constant 128 : i32
    %mul3A_121 = arith.muli %add3A_119, %mul3A_120 : i32
    %add3A_122 = vector.broadcast %mul3A_121 : i32 to vector<1x128xi32>
    %add3A_123 = arith.addi %add3A_122, %iota3A : vector<1x128xi32>
    %lt3A_124 = arith.constant 10000 : i32
    %lt3A_125 = vector.broadcast %lt3A_124 : i32 to vector<1x128xi32>
    %lt3A_126 = arith.cmpi slt, %add3A_123, %lt3A_125 : vector<1x128xi32>
    %jit3A_127 = arith.constant 0xFF800000 : f32
    %broadcast_in_dim3A_128 = vector.broadcast %jit3A_127 : f32 to vector<1x128xf32>
    %select_n3A_129 = arith.select %lt3A_126, %dot_general3A_115, %broadcast_in_dim3A_128 : vector<1x128xi1>, vector<1x128xf32>
    %squeeze3A_130 = vector.shape_cast %select_n3A_129 : vector<1x128xf32> to vector<128xf32>
    %swap3A_131 = arith.constant 0 : index
    %swap3A_132 = arith.constant 4 : index
    %swap3A_133 = arith.constant 0 : index
    %swap3A_134 = arith.constant 0 : index
    %swap3A_135 = vector.load %arg4[%swap3A_131, %swap3A_132, %swap3A_133, %swap3A_134] : memref<1x8x1x128xf32, #tpu.memory_space<vmem>>, vector<1x1x1x128xf32>
    %swap3A_136 = vector.shape_cast %swap3A_135 : vector<1x1x1x128xf32> to vector<128xf32>
    %swap3A_137 = vector.shape_cast %squeeze3A_130 : vector<128xf32> to vector<1x1x1x128xf32>
    tpu.vector_store %arg4[%swap3A_131, %swap3A_132, %swap3A_133, %swap3A_134], %swap3A_137 {strides = array<i32>} : memref<1x8x1x128xf32, #tpu.memory_space<vmem>>, vector<1x1x1x128xf32>,
    %get3A_138 = arith.constant 0 : index
    %get3A_139 = arith.constant 640 : index
    %get3A_140 = arith.constant 0 : index
    %get3A_141 = vector.load %arg2[%get3A_138, %get3A_139, %get3A_140] : memref<1x1024x128xf32, #tpu.memory_space<vmem>>, vector<1x128x128xf32>
    %get3A_142 = vector.shape_cast %get3A_141 : vector<1x128x128xf32> to vector<128x128xf32>
    %dot_general3A_143 = arith.constant dense<0.000000e+00> : vector<1x128xf32>
    %dot_general3A_144 = tpu.matmul %get3A_1, %get3A_142, %dot_general3A_143 {dimension_numbers = #tpu.dot_dimension_numbers<[1], [1], [0], [0], [0, 0, 1, 0], [], []>, transpose_lhs_hint = false} : vector<1x128xf32>, vector<128x128xf32>, vector<1x128xf32> -> vector<1x128xf32>
    %mul3A_145 = arith.constant 8 : i32
    %mul3A_146 = arith.muli %arg1, %mul3A_145 : i32
    %add3A_147 = arith.constant 5 : i32
    %add3A_148 = arith.addi %mul3A_146, %add3A_147 : i32
    %mul3A_149 = arith.constant 128 : i32
    %mul3A_150 = arith.muli %add3A_148, %mul3A_149 : i32
    %add3A_151 = vector.broadcast %mul3A_150 : i32 to vector<1x128xi32>
    %add3A_152 = arith.addi %add3A_151, %iota3A : vector<1x128xi32>
    %lt3A_153 = arith.constant 10000 : i32
    %lt3A_154 = vector.broadcast %lt3A_153 : i32 to vector<1x128xi32>
    %lt3A_155 = arith.cmpi slt, %add3A_152, %lt3A_154 : vector<1x128xi32>
    %jit3A_156 = arith.constant 0xFF800000 : f32
    %broadcast_in_dim3A_157 = vector.broadcast %jit3A_156 : f32 to vector<1x128xf32>
    %select_n3A_158 = arith.select %lt3A_155, %dot_general3A_144, %broadcast_in_dim3A_157 : vector<1x128xi1>, vector<1x128xf32>
    %squeeze3A_159 = vector.shape_cast %select_n3A_158 : vector<1x128xf32> to vector<128xf32>
    %swap3A_160 = arith.constant 0 : index
    %swap3A_161 = arith.constant 5 : index
    %swap3A_162 = arith.constant 0 : index
    %swap3A_163 = arith.constant 0 : index
    %swap3A_164 = vector.load %arg4[%swap3A_160, %swap3A_161, %swap3A_162, %swap3A_163] : memref<1x8x1x128xf32, #tpu.memory_space<vmem>>, vector<1x1x1x128xf32>
    %swap3A_165 = vector.shape_cast %swap3A_164 : vector<1x1x1x128xf32> to vector<128xf32>
    %swap3A_166 = vector.shape_cast %squeeze3A_159 : vector<128xf32> to vector<1x1x1x128xf32>
    tpu.vector_store %arg4[%swap3A_160, %swap3A_161, %swap3A_162, %swap3A_163], %swap3A_166 {strides = array<i32>} : memref<1x8x1x128xf32, #tpu.memory_space<vmem>>, vector<1x1x1x128xf32>,
    %get3A_167 = arith.constant 0 : index
    %get3A_168 = arith.constant 768 : index
    %get3A_169 = arith.constant 0 : index
    %get3A_170 = vector.load %arg2[%get3A_167, %get3A_168, %get3A_169] : memref<1x1024x128xf32, #tpu.memory_space<vmem>>, vector<1x128x128xf32>
    %get3A_171 = vector.shape_cast %get3A_170 : vector<1x128x128xf32> to vector<128x128xf32>
    %dot_general3A_172 = arith.constant dense<0.000000e+00> : vector<1x128xf32>
    %dot_general3A_173 = tpu.matmul %get3A_1, %get3A_171, %dot_general3A_172 {dimension_numbers = #tpu.dot_dimension_numbers<[1], [1], [0], [0], [0, 0, 1, 0], [], []>, transpose_lhs_hint = false} : vector<1x128xf32>, vector<128x128xf32>, vector<1x128xf32> -> vector<1x128xf32>
    %mul3A_174 = arith.constant 8 : i32
    %mul3A_175 = arith.muli %arg1, %mul3A_174 : i32
    %add3A_176 = arith.constant 6 : i32
    %add3A_177 = arith.addi %mul3A_175, %add3A_176 : i32
    %mul3A_178 = arith.constant 128 : i32
    %mul3A_179 = arith.muli %add3A_177, %mul3A_178 : i32
    %add3A_180 = vector.broadcast %mul3A_179 : i32 to vector<1x128xi32>
    %add3A_181 = arith.addi %add3A_180, %iota3A : vector<1x128xi32>
    %lt3A_182 = arith.constant 10000 : i32
    %lt3A_183 = vector.broadcast %lt3A_182 : i32 to vector<1x128xi32>
    %lt3A_184 = arith.cmpi slt, %add3A_181, %lt3A_183 : vector<1x128xi32>
    %jit3A_185 = arith.constant 0xFF800000 : f32
    %broadcast_in_dim3A_186 = vector.broadcast %jit3A_185 : f32 to vector<1x128xf32>
    %select_n3A_187 = arith.select %lt3A_184, %dot_general3A_173, %broadcast_in_dim3A_186 : vector<1x128xi1>, vector<1x128xf32>
    %squeeze3A_188 = vector.shape_cast %select_n3A_187 : vector<1x128xf32> to vector<128xf32>
    %swap3A_189 = arith.constant 0 : index
    %swap3A_190 = arith.constant 6 : index
    %swap3A_191 = arith.constant 0 : index
    %swap3A_192 = arith.constant 0 : index
    %swap3A_193 = vector.load %arg4[%swap3A_189, %swap3A_190, %swap3A_191, %swap3A_192] : memref<1x8x1x128xf32, #tpu.memory_space<vmem>>, vector<1x1x1x128xf32>
    %swap3A_194 = vector.shape_cast %swap3A_193 : vector<1x1x1x128xf32> to vector<128xf32>
    %swap3A_195 = vector.shape_cast %squeeze3A_188 : vector<128xf32> to vector<1x1x1x128xf32>
    tpu.vector_store %arg4[%swap3A_189, %swap3A_190, %swap3A_191, %swap3A_192], %swap3A_195 {strides = array<i32>} : memref<1x8x1x128xf32, #tpu.memory_space<vmem>>, vector<1x1x1x128xf32>,
    %get3A_196 = arith.constant 0 : index
    %get3A_197 = arith.constant 896 : index
    %get3A_198 = arith.constant 0 : index
    %get3A_199 = vector.load %arg2[%get3A_196, %get3A_197, %get3A_198] : memref<1x1024x128xf32, #tpu.memory_space<vmem>>, vector<1x128x128xf32>
    %get3A_200 = vector.shape_cast %get3A_199 : vector<1x128x128xf32> to vector<128x128xf32>
    %dot_general3A_201 = arith.constant dense<0.000000e+00> : vector<1x128xf32>
    %dot_general3A_202 = tpu.matmul %get3A_1, %get3A_200, %dot_general3A_201 {dimension_numbers = #tpu.dot_dimension_numbers<[1], [1], [0], [0], [0, 0, 1, 0], [], []>, transpose_lhs_hint = false} : vector<1x128xf32>, vector<128x128xf32>, vector<1x128xf32> -> vector<1x128xf32>
    %mul3A_203 = arith.constant 8 : i32
    %mul3A_204 = arith.muli %arg1, %mul3A_203 : i32
    %add3A_205 = arith.constant 7 : i32
    %add3A_206 = arith.addi %mul3A_204, %add3A_205 : i32
    %mul3A_207 = arith.constant 128 : i32
    %mul3A_208 = arith.muli %add3A_206, %mul3A_207 : i32
    %add3A_209 = vector.broadcast %mul3A_208 : i32 to vector<1x128xi32>
    %add3A_210 = arith.addi %add3A_209, %iota3A : vector<1x128xi32>
    %lt3A_211 = arith.constant 10000 : i32
    %lt3A_212 = vector.broadcast %lt3A_211 : i32 to vector<1x128xi32>
    %lt3A_213 = arith.cmpi slt, %add3A_210, %lt3A_212 : vector<1x128xi32>
    %jit3A_214 = arith.constant 0xFF800000 : f32
    %broadcast_in_dim3A_215 = vector.broadcast %jit3A_214 : f32 to vector<1x128xf32>
    %select_n3A_216 = arith.select %lt3A_213, %dot_general3A_202, %broadcast_in_dim3A_215 : vector<1x128xi1>, vector<1x128xf32>
    %squeeze3A_217 = vector.shape_cast %select_n3A_216 : vector<1x128xf32> to vector<128xf32>
    %swap3A_218 = arith.constant 0 : index
    %swap3A_219 = arith.constant 7 : index
    %swap3A_220 = arith.constant 0 : index
    %swap3A_221 = arith.constant 0 : index
    %swap3A_222 = vector.load %arg4[%swap3A_218, %swap3A_219, %swap3A_220, %swap3A_221] : memref<1x8x1x128xf32, #tpu.memory_space<vmem>>, vector<1x1x1x128xf32>
    %swap3A_223 = vector.shape_cast %swap3A_222 : vector<1x1x1x128xf32> to vector<128xf32>
    %swap3A_224 = vector.shape_cast %squeeze3A_217 : vector<128xf32> to vector<1x1x1x128xf32>
    tpu.vector_store %arg4[%swap3A_218, %swap3A_219, %swap3A_220, %swap3A_221], %swap3A_224 {strides = array<i32>} : memref<1x8x1x128xf32, #tpu.memory_space<vmem>>, vector<1x1x1x128xf32>,
    return
  }
  func.func @transform_0(%arg0: i32, %arg1: i32) -> (i32, i32, i32) {
    %c0_i32 = arith.constant 0 : i32
    %c0_i32_0 = arith.constant 0 : i32
    return %arg0, %arg1, %c0_i32 : i32, i32, i32
  }
  func.func @transform_1(%arg0: i32, %arg1: i32) -> (i32, i32) {
    %c0_i32 = arith.constant 0 : i32
    %c0_i32_0 = arith.constant 0 : i32
    %c0_i32_1 = arith.constant 0 : i32
    return %c0_i32, %c0_i32_0 : i32, i32
  }
  func.func @transform_2(%arg0: i32, %arg1: i32) -> (i32, i32, i32, i32) {
    %c0_i32 = arith.constant 0 : i32
    %c0_i32_0 = arith.constant 0 : i32
    %c0_i32_1 = arith.constant 0 : i32
    return %arg0, %arg1, %c0_i32, %c0_i32_0 : i32, i32, i32, i32
  }
}

module attributes {stable_mosaic.version = 14 : i64} {
  func.func @_topk_body(%arg0: memref<3x80x128xf32, #tpu.memory_space<vmem>>, %arg1: memref<3x128xi32, #tpu.memory_space<vmem>>, %arg2: memref<3x128xf32, #tpu.memory_space<vmem>>) attributes {dimension_semantics = [], scalar_prefetch = 0 : i64, scratch_operands = 0 : i64, tpu.core_type = #tpu.core_type<tc>} {
    %get3A = arith.constant 0 : index
    %get3A_0 = arith.constant 0 : index
    %get3A_1 = arith.constant 0 : index
    %get3A_2 = vector.load %arg0[%get3A, %get3A_0, %get3A_1] : memref<3x80x128xf32, #tpu.memory_space<vmem>>, vector<3x80x128xf32>
    %iota3A = tpu.iota {dimensions = array<i32: 1>} : vector<3x80x128xi32>
    %mul3A = arith.constant 128 : i32
    %mul3A_3 = vector.broadcast %mul3A : i32 to vector<3x80x128xi32>
    %mul3A_4 = arith.muli %iota3A, %mul3A_3 : vector<3x80x128xi32>
    %iota3A_5 = tpu.iota {dimensions = array<i32: 2>} : vector<3x80x128xi32>
    %add3A = arith.addi %mul3A_4, %iota3A_5 : vector<3x80x128xi32>
    %iota3A_6 = tpu.iota {dimensions = array<i32: 1>} : vector<3x128xi32>
    %broadcast_in_dim3A = arith.constant 0.000000e+00 : f32
    %broadcast_in_dim3A_7 = vector.broadcast %broadcast_in_dim3A : f32 to vector<3x128xf32>
    %broadcast_in_dim3A_8 = arith.constant 0 : i32
    %broadcast_in_dim3A_9 = vector.broadcast %broadcast_in_dim3A_8 : i32 to vector<3x128xi32>
    %scan3A = arith.constant 0 : i32
    %scan3A_10 = arith.constant 128 : i32
    %scan3A_11 = arith.addi %scan3A, %scan3A_10 : i32
    %scan3A_12 = arith.constant 1 : i32
    %scan3A_13:3 = scf.for %scan3A_25 = %scan3A to %scan3A_11 step %scan3A_12 iter_args(%scan3A_26 = %get3A_2, %scan3A_27 = %broadcast_in_dim3A_7, %scan3A_28 = %broadcast_in_dim3A_9) -> (vector<3x80x128xf32>, vector<3x128xf32>, vector<3x128xi32>)  : i32 {
      %reduce_max3A = arith.constant dense<0xFF800000> : vector<3x80xf32>
      %reduce_max3A_29 = vector.multi_reduction <maximumf>, %scan3A_26, %reduce_max3A [2] : vector<3x80x128xf32> to vector<3x80xf32>
      %broadcast_in_dim3A_30 = vector.shape_cast %reduce_max3A_29 : vector<3x80xf32> to vector<3x80x1xf32>
      %reduce_max3A_31 = arith.constant dense<0xFF800000> : vector<3x1xf32>
      %reduce_max3A_32 = vector.multi_reduction <maximumf>, %broadcast_in_dim3A_30, %reduce_max3A_31 [1] : vector<3x80x1xf32> to vector<3x1xf32>
      %broadcast_in_dim3A_33 = vector.shape_cast %reduce_max3A_32 : vector<3x1xf32> to vector<3x1x1xf32>
      %eq3A = vector.broadcast %broadcast_in_dim3A_33 : vector<3x1x1xf32> to vector<3x80x128xf32>
      %eq3A_34 = arith.cmpf oeq, %scan3A_26, %eq3A : vector<3x80x128xf32>
      %jit3A = arith.constant 1073741824 : i32
      %broadcast_in_dim3A_35 = vector.broadcast %jit3A : i32 to vector<3x80x128xi32>
      %select_n3A = arith.select %eq3A_34, %add3A, %broadcast_in_dim3A_35 : vector<3x80x128xi1>, vector<3x80x128xi32>
      %reduce_min3A = arith.constant dense<2147483647> : vector<3x80xi32>
      %reduce_min3A_36 = vector.multi_reduction <minsi>, %select_n3A, %reduce_min3A [2] : vector<3x80x128xi32> to vector<3x80xi32>
      %broadcast_in_dim3A_37 = vector.shape_cast %reduce_min3A_36 : vector<3x80xi32> to vector<3x80x1xi32>
      %reduce_min3A_38 = arith.constant dense<2147483647> : vector<3x1xi32>
      %reduce_min3A_39 = vector.multi_reduction <minsi>, %broadcast_in_dim3A_37, %reduce_min3A_38 [1] : vector<3x80x1xi32> to vector<3x1xi32>
      %broadcast_in_dim3A_40 = vector.shape_cast %reduce_min3A_39 : vector<3x1xi32> to vector<3x1x1xi32>
      %eq3A_41 = vector.broadcast %scan3A_25 : i32 to vector<3x128xi32>
      %eq3A_42 = arith.cmpi eq, %iota3A_6, %eq3A_41 : vector<3x128xi32>
      %squeeze3A = vector.shape_cast %broadcast_in_dim3A_33 : vector<3x1x1xf32> to vector<3x1xf32>
      %broadcast_in_dim3A_43 = vector.shape_cast %squeeze3A : vector<3x1xf32> to vector<3x1xf32>
      %broadcast_in_dim3A_44 = vector.broadcast %broadcast_in_dim3A_43 : vector<3x1xf32> to vector<3x128xf32>
      %select_n3A_45 = arith.select %eq3A_42, %broadcast_in_dim3A_44, %scan3A_27 : vector<3x128xi1>, vector<3x128xf32>
      %eq3A_46 = vector.broadcast %scan3A_25 : i32 to vector<3x128xi32>
      %eq3A_47 = arith.cmpi eq, %iota3A_6, %eq3A_46 : vector<3x128xi32>
      %squeeze3A_48 = vector.shape_cast %broadcast_in_dim3A_40 : vector<3x1x1xi32> to vector<3x1xi32>
      %broadcast_in_dim3A_49 = vector.shape_cast %squeeze3A_48 : vector<3x1xi32> to vector<3x1xi32>
      %broadcast_in_dim3A_50 = vector.broadcast %broadcast_in_dim3A_49 : vector<3x1xi32> to vector<3x128xi32>
      %select_n3A_51 = arith.select %eq3A_47, %broadcast_in_dim3A_50, %scan3A_28 : vector<3x128xi1>, vector<3x128xi32>
      %eq3A_52 = vector.broadcast %broadcast_in_dim3A_40 : vector<3x1x1xi32> to vector<3x80x128xi32>
      %eq3A_53 = arith.cmpi eq, %add3A, %eq3A_52 : vector<3x80x128xi32>
      %jit3A_54 = arith.constant 0xFF800000 : f32
      %broadcast_in_dim3A_55 = vector.broadcast %jit3A_54 : f32 to vector<3x80x128xf32>
      %select_n3A_56 = arith.select %eq3A_53, %broadcast_in_dim3A_55, %scan3A_26 : vector<3x80x128xi1>, vector<3x80x128xf32>
      scf.yield %select_n3A_56, %select_n3A_45, %select_n3A_51 : vector<3x80x128xf32>, vector<3x128xf32>, vector<3x128xi32>
    }
    %scan3A_14 = arith.constant 128 : i32
    %swap3A = arith.constant 0 : index
    %swap3A_15 = arith.constant 0 : index
    %swap3A_16 = vector.load %arg2[%swap3A, %swap3A_15] : memref<3x128xf32, #tpu.memory_space<vmem>>, vector<3x128xf32>
    tpu.vector_store %arg2[%swap3A, %swap3A_15], %scan3A_13#1 {strides = array<i32>} : memref<3x128xf32, #tpu.memory_space<vmem>>, vector<3x128xf32>,
    %iota3A_17 = tpu.iota {dimensions = array<i32: 0>} : vector<3x128xi32>
    %mul3A_18 = arith.constant 10000 : i32
    %mul3A_19 = vector.broadcast %mul3A_18 : i32 to vector<3x128xi32>
    %mul3A_20 = arith.muli %iota3A_17, %mul3A_19 : vector<3x128xi32>
    %add3A_21 = arith.addi %scan3A_13#2, %mul3A_20 : vector<3x128xi32>
    %swap3A_22 = arith.constant 0 : index
    %swap3A_23 = arith.constant 0 : index
    %swap3A_24 = vector.load %arg1[%swap3A_22, %swap3A_23] : memref<3x128xi32, #tpu.memory_space<vmem>>, vector<3x128xi32>
    tpu.vector_store %arg1[%swap3A_22, %swap3A_23], %add3A_21 {strides = array<i32>} : memref<3x128xi32, #tpu.memory_space<vmem>>, vector<3x128xi32>,
    return
  }
}

module attributes {stable_mosaic.version = 14 : i64} {
  func.func @_gru_body(%arg0: memref<3x128x128xf32, #tpu.memory_space<vmem>>, %arg1: memref<3x128xf32, #tpu.memory_space<vmem>>, %arg2: memref<128x128xf32, #tpu.memory_space<vmem>>, %arg3: memref<384x128xf32, #tpu.memory_space<vmem>>, %arg4: memref<384x128xf32, #tpu.memory_space<vmem>>, %arg5: memref<1x384xf32, #tpu.memory_space<vmem>>, %arg6: memref<1x384xf32, #tpu.memory_space<vmem>>, %arg7: memref<128x128xf32, #tpu.memory_space<vmem>>) attributes {dimension_semantics = [], scalar_prefetch = 0 : i64, scratch_operands = 0 : i64, tpu.core_type = #tpu.core_type<tc>} {
    %get3A = arith.constant 0 : index
    %get3A_0 = arith.constant 0 : index
    %get3A_1 = vector.load %arg2[%get3A, %get3A_0] : memref<128x128xf32, #tpu.memory_space<vmem>>, vector<128x128xf32>
    %get3A_2 = arith.constant 0 : index
    %get3A_3 = arith.constant 0 : index
    %get3A_4 = vector.load %arg3[%get3A_2, %get3A_3] : memref<384x128xf32, #tpu.memory_space<vmem>>, vector<384x128xf32>
    %get3A_5 = arith.constant 0 : index
    %get3A_6 = arith.constant 0 : index
    %get3A_7 = vector.load %arg4[%get3A_5, %get3A_6] : memref<384x128xf32, #tpu.memory_space<vmem>>, vector<384x128xf32>
    %get3A_8 = arith.constant 0 : index
    %get3A_9 = arith.constant 0 : index
    %get3A_10 = vector.load %arg5[%get3A_8, %get3A_9] : memref<1x384xf32, #tpu.memory_space<vmem>>, vector<1x384xf32>
    %get3A_11 = arith.constant 0 : index
    %get3A_12 = arith.constant 0 : index
    %get3A_13 = vector.load %arg6[%get3A_11, %get3A_12] : memref<1x384xf32, #tpu.memory_space<vmem>>, vector<1x384xf32>
    %iota3A = tpu.iota {dimensions = array<i32: 0>} : vector<128x128xi32>
    %iota3A_14 = tpu.iota {dimensions = array<i32: 1>} : vector<128x128xi32>
    %eq3A = arith.cmpi eq, %iota3A, %iota3A_14 : vector<128x128xi32>
    %jit3A = arith.constant 1.000000e+00 : f32
    %jit3A_15 = arith.constant 0.000000e+00 : f32
    %broadcast_in_dim3A = vector.broadcast %jit3A : f32 to vector<128x128xf32>
    %broadcast_in_dim3A_16 = vector.broadcast %jit3A_15 : f32 to vector<128x128xf32>
    %select_n3A = arith.select %eq3A, %broadcast_in_dim3A, %broadcast_in_dim3A_16 : vector<128x128xi1>, vector<128x128xf32>
    %get3A_17 = arith.constant 0 : index
    %get3A_18 = arith.constant 0 : index
    %get3A_19 = vector.load %arg1[%get3A_17, %get3A_18] : memref<3x128xf32, #tpu.memory_space<vmem>>, vector<1x128xf32>
    %get3A_20 = vector.shape_cast %get3A_19 : vector<1x128xf32> to vector<128xf32>
    %tanh3A = math.tanh %get3A_20 : vector<128xf32>
    %broadcast_in_dim3A_21 = vector.shape_cast %tanh3A : vector<128xf32> to vector<1x128xf32>
    %mul3A = vector.broadcast %broadcast_in_dim3A_21 : vector<1x128xf32> to vector<128x128xf32>
    %mul3A_22 = arith.mulf %select_n3A, %mul3A : vector<128x128xf32>
    %get3A_23 = arith.constant 0 : index
    %get3A_24 = arith.constant 0 : index
    %get3A_25 = arith.constant 0 : index
    %get3A_26 = vector.load %arg0[%get3A_23, %get3A_24, %get3A_25] : memref<3x128x128xf32, #tpu.memory_space<vmem>>, vector<1x128x128xf32>
    %get3A_27 = vector.shape_cast %get3A_26 : vector<1x128x128xf32> to vector<128x128xf32>
    %dot_general3A = arith.constant dense<0.000000e+00> : vector<128x128xf32>
    %dot_general3A_28 = tpu.matmul %mul3A_22, %get3A_27, %dot_general3A {dimension_numbers = #tpu.dot_dimension_numbers<[1], [0], [0], [1], [0, 0, 1, 1], [], []>, transpose_lhs_hint = false} : vector<128x128xf32>, vector<128x128xf32>, vector<128x128xf32> -> vector<128x128xf32>
    %dot_general3A_29 = arith.constant dense<0.000000e+00> : vector<128x384xf32>
    %dot_general3A_30 = tpu.matmul %dot_general3A_28, %get3A_4, %dot_general3A_29 {dimension_numbers = #tpu.dot_dimension_numbers<[1], [1], [0], [0], [0, 0, 1, 0], [], []>, transpose_lhs_hint = false} : vector<128x128xf32>, vector<384x128xf32>, vector<128x384xf32> -> vector<128x384xf32>
    %add3A = vector.broadcast %get3A_10 : vector<1x384xf32> to vector<128x384xf32>
    %add3A_31 = arith.addf %dot_general3A_30, %add3A : vector<128x384xf32>
    %dot_general3A_32 = arith.constant dense<0.000000e+00> : vector<128x384xf32>
    %dot_general3A_33 = tpu.matmul %get3A_1, %get3A_7, %dot_general3A_32 {dimension_numbers = #tpu.dot_dimension_numbers<[1], [1], [0], [0], [0, 0, 1, 0], [], []>, transpose_lhs_hint = false} : vector<128x128xf32>, vector<384x128xf32>, vector<128x384xf32> -> vector<128x384xf32>
    %add3A_34 = vector.broadcast %get3A_13 : vector<1x384xf32> to vector<128x384xf32>
    %add3A_35 = arith.addf %dot_general3A_33, %add3A_34 : vector<128x384xf32>
    %slice3A = vector.extract_strided_slice %add3A_31 {offsets = [0, 0], sizes = [128, 128], strides = [1, 1]} : vector<128x384xf32> to vector<128x128xf32>
    %slice3A_36 = vector.extract_strided_slice %add3A_35 {offsets = [0, 0], sizes = [128, 128], strides = [1, 1]} : vector<128x384xf32> to vector<128x128xf32>
    %add3A_37 = arith.addf %slice3A, %slice3A_36 : vector<128x128xf32>
    %logistic3A = arith.negf %add3A_37 : vector<128x128xf32>
    %logistic3A_38 = math.exp %logistic3A : vector<128x128xf32>
    %logistic3A_39 = arith.constant 1.000000e+00 : f32
    %logistic3A_40 = vector.broadcast %logistic3A_39 : f32 to vector<128x128xf32>
    %logistic3A_41 = arith.addf %logistic3A_40, %logistic3A_38 : vector<128x128xf32>
    %logistic3A_42 = arith.divf %logistic3A_40, %logistic3A_41 : vector<128x128xf32>
    %slice3A_43 = vector.extract_strided_slice %add3A_31 {offsets = [0, 128], sizes = [128, 128], strides = [1, 1]} : vector<128x384xf32> to vector<128x128xf32>
    %slice3A_44 = vector.extract_strided_slice %add3A_35 {offsets = [0, 128], sizes = [128, 128], strides = [1, 1]} : vector<128x384xf32> to vector<128x128xf32>
    %add3A_45 = arith.addf %slice3A_43, %slice3A_44 : vector<128x128xf32>
    %logistic3A_46 = arith.negf %add3A_45 : vector<128x128xf32>
    %logistic3A_47 = math.exp %logistic3A_46 : vector<128x128xf32>
    %logistic3A_48 = arith.constant 1.000000e+00 : f32
    %logistic3A_49 = vector.broadcast %logistic3A_48 : f32 to vector<128x128xf32>
    %logistic3A_50 = arith.addf %logistic3A_49, %logistic3A_47 : vector<128x128xf32>
    %logistic3A_51 = arith.divf %logistic3A_49, %logistic3A_50 : vector<128x128xf32>
    %slice3A_52 = vector.extract_strided_slice %add3A_31 {offsets = [0, 256], sizes = [128, 128], strides = [1, 1]} : vector<128x384xf32> to vector<128x128xf32>
    %slice3A_53 = vector.extract_strided_slice %add3A_35 {offsets = [0, 256], sizes = [128, 128], strides = [1, 1]} : vector<128x384xf32> to vector<128x128xf32>
    %mul3A_54 = arith.mulf %logistic3A_42, %slice3A_53 : vector<128x128xf32>
    %add3A_55 = arith.addf %slice3A_52, %mul3A_54 : vector<128x128xf32>
    %tanh3A_56 = math.tanh %add3A_55 : vector<128x128xf32>
    %sub3A = arith.constant 1.000000e+00 : f32
    %sub3A_57 = vector.broadcast %sub3A : f32 to vector<128x128xf32>
    %sub3A_58 = arith.subf %sub3A_57, %logistic3A_51 : vector<128x128xf32>
    %mul3A_59 = arith.mulf %sub3A_58, %tanh3A_56 : vector<128x128xf32>
    %mul3A_60 = arith.mulf %logistic3A_51, %get3A_1 : vector<128x128xf32>
    %add3A_61 = arith.addf %mul3A_59, %mul3A_60 : vector<128x128xf32>
    %get3A_62 = arith.constant 1 : index
    %get3A_63 = arith.constant 0 : index
    %get3A_64 = vector.load %arg1[%get3A_62, %get3A_63] : memref<3x128xf32, #tpu.memory_space<vmem>>, vector<1x128xf32>
    %get3A_65 = vector.shape_cast %get3A_64 : vector<1x128xf32> to vector<128xf32>
    %tanh3A_66 = math.tanh %get3A_65 : vector<128xf32>
    %broadcast_in_dim3A_67 = vector.shape_cast %tanh3A_66 : vector<128xf32> to vector<1x128xf32>
    %mul3A_68 = vector.broadcast %broadcast_in_dim3A_67 : vector<1x128xf32> to vector<128x128xf32>
    %mul3A_69 = arith.mulf %select_n3A, %mul3A_68 : vector<128x128xf32>
    %get3A_70 = arith.constant 1 : index
    %get3A_71 = arith.constant 0 : index
    %get3A_72 = arith.constant 0 : index
    %get3A_73 = vector.load %arg0[%get3A_70, %get3A_71, %get3A_72] : memref<3x128x128xf32, #tpu.memory_space<vmem>>, vector<1x128x128xf32>
    %get3A_74 = vector.shape_cast %get3A_73 : vector<1x128x128xf32> to vector<128x128xf32>
    %dot_general3A_75 = arith.constant dense<0.000000e+00> : vector<128x128xf32>
    %dot_general3A_76 = tpu.matmul %mul3A_69, %get3A_74, %dot_general3A_75 {dimension_numbers = #tpu.dot_dimension_numbers<[1], [0], [0], [1], [0, 0, 1, 1], [], []>, transpose_lhs_hint = false} : vector<128x128xf32>, vector<128x128xf32>, vector<128x128xf32> -> vector<128x128xf32>
    %dot_general3A_77 = arith.constant dense<0.000000e+00> : vector<128x384xf32>
    %dot_general3A_78 = tpu.matmul %dot_general3A_76, %get3A_4, %dot_general3A_77 {dimension_numbers = #tpu.dot_dimension_numbers<[1], [1], [0], [0], [0, 0, 1, 0], [], []>, transpose_lhs_hint = false} : vector<128x128xf32>, vector<384x128xf32>, vector<128x384xf32> -> vector<128x384xf32>
    %add3A_79 = vector.broadcast %get3A_10 : vector<1x384xf32> to vector<128x384xf32>
    %add3A_80 = arith.addf %dot_general3A_78, %add3A_79 : vector<128x384xf32>
    %dot_general3A_81 = arith.constant dense<0.000000e+00> : vector<128x384xf32>
    %dot_general3A_82 = tpu.matmul %add3A_61, %get3A_7, %dot_general3A_81 {dimension_numbers = #tpu.dot_dimension_numbers<[1], [1], [0], [0], [0, 0, 1, 0], [], []>, transpose_lhs_hint = false} : vector<128x128xf32>, vector<384x128xf32>, vector<128x384xf32> -> vector<128x384xf32>
    %add3A_83 = vector.broadcast %get3A_13 : vector<1x384xf32> to vector<128x384xf32>
    %add3A_84 = arith.addf %dot_general3A_82, %add3A_83 : vector<128x384xf32>
    %slice3A_85 = vector.extract_strided_slice %add3A_80 {offsets = [0, 0], sizes = [128, 128], strides = [1, 1]} : vector<128x384xf32> to vector<128x128xf32>
    %slice3A_86 = vector.extract_strided_slice %add3A_84 {offsets = [0, 0], sizes = [128, 128], strides = [1, 1]} : vector<128x384xf32> to vector<128x128xf32>
    %add3A_87 = arith.addf %slice3A_85, %slice3A_86 : vector<128x128xf32>
    %logistic3A_88 = arith.negf %add3A_87 : vector<128x128xf32>
    %logistic3A_89 = math.exp %logistic3A_88 : vector<128x128xf32>
    %logistic3A_90 = arith.constant 1.000000e+00 : f32
    %logistic3A_91 = vector.broadcast %logistic3A_90 : f32 to vector<128x128xf32>
    %logistic3A_92 = arith.addf %logistic3A_91, %logistic3A_89 : vector<128x128xf32>
    %logistic3A_93 = arith.divf %logistic3A_91, %logistic3A_92 : vector<128x128xf32>
    %slice3A_94 = vector.extract_strided_slice %add3A_80 {offsets = [0, 128], sizes = [128, 128], strides = [1, 1]} : vector<128x384xf32> to vector<128x128xf32>
    %slice3A_95 = vector.extract_strided_slice %add3A_84 {offsets = [0, 128], sizes = [128, 128], strides = [1, 1]} : vector<128x384xf32> to vector<128x128xf32>
    %add3A_96 = arith.addf %slice3A_94, %slice3A_95 : vector<128x128xf32>
    %logistic3A_97 = arith.negf %add3A_96 : vector<128x128xf32>
    %logistic3A_98 = math.exp %logistic3A_97 : vector<128x128xf32>
    %logistic3A_99 = arith.constant 1.000000e+00 : f32
    %logistic3A_100 = vector.broadcast %logistic3A_99 : f32 to vector<128x128xf32>
    %logistic3A_101 = arith.addf %logistic3A_100, %logistic3A_98 : vector<128x128xf32>
    %logistic3A_102 = arith.divf %logistic3A_100, %logistic3A_101 : vector<128x128xf32>
    %slice3A_103 = vector.extract_strided_slice %add3A_80 {offsets = [0, 256], sizes = [128, 128], strides = [1, 1]} : vector<128x384xf32> to vector<128x128xf32>
    %slice3A_104 = vector.extract_strided_slice %add3A_84 {offsets = [0, 256], sizes = [128, 128], strides = [1, 1]} : vector<128x384xf32> to vector<128x128xf32>
    %mul3A_105 = arith.mulf %logistic3A_93, %slice3A_104 : vector<128x128xf32>
    %add3A_106 = arith.addf %slice3A_103, %mul3A_105 : vector<128x128xf32>
    %tanh3A_107 = math.tanh %add3A_106 : vector<128x128xf32>
    %sub3A_108 = arith.constant 1.000000e+00 : f32
    %sub3A_109 = vector.broadcast %sub3A_108 : f32 to vector<128x128xf32>
    %sub3A_110 = arith.subf %sub3A_109, %logistic3A_102 : vector<128x128xf32>
    %mul3A_111 = arith.mulf %sub3A_110, %tanh3A_107 : vector<128x128xf32>
    %mul3A_112 = arith.mulf %logistic3A_102, %add3A_61 : vector<128x128xf32>
    %add3A_113 = arith.addf %mul3A_111, %mul3A_112 : vector<128x128xf32>
    %get3A_114 = arith.constant 2 : index
    %get3A_115 = arith.constant 0 : index
    %get3A_116 = vector.load %arg1[%get3A_114, %get3A_115] : memref<3x128xf32, #tpu.memory_space<vmem>>, vector<1x128xf32>
    %get3A_117 = vector.shape_cast %get3A_116 : vector<1x128xf32> to vector<128xf32>
    %tanh3A_118 = math.tanh %get3A_117 : vector<128xf32>
    %broadcast_in_dim3A_119 = vector.shape_cast %tanh3A_118 : vector<128xf32> to vector<1x128xf32>
    %mul3A_120 = vector.broadcast %broadcast_in_dim3A_119 : vector<1x128xf32> to vector<128x128xf32>
    %mul3A_121 = arith.mulf %select_n3A, %mul3A_120 : vector<128x128xf32>
    %get3A_122 = arith.constant 2 : index
    %get3A_123 = arith.constant 0 : index
    %get3A_124 = arith.constant 0 : index
    %get3A_125 = vector.load %arg0[%get3A_122, %get3A_123, %get3A_124] : memref<3x128x128xf32, #tpu.memory_space<vmem>>, vector<1x128x128xf32>
    %get3A_126 = vector.shape_cast %get3A_125 : vector<1x128x128xf32> to vector<128x128xf32>
    %dot_general3A_127 = arith.constant dense<0.000000e+00> : vector<128x128xf32>
    %dot_general3A_128 = tpu.matmul %mul3A_121, %get3A_126, %dot_general3A_127 {dimension_numbers = #tpu.dot_dimension_numbers<[1], [0], [0], [1], [0, 0, 1, 1], [], []>, transpose_lhs_hint = false} : vector<128x128xf32>, vector<128x128xf32>, vector<128x128xf32> -> vector<128x128xf32>
    %dot_general3A_129 = arith.constant dense<0.000000e+00> : vector<128x384xf32>
    %dot_general3A_130 = tpu.matmul %dot_general3A_128, %get3A_4, %dot_general3A_129 {dimension_numbers = #tpu.dot_dimension_numbers<[1], [1], [0], [0], [0, 0, 1, 0], [], []>, transpose_lhs_hint = false} : vector<128x128xf32>, vector<384x128xf32>, vector<128x384xf32> -> vector<128x384xf32>
    %add3A_131 = vector.broadcast %get3A_10 : vector<1x384xf32> to vector<128x384xf32>
    %add3A_132 = arith.addf %dot_general3A_130, %add3A_131 : vector<128x384xf32>
    %dot_general3A_133 = arith.constant dense<0.000000e+00> : vector<128x384xf32>
    %dot_general3A_134 = tpu.matmul %add3A_113, %get3A_7, %dot_general3A_133 {dimension_numbers = #tpu.dot_dimension_numbers<[1], [1], [0], [0], [0, 0, 1, 0], [], []>, transpose_lhs_hint = false} : vector<128x128xf32>, vector<384x128xf32>, vector<128x384xf32> -> vector<128x384xf32>
    %add3A_135 = vector.broadcast %get3A_13 : vector<1x384xf32> to vector<128x384xf32>
    %add3A_136 = arith.addf %dot_general3A_134, %add3A_135 : vector<128x384xf32>
    %slice3A_137 = vector.extract_strided_slice %add3A_132 {offsets = [0, 0], sizes = [128, 128], strides = [1, 1]} : vector<128x384xf32> to vector<128x128xf32>
    %slice3A_138 = vector.extract_strided_slice %add3A_136 {offsets = [0, 0], sizes = [128, 128], strides = [1, 1]} : vector<128x384xf32> to vector<128x128xf32>
    %add3A_139 = arith.addf %slice3A_137, %slice3A_138 : vector<128x128xf32>
    %logistic3A_140 = arith.negf %add3A_139 : vector<128x128xf32>
    %logistic3A_141 = math.exp %logistic3A_140 : vector<128x128xf32>
    %logistic3A_142 = arith.constant 1.000000e+00 : f32
    %logistic3A_143 = vector.broadcast %logistic3A_142 : f32 to vector<128x128xf32>
    %logistic3A_144 = arith.addf %logistic3A_143, %logistic3A_141 : vector<128x128xf32>
    %logistic3A_145 = arith.divf %logistic3A_143, %logistic3A_144 : vector<128x128xf32>
    %slice3A_146 = vector.extract_strided_slice %add3A_132 {offsets = [0, 128], sizes = [128, 128], strides = [1, 1]} : vector<128x384xf32> to vector<128x128xf32>
    %slice3A_147 = vector.extract_strided_slice %add3A_136 {offsets = [0, 128], sizes = [128, 128], strides = [1, 1]} : vector<128x384xf32> to vector<128x128xf32>
    %add3A_148 = arith.addf %slice3A_146, %slice3A_147 : vector<128x128xf32>
    %logistic3A_149 = arith.negf %add3A_148 : vector<128x128xf32>
    %logistic3A_150 = math.exp %logistic3A_149 : vector<128x128xf32>
    %logistic3A_151 = arith.constant 1.000000e+00 : f32
    %logistic3A_152 = vector.broadcast %logistic3A_151 : f32 to vector<128x128xf32>
    %logistic3A_153 = arith.addf %logistic3A_152, %logistic3A_150 : vector<128x128xf32>
    %logistic3A_154 = arith.divf %logistic3A_152, %logistic3A_153 : vector<128x128xf32>
    %slice3A_155 = vector.extract_strided_slice %add3A_132 {offsets = [0, 256], sizes = [128, 128], strides = [1, 1]} : vector<128x384xf32> to vector<128x128xf32>
    %slice3A_156 = vector.extract_strided_slice %add3A_136 {offsets = [0, 256], sizes = [128, 128], strides = [1, 1]} : vector<128x384xf32> to vector<128x128xf32>
    %mul3A_157 = arith.mulf %logistic3A_145, %slice3A_156 : vector<128x128xf32>
    %add3A_158 = arith.addf %slice3A_155, %mul3A_157 : vector<128x128xf32>
    %tanh3A_159 = math.tanh %add3A_158 : vector<128x128xf32>
    %sub3A_160 = arith.constant 1.000000e+00 : f32
    %sub3A_161 = vector.broadcast %sub3A_160 : f32 to vector<128x128xf32>
    %sub3A_162 = arith.subf %sub3A_161, %logistic3A_154 : vector<128x128xf32>
    %mul3A_163 = arith.mulf %sub3A_162, %tanh3A_159 : vector<128x128xf32>
    %mul3A_164 = arith.mulf %logistic3A_154, %add3A_113 : vector<128x128xf32>
    %add3A_165 = arith.addf %mul3A_163, %mul3A_164 : vector<128x128xf32>
    %swap3A = arith.constant 0 : index
    %swap3A_166 = arith.constant 0 : index
    %swap3A_167 = vector.load %arg7[%swap3A, %swap3A_166] : memref<128x128xf32, #tpu.memory_space<vmem>>, vector<128x128xf32>
    tpu.vector_store %arg7[%swap3A, %swap3A_166], %add3A_165 {strides = array<i32>} : memref<128x128xf32, #tpu.memory_space<vmem>>, vector<128x128xf32>,
    return
  }
}

module attributes {stable_mosaic.version = 14 : i64} {
  func.func @_xw_body(%arg0: i32, %arg1: memref<1024x128xf32, #tpu.memory_space<vmem>>, %arg2: memref<128x128xf32, #tpu.memory_space<vmem>>, %arg3: memref<2x1024x1xf32, #tpu.memory_space<vmem>>, %arg4: memref<1024x128xf32, #tpu.memory_space<vmem>>) attributes {dimension_semantics = [#tpu.dimension_semantics<arbitrary>], iteration_bounds = array<i64: 10>, scalar_prefetch = 0 : i64, scratch_operands = 0 : i64, tpu.core_type = #tpu.core_type<tc>, window_params = [{transform_indices = @transform_0, window_bounds = array<i64: 1024, 128>}, {pipeline_mode = #tpu.pipeline_mode<synchronous>, transform_indices = @transform_1, window_bounds = array<i64: 128, 128>}, {transform_indices = @transform_2, window_bounds = array<i64: 2, 1024, 1>}, {transform_indices = @transform_3, window_bounds = array<i64: 1024, 128>}]} {
    %get3A = arith.constant 0 : index
    %get3A_0 = arith.constant 0 : index
    %get3A_1 = vector.load %arg1[%get3A, %get3A_0] : memref<1024x128xf32, #tpu.memory_space<vmem>>, vector<1024x128xf32>
    %get3A_2 = arith.constant 0 : index
    %get3A_3 = arith.constant 0 : index
    %get3A_4 = vector.load %arg2[%get3A_2, %get3A_3] : memref<128x128xf32, #tpu.memory_space<vmem>>, vector<128x128xf32>
    %dot_general3A = arith.constant dense<0.000000e+00> : vector<1024x128xf32>
    %dot_general3A_5 = tpu.matmul %get3A_1, %get3A_4, %dot_general3A {dimension_numbers = #tpu.dot_dimension_numbers<[1], [0], [0], [1], [0, 0, 1, 1], [], []>, transpose_lhs_hint = false} : vector<1024x128xf32>, vector<128x128xf32>, vector<1024x128xf32> -> vector<1024x128xf32>
    %get3A_6 = arith.constant 0 : index
    %get3A_7 = arith.constant 0 : index
    %get3A_8 = arith.constant 0 : index
    %get3A_9 = vector.load %arg3[%get3A_6, %get3A_7, %get3A_8] : memref<2x1024x1xf32, #tpu.memory_space<vmem>>, vector<1x1024x1xf32>
    %get3A_10 = vector.shape_cast %get3A_9 : vector<1x1024x1xf32> to vector<1024x1xf32>
    %get3A_11 = arith.constant 1 : index
    %get3A_12 = arith.constant 0 : index
    %get3A_13 = arith.constant 0 : index
    %get3A_14 = vector.load %arg3[%get3A_11, %get3A_12, %get3A_13] : memref<2x1024x1xf32, #tpu.memory_space<vmem>>, vector<1x1024x1xf32>
    %get3A_15 = vector.shape_cast %get3A_14 : vector<1x1024x1xf32> to vector<1024x1xf32>
    %add3A = arith.addf %get3A_10, %get3A_15 : vector<1024x1xf32>
    %add3A_16 = arith.constant 1.000000e+00 : f32
    %add3A_17 = vector.broadcast %add3A_16 : f32 to vector<1024x1xf32>
    %add3A_18 = arith.addf %add3A, %add3A_17 : vector<1024x1xf32>
    %rsqrt3A = math.rsqrt %add3A_18 : vector<1024x1xf32>
    %mul3A = vector.broadcast %rsqrt3A : vector<1024x1xf32> to vector<1024x128xf32>
    %mul3A_19 = arith.mulf %mul3A, %dot_general3A_5 : vector<1024x128xf32>
    %swap3A = arith.constant 0 : index
    %swap3A_20 = arith.constant 0 : index
    %swap3A_21 = vector.load %arg4[%swap3A, %swap3A_20] : memref<1024x128xf32, #tpu.memory_space<vmem>>, vector<1024x128xf32>
    tpu.vector_store %arg4[%swap3A, %swap3A_20], %mul3A_19 {strides = array<i32>} : memref<1024x128xf32, #tpu.memory_space<vmem>>, vector<1024x128xf32>,
    return
  }
  func.func @transform_0(%arg0: i32) -> (i32, i32) {
    %c0_i32 = arith.constant 0 : i32
    %c0_i32_0 = arith.constant 0 : i32
    return %arg0, %c0_i32 : i32, i32
  }
  func.func @transform_1(%arg0: i32) -> (i32, i32) {
    %c0_i32 = arith.constant 0 : i32
    %c0_i32_0 = arith.constant 0 : i32
    %c0_i32_1 = arith.constant 0 : i32
    return %c0_i32, %c0_i32_0 : i32, i32
  }
  func.func @transform_2(%arg0: i32) -> (i32, i32, i32) {
    %c0_i32 = arith.constant 0 : i32
    %c0_i32_0 = arith.constant 0 : i32
    %c0_i32_1 = arith.constant 0 : i32
    return %c0_i32, %arg0, %c0_i32_0 : i32, i32, i32
  }
  func.func @transform_3(%arg0: i32) -> (i32, i32) {
    %c0_i32 = arith.constant 0 : i32
    %c0_i32_0 = arith.constant 0 : i32
    return %arg0, %c0_i32 : i32, i32
  }
}

module attributes {stable_mosaic.version = 14 : i64} {
  func.func @_fin_body(%arg0: i32, %arg1: memref<2x1000x128xf32, #tpu.memory_space<vmem>>, %arg2: memref<1000x128xf32, #tpu.memory_space<vmem>>, %arg3: memref<2x1000x1xf32, #tpu.memory_space<vmem>>, %arg4: memref<1000x128xf32, #tpu.memory_space<vmem>>) attributes {dimension_semantics = [#tpu.dimension_semantics<arbitrary>], iteration_bounds = array<i64: 10>, scalar_prefetch = 0 : i64, scratch_operands = 0 : i64, tpu.core_type = #tpu.core_type<tc>, window_params = [{transform_indices = @transform_0, window_bounds = array<i64: 2, 1000, 128>}, {transform_indices = @transform_1, window_bounds = array<i64: 1000, 128>}, {transform_indices = @transform_2, window_bounds = array<i64: 2, 1000, 1>}, {transform_indices = @transform_3, window_bounds = array<i64: 1000, 128>}]} {
    %get3A = arith.constant 0 : index
    %get3A_0 = arith.constant 0 : index
    %get3A_1 = arith.constant 0 : index
    %get3A_2 = vector.load %arg3[%get3A, %get3A_0, %get3A_1] : memref<2x1000x1xf32, #tpu.memory_space<vmem>>, vector<1x1000x1xf32>
    %get3A_3 = vector.shape_cast %get3A_2 : vector<1x1000x1xf32> to vector<1000x1xf32>
    %get3A_4 = arith.constant 1 : index
    %get3A_5 = arith.constant 0 : index
    %get3A_6 = arith.constant 0 : index
    %get3A_7 = vector.load %arg3[%get3A_4, %get3A_5, %get3A_6] : memref<2x1000x1xf32, #tpu.memory_space<vmem>>, vector<1x1000x1xf32>
    %get3A_8 = vector.shape_cast %get3A_7 : vector<1x1000x1xf32> to vector<1000x1xf32>
    %add3A = arith.addf %get3A_3, %get3A_8 : vector<1000x1xf32>
    %add3A_9 = arith.constant 1.000000e+00 : f32
    %add3A_10 = vector.broadcast %add3A_9 : f32 to vector<1000x1xf32>
    %add3A_11 = arith.addf %add3A, %add3A_10 : vector<1000x1xf32>
    %rsqrt3A = math.rsqrt %add3A_11 : vector<1000x1xf32>
    %get3A_12 = arith.constant 0 : index
    %get3A_13 = arith.constant 0 : index
    %get3A_14 = arith.constant 0 : index
    %get3A_15 = vector.load %arg1[%get3A_12, %get3A_13, %get3A_14] : memref<2x1000x128xf32, #tpu.memory_space<vmem>>, vector<1x1000x128xf32>
    %get3A_16 = vector.shape_cast %get3A_15 : vector<1x1000x128xf32> to vector<1000x128xf32>
    %get3A_17 = arith.constant 1 : index
    %get3A_18 = arith.constant 0 : index
    %get3A_19 = arith.constant 0 : index
    %get3A_20 = vector.load %arg1[%get3A_17, %get3A_18, %get3A_19] : memref<2x1000x128xf32, #tpu.memory_space<vmem>>, vector<1x1000x128xf32>
    %get3A_21 = vector.shape_cast %get3A_20 : vector<1x1000x128xf32> to vector<1000x128xf32>
    %add3A_22 = arith.addf %get3A_16, %get3A_21 : vector<1000x128xf32>
    %get3A_23 = arith.constant 0 : index
    %get3A_24 = arith.constant 0 : index
    %get3A_25 = vector.load %arg2[%get3A_23, %get3A_24] : memref<1000x128xf32, #tpu.memory_space<vmem>>, vector<1000x128xf32>
    %add3A_26 = arith.addf %add3A_22, %get3A_25 : vector<1000x128xf32>
    %mul3A = vector.broadcast %rsqrt3A : vector<1000x1xf32> to vector<1000x128xf32>
    %mul3A_27 = arith.mulf %mul3A, %add3A_26 : vector<1000x128xf32>
    %swap3A = arith.constant 0 : index
    %swap3A_28 = arith.constant 0 : index
    %swap3A_29 = vector.load %arg4[%swap3A, %swap3A_28] : memref<1000x128xf32, #tpu.memory_space<vmem>>, vector<1000x128xf32>
    tpu.vector_store %arg4[%swap3A, %swap3A_28], %mul3A_27 {strides = array<i32>} : memref<1000x128xf32, #tpu.memory_space<vmem>>, vector<1000x128xf32>,
    return
  }
  func.func @transform_0(%arg0: i32) -> (i32, i32, i32) {
    %c0_i32 = arith.constant 0 : i32
    %c0_i32_0 = arith.constant 0 : i32
    %c0_i32_1 = arith.constant 0 : i32
    return %c0_i32, %arg0, %c0_i32_0 : i32, i32, i32
  }
  func.func @transform_1(%arg0: i32) -> (i32, i32) {
    %c0_i32 = arith.constant 0 : i32
    %c0_i32_0 = arith.constant 0 : i32
    return %arg0, %c0_i32 : i32, i32
  }
  func.func @transform_2(%arg0: i32) -> (i32, i32, i32) {
    %c0_i32 = arith.constant 0 : i32
    %c0_i32_0 = arith.constant 0 : i32
    %c0_i32_1 = arith.constant 0 : i32
    return %c0_i32, %arg0, %c0_i32_0 : i32, i32, i32
  }
  func.func @transform_3(%arg0: i32) -> (i32, i32) {
    %c0_i32 = arith.constant 0 : i32
    %c0_i32_0 = arith.constant 0 : i32
    return %arg0, %c0_i32 : i32, i32
  }
}

</mosaic_0001>

<sc_bundles>
// kernel: kernel.10.cloned.1.call-start
scs
__scs_entry_jumppad:
0x0: {  	(pc) =	sbr.rel $0x88, $3  }
0x1: {  	(tag) =	ssettag $0x0;
	lr =	simm.s32 $0x1  }
0x2: {  	[smem:$0x3F99] =	sst lr;
	_ =	strace $0xD0000000  }
0x3: {  	_ = 	snop  }
0x4: {  	_ = 	snop  }
0x5: {  	_ = 	snop  }
0x6: {  	_ = 	snop  }
0x7: {  	_ = 	snop  }
__scs_overlays_trampoline_lowered:
0x8: {  	[smem:$0x3FA8] =	sst s0  }
0x9: {  	[smem:$0x3FA9] =	sst s1  }
0xa: {  	[smem:$0x3FAA] =	sst s2  }
0xb: {  	[smem:$0x3FAB] =	sst s3  }
0xc: {  	[smem:$0x3FAC] =	sst s4  }
0xd: {  	[smem:$0x3FAD] =	sst s5  }
0xe: {  	[smem:$0x3FAE] =	sst s6  }
0xf: {  	[smem:$0x3FAF] =	sst s7  }
0x10: {  	[smem:$0x3FB0] =	sst s8  }
0x11: {  	[smem:$0x3FB1] =	sst s9;
	s0 =	simm.s32 @!p0 $0x0  }
0x12: {  	s1 =	sld [smem:$0x3F97];
	s0 =	simm.s32 @p0 $0x1  }
0x13: {  	[smem:$0x3FB2] =	sst s0;
	s0 =	simm.s32 @!p1 $0x0  }
0x14: {  	s2 =	sld [smem:$0x3F96];
	s0 =	simm.s32 @p1 $0x1  }
0x15: {  	[smem:$0x3FB3] =	sst s0;
	s0 =	simm.s32 @!p2 $0x0  }
0x16: {  	s3 =	sld [smem:$0x3FDB];
	s0 =	simm.s32 @p2 $0x1  }
0x17: {  	s4 =	simm.s32 $0x1BF5;
	[smem:$0x3FB5] =	sst s0  }
0x18: {  	s0 =	sld [smem:$0x3F98];
	_ =	swait.ge [sflag:s4], $0x0  }
0x19: {  	s7 =	sld [smem:$0x3F99]  }
0x1a: {  	s8 =	sadd.s32 $0xFFFFE003, lr  }
0x1b: {  	s9 =	sadd.s32 $0xFFFFFEF7, lr;
	s5 =	simm.s32 $0xFFFFFFFF;
	p2 =	slt.u32 s8, $0xFFFFF086  }
0x1c: {  	p1 =	slt.u32 s9, $0xF7A;
	s5 =	simm.s32 @!p2 $0x0  }
0x1d: {  	s5 =	simm.s32 @p1 $0x1;
	p0 =	seq.s32 s7, s2  }
0x1e: {  	s7 =	smul.u32 @!p0 $0xF7A, s2;
	p2 =	seq.s32 @!p0 s5, $0x0  }
0x1f: {  	s9 =	smul.u32 $0xF7A, s1;
	s8 =	simm.s32 @!p0 $0x1BF5;
	p2 =	por !p2, p0  }
0x20: {  	[sflag:s8] =	ssyncset.s32 @!p0 $0xFFFFF086;
	s6 =	sadd.s32 @!p0 s3, s7;
	s7 =	simm.s32 @!p0 $0x108  }
0x21: {  	s3 =	sadd.s32 s3, s9;
	s6 =	sadd.s32 @!p0 $0x88, s6;
	s7 =	simm.s32 @p2 $0x1082  }
0x22: {  	[simem:s7], [sflag:s8] =	dma.local @!p0 [hbm:s6], $0xF7A  }
0x23: {  	s9 =	sor.u32 $0xD0000000, s2;
	s6 =	simm.s32 $0x108;
	_ =	swait.ge @!p0 [sflag:s8], $0x0  }
0x24: {  	s3 =	sadd.s32 $0x88, s3;
	s6 =	simm.s32 @!p1 $0x1082;
	[sflag:s4] =	ssyncset.s32 $0xFFFFF086  }
0x25: {  	[simem:s6], [sflag:s4] =	dma.local [hbm:s3], $0xF7A  }
0x26: {  	[smem:$0x3F99] =	sst s1;
	(tag) =	ssettag s2;
	_ =	strace s9  }
0x27: {  	s1 =	sld [smem:$0x3FA9]  }
0x28: {  	s2 =	sld [smem:$0x3FAA]  }
0x29: {  	s4 =	sld [smem:$0x3FAC]  }
0x2a: {  	p0 =	seq.s32 s5, $0x0;
	s5 =	sld [smem:$0x3FAD]  }
0x2b: {  	s6 =	sld [smem:$0x3FAE]  }
0x2c: {  	s7 =	sld [smem:$0x3FAF]  }
0x2d: {  	s3 =	simm.s32 $0x108;
	s8 =	sld [smem:$0x3FB0]  }
0x2e: {  	s3 =	simm.s32 @!p0 $0x1082;
	s9 =	sld [smem:$0x3FB1]  }
0x2f: {  	lr =	sadd.s32 s0, s3;
	s0 =	sld [smem:$0x3FA8]  }
0x30: {  	s3 =	sld [smem:$0x3FAB]  }
0x31: {  	[smem:$0x3FB4] =	sst s10  }
0x32: {  	s10 =	sld [smem:$0x3FB2];
	_ =	sdelay $0x3  }
0x33: {  	p0 =	seq.s32 s10, $0x1;
	s10 =	sld [smem:$0x3FB4];
	_ =	sdelay $0x3  }
0x34: {  	[smem:$0x3FB4] =	sst s10  }
0x35: {  	s10 =	sld [smem:$0x3FB3];
	_ =	sdelay $0x3  }
0x36: {  	p1 =	seq.s32 s10, $0x1;
	s10 =	sld [smem:$0x3FB4];
	_ =	sdelay $0x3  }
0x37: {  	[smem:$0x3FB4] =	sst s10  }
0x38: {  	s10 =	sld [smem:$0x3FB5]  }
0x39: {  	_ = 	snop;
	(pc) =	sbr.ind lr, $3  }
0x3a: {  	_ = 	snop  }
0x3b: {  	_ = 	snop  }
0x3c: {  	p2 =	seq.s32 s10, $0x1;
	s10 =	sld [smem:$0x3FB4]  }
0x3d: {  	_ =	shalt  }
0x3e: {  	_ =	shalt  }
0x3f: {  	_ =	shalt  }
0x40: {  	_ =	shalt  }
0x41: {  	_ =	shalt  }
0x42: {  	_ =	shalt  }
0x43: {  	_ =	shalt  }
0x44: {  	_ =	shalt  }
0x45: {  	_ =	shalt  }
0x46: {  	_ =	shalt  }
0x47: {  	_ =	shalt  }
0x48: {  	_ =	shalt  }
0x49: {  	_ =	shalt  }
0x4a: {  	_ =	shalt  }
0x4b: {  	_ =	shalt  }
0x4c: {  	_ =	shalt  }
0x4d: {  	_ =	shalt  }
0x4e: {  	_ =	shalt  }
0x4f: {  	_ =	shalt  }
0x50: {  	_ =	shalt  }
0x51: {  	_ =	shalt  }
0x52: {  	_ =	shalt  }
0x53: {  	_ =	shalt  }
0x54: {  	_ =	shalt  }
0x55: {  	_ =	shalt  }
0x56: {  	_ =	shalt  }
0x57: {  	_ =	shalt  }
0x58: {  	_ =	shalt  }
0x59: {  	_ =	shalt  }
0x5a: {  	_ =	shalt  }
0x5b: {  	_ =	shalt  }
0x5c: {  	_ =	shalt  }
0x5d: {  	_ =	shalt  }
0x5e: {  	_ =	shalt  }
0x5f: {  	_ =	shalt  }
0x60: {  	_ =	shalt  }
0x61: {  	_ =	shalt  }
0x62: {  	_ =	shalt  }
0x63: {  	_ =	shalt  }
0x64: {  	_ =	shalt  }
0x65: {  	_ =	shalt  }
0x66: {  	_ =	shalt  }
0x67: {  	_ =	shalt  }
0x68: {  	_ =	shalt  }
0x69: {  	_ =	shalt  }
0x6a: {  	_ =	shalt  }
0x6b: {  	_ =	shalt  }
0x6c: {  	_ =	shalt  }
0x6d: {  	_ =	shalt  }
0x6e: {  	_ =	shalt  }
0x6f: {  	_ =	shalt  }
0x70: {  	_ =	shalt  }
0x71: {  	_ =	shalt  }
0x72: {  	_ =	shalt  }
0x73: {  	_ =	shalt  }
0x74: {  	_ =	shalt  }
0x75: {  	_ =	shalt  }
0x76: {  	_ =	shalt  }
0x77: {  	_ =	shalt  }
0x78: {  	_ =	shalt  }
0x79: {  	_ =	shalt  }
0x7a: {  	_ =	shalt  }
0x7b: {  	_ =	shalt  }
0x7c: {  	_ =	shalt  }
0x7d: {  	_ =	shalt  }
0x7e: {  	_ =	shalt  }
0x7f: {  	_ =	shalt  }
0x80: {  	_ =	shalt  }
0x81: {  	_ =	shalt  }
0x82: {  	_ =	shalt  }
0x83: {  	_ =	shalt  }
0x84: {  	_ =	shalt  }
0x85: {  	_ =	shalt  }
0x86: {  	_ =	shalt  }
0x87: {  	_ =	shalt  }
.Lfunc_end0:
.L_simem_size_0:
called_computation_lowered:
.L_overlay_start_0:
0x88: {  	s2 =	sld [smem:$0x3FD9]  }
0x89: {  	s3 =	sld [smem:$0x3FFE];
	_ =	sdelay $0x1  }
0x8a: {  	s1 =	srdreg.scid  }
0x8b: {  	s0 =	sand.u32 $0x1, s1  }
0x8c: {  	s17 =	sshll.u32 s0, $0xA;
	s2 =	sadd.s32 s3, s2  }
0x8d: {  	s2 =	sadd.s32 s2, s17  }
0x8e: {  	[smem:$0x3FC0] =	sst s2  }
0x8f: {  	_ = 	snop  }
0x90: {  	s2 =	sld [smem:$0x3FD0];
	(tm) =	ssettm $0x1  }
0x91: {  	s18 =	sld [smem:$0x3FFB];
	_ =	sdelay $0x3  }
0x92: {  	_ =	strace s18  }
0x93: {  	s3 =	sld [smem:$0x3FFC];
	_ =	sdelay $0x3  }
0x94: {  	_ =	strace s3  }
0x95: {  	s3 =	sld [smem:$0x3FFD];
	_ =	sdelay $0x3  }
0x96: {  	_ =	strace s3  }
0x97: {  	_ =	strace $0x8FFFFFFF  }
0x98: {  	s19 =	sld [smem:$0x3FDB];
	_ =	sdelay $0x1  }
0x99: {  	s4 =	simm.s32 $_scs_section_size  }
0x9a: {  	s5 =	simm.s32 $_size__tile_overlayer_lowered;
	s6 =	simm.s32 $_tile_overlayer_lowered  }
0x9b: {  	s22 =	simm.s32 $0x1BFF;
	s21 =	sshll.u32 s6, $0x1;
	s3 =	sadd.s32 s4, s19  }
0x9c: {  	s7 =	simm.s32 $0x0;
	s20 =	sshll.u32 s5, $0x1;
	s5 =	sadd.s32 s21, s3  }
0x9d: {  	[timem:s7], [sflag:s22] =	dma.local [hbm:s5], s20  }
0x9e: {  	_ =	swait.ge [sflag:s22], s20  }
0x9f: {  	s4 =	ssub.s32 $0x0, s20;
	[sflag:s22] =	ssyncset.done $0x0  }
0xa0: {  	[sflag:s22] =	ssyncadd.s32 s4;
	_ =	sdelay $0x1  }
0xa1: {  	s23 =	simm.s32 $0x1B8B  }
0xa2: {  	_ =	swait.ge [sflag:s23], $0x1  }
0xa3: {  	[sflag:s23] =	ssyncset.done $0x0  }
0xa4: {  	s25 =	simm.s32 $0x1B8E;
	s24 =	sld [smem:$0x3FFE];
	[sflag:s23] =	ssyncadd.s32 $0xFFFFFFFF  }
0xa5: {  	s26 =	simm.s32 $execute0_lowered;
	[smem:$0x3FD2] =	sst s25  }
0xa6: {  	s5 =	sshll.u32 s26, $0x1;
	_ =	strace $0x80000046;
	[dreg:$0x1] =	wrdreg $0xFFFFFFFF  }
0xa7: {  	s28 =	simm.s32 $_size_execute0_lowered;
	s3 =	sadd.s32 s3, s5;
	[dreg:$0x0] =	wrdreg $0x0  }
0xa8: {  	s5 =	sshll.u32 s28, $0x1;
	[dreg:$0x2] =	wrdreg s3  }
0xa9: {  	[dreg:$0x3] =	wrdreg s5  }
0xaa: {  	[dreg:$0x4] =	wrdreg $0xC0  }
0xab: {  	_ =	task [dreg:s7], $0x5FFFF  }
0xac: {  	[dreg:$0x1] =	wrdreg $0xFFFFFFFF  }
0xad: {  	[dreg:$0x0] =	wrdreg $0x60  }
0xae: {  	[dreg:$0x2] =	wrdreg s2  }
0xaf: {  	[dreg:$0x3] =	wrdreg s24  }
0xb0: {  	[dreg:$0x4] =	wrdreg $0x50800  }
0xb1: {  	[dreg:$0x5] =	wrdreg $0x9  }
0xb2: {  	_ =	task.clear_ibuf [dreg:s7], $0x6FFFF;
	_ =	strace $0x90000046  }
0xb3: {  	s29 =	simm.s32 $0x9;
	_ =	strace $0x80000048  }
0xb4: {  	_ =	swait.ge [sflag:s29], $0x1  }
0xb5: {  	[sflag:s29] =	ssyncadd.s32 $0xFFFFFFFF  }
0xb6: {  	_ =	strace $0x90000048  }
0xb7: {  	_ =	sfence  }
0xb8: {  	s30 =	sld [smem:$0x0];
	_ =	sdelay $0x2  }
0xb9: {  	s31 =	sshll.u32 s1, $0xD;
	s1 =	sshrl.u32 s1, $0x2  }
0xba: {  	s3 =	sand.u32 $0x4000, s31;
	s1 =	sadd.s32 s1, s30  }
0xbb: {  	s0 =	sor.u32 s3, s0;
	s1 =	sshll.u32 s1, $0x11  }
0xbc: {  	s0 =	sor.u32 s1, s0  }
0xbd: {  	s0 =	sadd.s32 $0x8F2B, s0  }
0xbe: {  	[sflag:s0] =	ssyncadd.remote.s32 $0x1  }
0xbf: {  	_ =	sfence.sel $0xFFFF  }
0xc0: {  	[dreg:$0x0] =	wrdreg $0xFFFFFFFF;
	(pc) =	sbr.abs _section_cstart, $3  }
0xc1: {  	[dreg:$0x1] =	wrdreg $0xFFFFFFFF  }
0xc2: {  	_ =	task.clear_ibuf [dreg:s7], $0x2FFFF;
	_ =	strace $0x9FFFFFFF  }
0xc3: {  	(tm) =	ssettm $0x7FFFFFFF  }
tec
execute0_lowered:
.L_overlay_start_1:
0x0: {  	(tag) =	ssettag $0x1  }
0x1: {  	s7 =	rddreg [dreg:$0x0]  }
0x2: {  	s6 =	rddreg [dreg:$0x1]  }
0x3: {  	s2 =	rddreg [dreg:$0x2]  }
0x4: {  	s0 =	rddreg [dreg:$0x3];
	s4 =	srdreg.scid  }
0x5: {  	s1 =	stileid.u32;
	s3 =	simm.s32 $0x0;
	s13 =	simm.s32 $0x40  }
0x6: {  	s14 =	simm.s32 $0x20;
	s15 =	simm.s32 $0x10;
	s16 =	simm.s32 $0x0  }
0x7: {  	s8 =	sand.u32 $0x1, s4;
	s5 =	smul.u32 $0x500, s1;
	[smem:$0x7FF] =	sst s3  }
0x8: {  	s4 =	sadd.s32 $0x1E00, s6;
	s11 =	smul.u32 $0xA00, s1;
	s31 =	sshll.u32 s1, $0x6  }
0x9: {  	s9 =	sshll.u32 s8, $0x7;
	_ =	strace $0x80000047;
	s10 =	sshll.u32 s8, $0x4  }
0xa: {  	s8 =	ssub.s32 $0x2, s8;
	s9 =	sor.u32 s9, s5;
	s5 =	sadd.s32 $0x1C00, s6  }
0xb: {  	s10 =	sor.u32 s1, s10;
	s29 =	sshrl.u32 s8, $0x1;
	s30 =	sshrl.u32 s11, $0x2  }
0xc: {  	s9 =	sshrl.u32 s9, $0x3;
	s10 =	smul.u32 $0xA00, s10;
	s12 =	ssub.s32 s8, s29  }
0xd: {  	s11 =	sadd.s32 s30, s2;
	s9 =	sadd.s32 s9, s6;
	s6 =	sor.u32 $0x1C01, s31  }
0xe: {  	s7 =	sadd.s32 s7, s10;
	s8 =	sadd.s32 $0x2000, s9;
	s9 =	smax.u32 s12, $0x1  }
0xf: {  	s10 =	sshrl.u32 s11, $0x3;
	s11 =	simm.s32 $0x1;
	s12 =	simm.s32 $0x5000  }
.LBB2_1:
0x10: {  	[spmem:s10], [sflag:s6] =	dma.local [hbm:s4], $0x50  }
0x11: {  	_ =	swait.ge [sflag:s11], $0x50  }
0x12: {  	[sflag:s11] =	ssyncset.done $0x0  }
0x13: {  	[sflag:s11] =	ssyncadd.s32 $0xFFFFFFB0  }
0x14: {  	[tilespmem:s12], [sflag:$0x1] =	stream.linear.gather [hbm4b:s5+s3], $0x80, $0x38;
	[tilespmem:$0x5300] =	vst v63  }
0x15: {  	_ =	swait.ge [sflag:s11], $0x80  }
0x16: {  	[sflag:s11] =	ssyncset.done $0x0  }
0x17: {  	[sflag:s11] =	ssyncadd.s32 $0xFFFFFF80  }
0x18: {  	[tilespmem:s3], [sflag:$0x1] =	stream.linear.gather [hbm4b:s7+s3], $0x5000, $0x38;
	[tilespmem:$0x5300] =	vst v63  }
0x19: {  	_ =	swait.ge [sflag:s11], $0x5000  }
0x1a: {  	[sflag:s11] =	ssyncset.done $0x0  }
0x1b: {  	[sflag:s11] =	ssyncadd.s32 $0xFFFFB000  }
0x1c: {  	s17 =	simm.s32 $0x0;
	[bflag:$0x0] =	sbarrier.arrive $0xFFFF  }
0x1d: {  	[spmem:s2] =	stream.indirect.scatter.add.f32 [tilespmem:s12], [sflag:$0x1], $0x1, s17, s13, $0xb8;
	[tilespmem:$0x5300] =	vst v63  }
0x1e: {  	_ =	swait.ge [sflag:s11], $0x40  }
0x1f: {  	s17 =	simm.s32 $0x200;
	[sflag:s11] =	ssyncset.done $0x0  }
.LBB2_2:
0x20: {  	s18 =	sshra.s32 s17, $0x2;
	[sflag:s11] =	ssyncadd.s32 $0xFFFFFFC0;
	p0 =	sne.s32 s17, $0x13E00  }
0x21: {  	[spmem:s2] =	stream.indirect.scatter.add.f32 [tilespmem:s12], [sflag:$0x1], $0x1, s18, s13, $0xb8;
	[tilespmem:$0x5300] =	vst v63  }
.Ltmp0:
0x22: {  	_ = 	snop;
	(pc) =	sbr.rel @p0 .LBB2_2-.Ltmp0, $4  }
0x23: {  	_ = 	snop  }
0x24: {  	s17 =	sadd.s32 $0x200, s17  }
0x25: {  	_ =	swait.ge [sflag:s11], $0x40  }
0x26: {  	[sflag:s11] =	ssyncset.done $0x0  }
0x27: {  	s16 =	sadd.s32 $0x1, s16  }
0x28: {  	[sflag:s11] =	ssyncadd.s32 $0xFFFFFFC0;
	p0 =	sne.s32 s16, s9  }
.Ltmp1:
0x29: {  	[bflag:$0x0] =	sbarrier.arrive $0xFFFF;
	(pc) =	sbr.rel @p0 .LBB2_1-.Ltmp1, $4  }
0x2a: {  	[hbm:s8@s14], [sflag:s6] =	dma.strided [spmem:s10@s15], $0x50, s11, $0x10   }
0x2b: {  	_ =	swait.ge [sflag:s11], $0x50  }
0x2c: {  	[sflag:s11] =	ssyncset.done $0x0  }
0x2d: {  	[sflag:s11] =	ssyncadd.s32 $0xFFFFFFB0  }
0x2e: {  	_ =	sfence.sel $0x180000  }
0x2f: {  	[bflag:$0x0] =	sbarrier.arrive $0xFFFF  }
0x30: {  	p0 =	sne.s32 s1, $0x0;
	_ =	strace $0x90000047  }
0x31: {  	s0 =	sadd.s32 @!p0 $0x100000, s0;
	[bflag:$0x2] =	sbarrier.arrive $0xFFFF  }
0x32: {  	[sflag:s0] =	ssyncadd.tile.s32 @!p0 $0x1;
	_ =	shalt  }
.Lfunc_end2:
_tile_overlayer_lowered:
.L_overlay_start_2:
0x33: {  	(tag) =	ssettag $0x2  }
0x34: {  	s0 =	rddreg [dreg:$0x0];
	s2 =	stileid.u32  }
0x35: {  	s1 =	rddreg [dreg:$0x1];
	p0 =	sne.s32 s2, $0x0  }
0x36: {  	s3 =	rddreg [dreg:$0x2];
	[bflag:$0x3] =	sbarrier.arrive $0xFFFF;
	s2 =	simm.s32 @!p0 $0x1C01  }
0x37: {  	[timem:s3], [sflag:s2] =	dma.local @!p0 [hbm:s0], s1  }
0x38: {  	s0 =	simm.s32 @!p0 $0x1  }
0x39: {  	_ =	swait.ge @!p0 [sflag:s0], s1  }
0x3a: {  	s1 =	ssub.s32 @!p0 $0x0, s1;
	[sflag:s0] =	ssyncset.done @!p0 $0x0  }
0x3b: {  	[sflag:s0] =	ssyncadd.s32 @!p0 s1  }
0x3c: {  	[bflag:$0x3] =	sbarrier.arrive $0xFFFF  }
0x3d: {  	_ =	shalt  }

// kernel: kernel.13.cloned.1.call-start
scs
__scs_entry_jumppad:
0x0: {  	(pc) =	sbr.rel $0x88, $3  }
0x1: {  	(tag) =	ssettag $0x0;
	lr =	simm.s32 $0x1  }
0x2: {  	[smem:$0x3F99] =	sst lr;
	_ =	strace $0xD0000000  }
0x3: {  	_ = 	snop  }
0x4: {  	_ = 	snop  }
0x5: {  	_ = 	snop  }
0x6: {  	_ = 	snop  }
0x7: {  	_ = 	snop  }
__scs_overlays_trampoline_lowered:
0x8: {  	[smem:$0x3FA8] =	sst s0  }
0x9: {  	[smem:$0x3FA9] =	sst s1  }
0xa: {  	[smem:$0x3FAA] =	sst s2  }
0xb: {  	[smem:$0x3FAB] =	sst s3  }
0xc: {  	[smem:$0x3FAC] =	sst s4  }
0xd: {  	[smem:$0x3FAD] =	sst s5  }
0xe: {  	[smem:$0x3FAE] =	sst s6  }
0xf: {  	[smem:$0x3FAF] =	sst s7  }
0x10: {  	[smem:$0x3FB0] =	sst s8  }
0x11: {  	[smem:$0x3FB1] =	sst s9;
	s0 =	simm.s32 @!p0 $0x0  }
0x12: {  	s1 =	sld [smem:$0x3F97];
	s0 =	simm.s32 @p0 $0x1  }
0x13: {  	[smem:$0x3FB2] =	sst s0;
	s0 =	simm.s32 @!p1 $0x0  }
0x14: {  	s2 =	sld [smem:$0x3F96];
	s0 =	simm.s32 @p1 $0x1  }
0x15: {  	[smem:$0x3FB3] =	sst s0;
	s0 =	simm.s32 @!p2 $0x0  }
0x16: {  	s3 =	sld [smem:$0x3FDB];
	s0 =	simm.s32 @p2 $0x1  }
0x17: {  	s4 =	simm.s32 $0x1BF5;
	[smem:$0x3FB5] =	sst s0  }
0x18: {  	s0 =	sld [smem:$0x3F98];
	_ =	swait.ge [sflag:s4], $0x0  }
0x19: {  	s7 =	sld [smem:$0x3F99]  }
0x1a: {  	s8 =	sadd.s32 $0xFFFFE003, lr  }
0x1b: {  	s9 =	sadd.s32 $0xFFFFFEF7, lr;
	s5 =	simm.s32 $0xFFFFFFFF;
	p2 =	slt.u32 s8, $0xFFFFF086  }
0x1c: {  	p1 =	slt.u32 s9, $0xF7A;
	s5 =	simm.s32 @!p2 $0x0  }
0x1d: {  	s5 =	simm.s32 @p1 $0x1;
	p0 =	seq.s32 s7, s2  }
0x1e: {  	s7 =	smul.u32 @!p0 $0xF7A, s2;
	p2 =	seq.s32 @!p0 s5, $0x0  }
0x1f: {  	s9 =	smul.u32 $0xF7A, s1;
	s8 =	simm.s32 @!p0 $0x1BF5;
	p2 =	por !p2, p0  }
0x20: {  	[sflag:s8] =	ssyncset.s32 @!p0 $0xFFFFF086;
	s6 =	sadd.s32 @!p0 s3, s7;
	s7 =	simm.s32 @!p0 $0x108  }
0x21: {  	s3 =	sadd.s32 s3, s9;
	s6 =	sadd.s32 @!p0 $0x88, s6;
	s7 =	simm.s32 @p2 $0x1082  }
0x22: {  	[simem:s7], [sflag:s8] =	dma.local @!p0 [hbm:s6], $0xF7A  }
0x23: {  	s9 =	sor.u32 $0xD0000000, s2;
	s6 =	simm.s32 $0x108;
	_ =	swait.ge @!p0 [sflag:s8], $0x0  }
0x24: {  	s3 =	sadd.s32 $0x88, s3;
	s6 =	simm.s32 @!p1 $0x1082;
	[sflag:s4] =	ssyncset.s32 $0xFFFFF086  }
0x25: {  	[simem:s6], [sflag:s4] =	dma.local [hbm:s3], $0xF7A  }
0x26: {  	[smem:$0x3F99] =	sst s1;
	(tag) =	ssettag s2;
	_ =	strace s9  }
0x27: {  	s1 =	sld [smem:$0x3FA9]  }
0x28: {  	s2 =	sld [smem:$0x3FAA]  }
0x29: {  	s4 =	sld [smem:$0x3FAC]  }
0x2a: {  	p0 =	seq.s32 s5, $0x0;
	s5 =	sld [smem:$0x3FAD]  }
0x2b: {  	s6 =	sld [smem:$0x3FAE]  }
0x2c: {  	s7 =	sld [smem:$0x3FAF]  }
0x2d: {  	s3 =	simm.s32 $0x108;
	s8 =	sld [smem:$0x3FB0]  }
0x2e: {  	s3 =	simm.s32 @!p0 $0x1082;
	s9 =	sld [smem:$0x3FB1]  }
0x2f: {  	lr =	sadd.s32 s0, s3;
	s0 =	sld [smem:$0x3FA8]  }
0x30: {  	s3 =	sld [smem:$0x3FAB]  }
0x31: {  	[smem:$0x3FB4] =	sst s10  }
0x32: {  	s10 =	sld [smem:$0x3FB2];
	_ =	sdelay $0x3  }
0x33: {  	p0 =	seq.s32 s10, $0x1;
	s10 =	sld [smem:$0x3FB4];
	_ =	sdelay $0x3  }
0x34: {  	[smem:$0x3FB4] =	sst s10  }
0x35: {  	s10 =	sld [smem:$0x3FB3];
	_ =	sdelay $0x3  }
0x36: {  	p1 =	seq.s32 s10, $0x1;
	s10 =	sld [smem:$0x3FB4];
	_ =	sdelay $0x3  }
0x37: {  	[smem:$0x3FB4] =	sst s10  }
0x38: {  	s10 =	sld [smem:$0x3FB5]  }
0x39: {  	_ = 	snop;
	(pc) =	sbr.ind lr, $3  }
0x3a: {  	_ = 	snop  }
0x3b: {  	_ = 	snop  }
0x3c: {  	p2 =	seq.s32 s10, $0x1;
	s10 =	sld [smem:$0x3FB4]  }
0x3d: {  	_ =	shalt  }
0x3e: {  	_ =	shalt  }
0x3f: {  	_ =	shalt  }
0x40: {  	_ =	shalt  }
0x41: {  	_ =	shalt  }
0x42: {  	_ =	shalt  }
0x43: {  	_ =	shalt  }
0x44: {  	_ =	shalt  }
0x45: {  	_ =	shalt  }
0x46: {  	_ =	shalt  }
0x47: {  	_ =	shalt  }
0x48: {  	_ =	shalt  }
0x49: {  	_ =	shalt  }
0x4a: {  	_ =	shalt  }
0x4b: {  	_ =	shalt  }
0x4c: {  	_ =	shalt  }
0x4d: {  	_ =	shalt  }
0x4e: {  	_ =	shalt  }
0x4f: {  	_ =	shalt  }
0x50: {  	_ =	shalt  }
0x51: {  	_ =	shalt  }
0x52: {  	_ =	shalt  }
0x53: {  	_ =	shalt  }
0x54: {  	_ =	shalt  }
0x55: {  	_ =	shalt  }
0x56: {  	_ =	shalt  }
0x57: {  	_ =	shalt  }
0x58: {  	_ =	shalt  }
0x59: {  	_ =	shalt  }
0x5a: {  	_ =	shalt  }
0x5b: {  	_ =	shalt  }
0x5c: {  	_ =	shalt  }
0x5d: {  	_ =	shalt  }
0x5e: {  	_ =	shalt  }
0x5f: {  	_ =	shalt  }
0x60: {  	_ =	shalt  }
0x61: {  	_ =	shalt  }
0x62: {  	_ =	shalt  }
0x63: {  	_ =	shalt  }
0x64: {  	_ =	shalt  }
0x65: {  	_ =	shalt  }
0x66: {  	_ =	shalt  }
0x67: {  	_ =	shalt  }
0x68: {  	_ =	shalt  }
0x69: {  	_ =	shalt  }
0x6a: {  	_ =	shalt  }
0x6b: {  	_ =	shalt  }
0x6c: {  	_ =	shalt  }
0x6d: {  	_ =	shalt  }
0x6e: {  	_ =	shalt  }
0x6f: {  	_ =	shalt  }
0x70: {  	_ =	shalt  }
0x71: {  	_ =	shalt  }
0x72: {  	_ =	shalt  }
0x73: {  	_ =	shalt  }
0x74: {  	_ =	shalt  }
0x75: {  	_ =	shalt  }
0x76: {  	_ =	shalt  }
0x77: {  	_ =	shalt  }
0x78: {  	_ =	shalt  }
0x79: {  	_ =	shalt  }
0x7a: {  	_ =	shalt  }
0x7b: {  	_ =	shalt  }
0x7c: {  	_ =	shalt  }
0x7d: {  	_ =	shalt  }
0x7e: {  	_ =	shalt  }
0x7f: {  	_ =	shalt  }
0x80: {  	_ =	shalt  }
0x81: {  	_ =	shalt  }
0x82: {  	_ =	shalt  }
0x83: {  	_ =	shalt  }
0x84: {  	_ =	shalt  }
0x85: {  	_ =	shalt  }
0x86: {  	_ =	shalt  }
0x87: {  	_ =	shalt  }
.Lfunc_end0:
.L_simem_size_0:
called_computation.1_lowered:
.L_overlay_start_0:
0x88: {  	s2 =	sld [smem:$0x3FD9]  }
0x89: {  	s3 =	sld [smem:$0x3FFE];
	_ =	sdelay $0x1  }
0x8a: {  	s1 =	srdreg.scid  }
0x8b: {  	s0 =	sand.u32 $0x1, s1  }
0x8c: {  	s17 =	sshll.u32 s0, $0xA;
	s2 =	sadd.s32 s3, s2  }
0x8d: {  	s2 =	sadd.s32 s2, s17  }
0x8e: {  	[smem:$0x3FC0] =	sst s2  }
0x8f: {  	_ = 	snop  }
0x90: {  	s18 =	sld [smem:$0x3FC9];
	(tm) =	ssettm $0x1  }
0x91: {  	s19 =	sld [smem:$0x3FFB];
	_ =	sdelay $0x3  }
0x92: {  	_ =	strace s19  }
0x93: {  	s2 =	sld [smem:$0x3FFC];
	_ =	sdelay $0x3  }
0x94: {  	_ =	strace s2  }
0x95: {  	s2 =	sld [smem:$0x3FFD];
	_ =	sdelay $0x3  }
0x96: {  	_ =	strace s2  }
0x97: {  	_ =	strace $0x8FFFFFFF  }
0x98: {  	s20 =	sld [smem:$0x3FDB];
	_ =	sdelay $0x1  }
0x99: {  	s4 =	simm.s32 $_scs_section_size  }
0x9a: {  	s5 =	simm.s32 $_size__tile_overlayer_lowered;
	s6 =	simm.s32 $_tile_overlayer_lowered  }
0x9b: {  	s7 =	simm.s32 $0x1BFF;
	s21 =	sshll.u32 s6, $0x1;
	s4 =	sadd.s32 s4, s20  }
0x9c: {  	s22 =	simm.s32 $0x0;
	s5 =	sshll.u32 s5, $0x1;
	s6 =	sadd.s32 s21, s4  }
0x9d: {  	[timem:s22], [sflag:s7] =	dma.local [hbm:s6], s5  }
0x9e: {  	_ =	swait.ge [sflag:s7], s5  }
0x9f: {  	s5 =	ssub.s32 $0x0, s5;
	[sflag:s7] =	ssyncset.done $0x0  }
0xa0: {  	[sflag:s7] =	ssyncadd.s32 s5;
	_ =	sdelay $0x1  }
0xa1: {  	s23 =	simm.s32 $0x1B8B  }
0xa2: {  	_ =	swait.ge [sflag:s23], $0x1  }
0xa3: {  	[sflag:s23] =	ssyncset.done $0x0  }
0xa4: {  	[sflag:s23] =	ssyncadd.s32 $0xFFFFFFFF  }
0xa5: {  	s5 =	sld [smem:$0x0]  }
0xa6: {  	s6 =	sand.u32 $0xFFFFFFFE, s1  }
0xa7: {  	p0 =	sne.s32 s1, s6  }
0xa8: {  	s6 =	sshll.u32 @p0 s6, $0xE  }
0xa9: {  	s6 =	sadd.s32 @p0 $0x11B8D, s6;
	s7 =	sshll.u32 @p0 s5, $0x11  }
0xaa: {  	s6 =	sor.u32 @p0 s7, s6  }
0xab: {  	[sflag:s6] =	ssyncadd.remote.s32 @p0 $0x1;
	_ =	sdelay $0x1  }
0xac: {  	s6 =	simm.s32 @p0 $0x1B8D  }
0xad: {  	_ =	swait.eq @p0 [sflag:s6], $0x1  }
0xae: {  	[sflag:s6] =	ssyncadd.s32 @p0 $0xFFFFFFFF  }
0xaf: {  	s7 =	sshll.u32 @!p0 s1, $0xE  }
0xb0: {  	s7 =	sor.u32 @!p0 $0x4000, s7;
	s6 =	simm.s32 @!p0 $0x1B8D  }
0xb1: {  	s5 =	sshll.u32 @!p0 s5, $0x11;
	s7 =	sadd.s32 @!p0 $0x11B8D, s7;
	_ =	swait.eq @!p0 [sflag:s6], $0x1  }
0xb2: {  	s5 =	sor.u32 @!p0 s5, s7;
	[sflag:s6] =	ssyncadd.s32 @!p0 $0xFFFFFFFF  }
0xb3: {  	s25 =	simm.s32 $0x1B8E;
	s24 =	sld [smem:$0x3FFE];
	[sflag:s5] =	ssyncadd.remote.s32 @!p0 $0x1  }
0xb4: {  	s26 =	simm.s32 $execute0_lowered;
	[smem:$0x3FD2] =	sst s25  }
0xb5: {  	s6 =	sshll.u32 s26, $0x1;
	_ =	strace $0x80000049;
	[dreg:$0x1] =	wrdreg $0xFFFFFFFF  }
0xb6: {  	s28 =	simm.s32 $_size_execute0_lowered;
	s4 =	sadd.s32 s4, s6;
	[dreg:$0x0] =	wrdreg $0x0  }
0xb7: {  	s6 =	sshll.u32 s28, $0x1;
	[dreg:$0x2] =	wrdreg s4  }
0xb8: {  	[dreg:$0x3] =	wrdreg s6  }
0xb9: {  	[dreg:$0x4] =	wrdreg $0xC0  }
0xba: {  	_ =	task [dreg:s22], $0x5FFFF  }
0xbb: {  	[dreg:$0x1] =	wrdreg $0xFFFFFFFF  }
0xbc: {  	[dreg:$0x0] =	wrdreg $0x60  }
0xbd: {  	[dreg:$0x2] =	wrdreg s18  }
0xbe: {  	[dreg:$0x3] =	wrdreg s24  }
0xbf: {  	[dreg:$0x4] =	wrdreg $0xA  }
0xc0: {  	_ =	task.clear_ibuf [dreg:s22], $0x5FFFF;
	_ =	strace $0x90000049  }
0xc1: {  	s29 =	simm.s32 $0xA;
	_ =	strace $0x8000004B  }
0xc2: {  	_ =	swait.ge [sflag:s29], $0x1  }
0xc3: {  	[sflag:s29] =	ssyncadd.s32 $0xFFFFFFFF  }
0xc4: {  	_ =	strace $0x9000004B  }
0xc5: {  	_ =	sfence  }
0xc6: {  	s30 =	sld [smem:$0x0];
	_ =	sdelay $0x2  }
0xc7: {  	s31 =	sshll.u32 s1, $0xD;
	s1 =	sshrl.u32 s1, $0x2  }
0xc8: {  	s4 =	sand.u32 $0x4000, s31;
	s1 =	sadd.s32 s1, s30  }
0xc9: {  	s0 =	sor.u32 s4, s0;
	s1 =	sshll.u32 s1, $0x11  }
0xca: {  	s0 =	sor.u32 s1, s0  }
0xcb: {  	s0 =	sadd.s32 $0x8F2B, s0  }
0xcc: {  	[sflag:s0] =	ssyncadd.remote.s32 $0x1  }
0xcd: {  	_ =	sfence.sel $0xFFFF  }
0xce: {  	[dreg:$0x0] =	wrdreg $0xFFFFFFFF;
	(pc) =	sbr.abs _section_cstart, $3  }
0xcf: {  	[dreg:$0x1] =	wrdreg $0xFFFFFFFF  }
0xd0: {  	_ =	task.clear_ibuf [dreg:s22], $0x2FFFF;
	_ =	strace $0x9FFFFFFF  }
0xd1: {  	(tm) =	ssettm $0x7FFFFFFF  }
tec
execute0_lowered:
.L_overlay_start_1:
0x0: {  	(tag) =	ssettag $0x1  }
0x1: {  	s0 =	srdreg.scid  }
0x2: {  	s0 =	sand.u32 $0x1, s0  }
0x3: {  	s1 =	rddreg [dreg:$0x0];
	s3 =	stileid.u32;
	p0 =	seq.s32 s0, $0x1  }
0x4: {  	s2 =	rddreg [dreg:$0x1];
	s4 =	simm.s32 $0x0;
	p1 =	sgt.u32 @!p0 s3, $0x2  }
0x5: {  	[smem:$0x7FF] =	sst s4;
	s4 =	sadd.s32 $0x2A00, s2;
	p0 =	por p1, p0  }
0x6: {  	s0 =	rddreg [dreg:$0x2];
	_ =	strace $0x8000004A;
	s5 =	simm.s32 @!p0 $0x0  }
0x7: {  	[tilespmem:s5], [sflag:$0x2] =	stream.linear.gather @!p0 [hbm4b:s4+s5], $0x180, $0x38;
	[tilespmem:$0x4200] =	vst v63  }
0x8: {  	s4 =	simm.s32 @!p0 $0x2  }
0x9: {  	_ =	swait.ge @!p0 [sflag:s4], $0x180  }
0xa: {  	s6 =	sshll.u32 @!p0 s3, $0x7;
	[sflag:s4] =	ssyncset.done @!p0 $0x0  }
0xb: {  	s7 =	simm.s32 @!p0 $0x80;
	s8 =	simm.s32 @!p0 $0x200;
	[sflag:s4] =	ssyncadd.s32 @!p0 $0xFFFFFE80  }
0xc: {  	[tilespmem:s8], [sflag:$0x1] =	stream.indirect.gather @!p0 [hbm4b:s1+s7], $0x80, s6, s7, $0xb8;
	[tilespmem:$0x4200] =	vst v63  }
0xd: {  	s1 =	simm.s32 @!p0 $0x1  }
0xe: {  	_ =	swait.ge @!p0 [sflag:s1], $0x4000  }
0xf: {  	s2 =	sadd.s32 $0x2C00, s2;
	s6 =	sshll.u32 @!p0 s3, $0xB;
	[sflag:s1] =	ssyncset.done @!p0 $0x0  }
0x10: {  	s2 =	sadd.s32 @!p0 s2, s6;
	[sflag:s1] =	ssyncadd.s32 @!p0 $0xFFFFC000  }
0x11: {  	[hbm4b:s2+s5] =	stream.linear.scatter @!p0 [tilespmem:s8], [sflag:$0x2], $0x4000, $0x38;
	[tilespmem:$0x4200] =	vst v63  }
0x12: {  	_ =	swait.ge @!p0 [sflag:s4], $0x4000  }
0x13: {  	[sflag:s4] =	ssyncset.done @!p0 $0x0  }
0x14: {  	[sflag:s4] =	ssyncadd.s32 @!p0 $0xFFFFC000  }
0x15: {  	_ =	sfence.sel $0x180000  }
0x16: {  	[bflag:$0x0] =	sbarrier.arrive $0xFFFF  }
0x17: {  	p0 =	sne.s32 s3, $0x0;
	_ =	strace $0x9000004A  }
0x18: {  	s0 =	sadd.s32 @!p0 $0x100000, s0;
	[bflag:$0x2] =	sbarrier.arrive $0xFFFF  }
0x19: {  	[sflag:s0] =	ssyncadd.tile.s32 @!p0 $0x1;
	_ =	shalt  }
.Lfunc_end2:
_tile_overlayer_lowered:
.L_overlay_start_2:
0x1a: {  	(tag) =	ssettag $0x2  }
0x1b: {  	s0 =	rddreg [dreg:$0x0];
	s2 =	stileid.u32  }
0x1c: {  	s1 =	rddreg [dreg:$0x1];
	p0 =	sne.s32 s2, $0x0  }
0x1d: {  	s3 =	rddreg [dreg:$0x2];
	[bflag:$0x3] =	sbarrier.arrive $0xFFFF;
	s2 =	simm.s32 @!p0 $0x1C02  }
0x1e: {  	[timem:s3], [sflag:s2] =	dma.local @!p0 [hbm:s0], s1  }
0x1f: {  	s0 =	simm.s32 @!p0 $0x2  }
0x20: {  	_ =	swait.ge @!p0 [sflag:s0], s1  }
0x21: {  	s1 =	ssub.s32 @!p0 $0x0, s1;
	[sflag:s0] =	ssyncset.done @!p0 $0x0  }
0x22: {  	[sflag:s0] =	ssyncadd.s32 @!p0 s1  }
0x23: {  	[bflag:$0x3] =	sbarrier.arrive $0xFFFF  }
0x24: {  	_ =	shalt  }

// kernel: kernel.16.cloned.1.call-start
scs
__scs_entry_jumppad:
0x0: {  	(pc) =	sbr.rel $0x88, $3  }
0x1: {  	(tag) =	ssettag $0x0;
	lr =	simm.s32 $0x1  }
0x2: {  	[smem:$0x3F99] =	sst lr;
	_ =	strace $0xD0000000  }
0x3: {  	_ = 	snop  }
0x4: {  	_ = 	snop  }
0x5: {  	_ = 	snop  }
0x6: {  	_ = 	snop  }
0x7: {  	_ = 	snop  }
__scs_overlays_trampoline_lowered:
0x8: {  	[smem:$0x3FA8] =	sst s0  }
0x9: {  	[smem:$0x3FA9] =	sst s1  }
0xa: {  	[smem:$0x3FAA] =	sst s2  }
0xb: {  	[smem:$0x3FAB] =	sst s3  }
0xc: {  	[smem:$0x3FAC] =	sst s4  }
0xd: {  	[smem:$0x3FAD] =	sst s5  }
0xe: {  	[smem:$0x3FAE] =	sst s6  }
0xf: {  	[smem:$0x3FAF] =	sst s7  }
0x10: {  	[smem:$0x3FB0] =	sst s8  }
0x11: {  	[smem:$0x3FB1] =	sst s9;
	s0 =	simm.s32 @!p0 $0x0  }
0x12: {  	s1 =	sld [smem:$0x3F97];
	s0 =	simm.s32 @p0 $0x1  }
0x13: {  	[smem:$0x3FB2] =	sst s0;
	s0 =	simm.s32 @!p1 $0x0  }
0x14: {  	s2 =	sld [smem:$0x3F96];
	s0 =	simm.s32 @p1 $0x1  }
0x15: {  	[smem:$0x3FB3] =	sst s0;
	s0 =	simm.s32 @!p2 $0x0  }
0x16: {  	s3 =	sld [smem:$0x3FDB];
	s0 =	simm.s32 @p2 $0x1  }
0x17: {  	s4 =	simm.s32 $0x1BF5;
	[smem:$0x3FB5] =	sst s0  }
0x18: {  	s0 =	sld [smem:$0x3F98];
	_ =	swait.ge [sflag:s4], $0x0  }
0x19: {  	s7 =	sld [smem:$0x3F99]  }
0x1a: {  	s8 =	sadd.s32 $0xFFFFE003, lr  }
0x1b: {  	s9 =	sadd.s32 $0xFFFFFEF7, lr;
	s5 =	simm.s32 $0xFFFFFFFF;
	p2 =	slt.u32 s8, $0xFFFFF086  }
0x1c: {  	p1 =	slt.u32 s9, $0xF7A;
	s5 =	simm.s32 @!p2 $0x0  }
0x1d: {  	s5 =	simm.s32 @p1 $0x1;
	p0 =	seq.s32 s7, s2  }
0x1e: {  	s7 =	smul.u32 @!p0 $0xF7A, s2;
	p2 =	seq.s32 @!p0 s5, $0x0  }
0x1f: {  	s9 =	smul.u32 $0xF7A, s1;
	s8 =	simm.s32 @!p0 $0x1BF5;
	p2 =	por !p2, p0  }
0x20: {  	[sflag:s8] =	ssyncset.s32 @!p0 $0xFFFFF086;
	s6 =	sadd.s32 @!p0 s3, s7;
	s7 =	simm.s32 @!p0 $0x108  }
0x21: {  	s3 =	sadd.s32 s3, s9;
	s6 =	sadd.s32 @!p0 $0x88, s6;
	s7 =	simm.s32 @p2 $0x1082  }
0x22: {  	[simem:s7], [sflag:s8] =	dma.local @!p0 [hbm:s6], $0xF7A  }
0x23: {  	s9 =	sor.u32 $0xD0000000, s2;
	s6 =	simm.s32 $0x108;
	_ =	swait.ge @!p0 [sflag:s8], $0x0  }
0x24: {  	s3 =	sadd.s32 $0x88, s3;
	s6 =	simm.s32 @!p1 $0x1082;
	[sflag:s4] =	ssyncset.s32 $0xFFFFF086  }
0x25: {  	[simem:s6], [sflag:s4] =	dma.local [hbm:s3], $0xF7A  }
0x26: {  	[smem:$0x3F99] =	sst s1;
	(tag) =	ssettag s2;
	_ =	strace s9  }
0x27: {  	s1 =	sld [smem:$0x3FA9]  }
0x28: {  	s2 =	sld [smem:$0x3FAA]  }
0x29: {  	s4 =	sld [smem:$0x3FAC]  }
0x2a: {  	p0 =	seq.s32 s5, $0x0;
	s5 =	sld [smem:$0x3FAD]  }
0x2b: {  	s6 =	sld [smem:$0x3FAE]  }
0x2c: {  	s7 =	sld [smem:$0x3FAF]  }
0x2d: {  	s3 =	simm.s32 $0x108;
	s8 =	sld [smem:$0x3FB0]  }
0x2e: {  	s3 =	simm.s32 @!p0 $0x1082;
	s9 =	sld [smem:$0x3FB1]  }
0x2f: {  	lr =	sadd.s32 s0, s3;
	s0 =	sld [smem:$0x3FA8]  }
0x30: {  	s3 =	sld [smem:$0x3FAB]  }
0x31: {  	[smem:$0x3FB4] =	sst s10  }
0x32: {  	s10 =	sld [smem:$0x3FB2];
	_ =	sdelay $0x3  }
0x33: {  	p0 =	seq.s32 s10, $0x1;
	s10 =	sld [smem:$0x3FB4];
	_ =	sdelay $0x3  }
0x34: {  	[smem:$0x3FB4] =	sst s10  }
0x35: {  	s10 =	sld [smem:$0x3FB3];
	_ =	sdelay $0x3  }
0x36: {  	p1 =	seq.s32 s10, $0x1;
	s10 =	sld [smem:$0x3FB4];
	_ =	sdelay $0x3  }
0x37: {  	[smem:$0x3FB4] =	sst s10  }
0x38: {  	s10 =	sld [smem:$0x3FB5]  }
0x39: {  	_ = 	snop;
	(pc) =	sbr.ind lr, $3  }
0x3a: {  	_ = 	snop  }
0x3b: {  	_ = 	snop  }
0x3c: {  	p2 =	seq.s32 s10, $0x1;
	s10 =	sld [smem:$0x3FB4]  }
0x3d: {  	_ =	shalt  }
0x3e: {  	_ =	shalt  }
0x3f: {  	_ =	shalt  }
0x40: {  	_ =	shalt  }
0x41: {  	_ =	shalt  }
0x42: {  	_ =	shalt  }
0x43: {  	_ =	shalt  }
0x44: {  	_ =	shalt  }
0x45: {  	_ =	shalt  }
0x46: {  	_ =	shalt  }
0x47: {  	_ =	shalt  }
0x48: {  	_ =	shalt  }
0x49: {  	_ =	shalt  }
0x4a: {  	_ =	shalt  }
0x4b: {  	_ =	shalt  }
0x4c: {  	_ =	shalt  }
0x4d: {  	_ =	shalt  }
0x4e: {  	_ =	shalt  }
0x4f: {  	_ =	shalt  }
0x50: {  	_ =	shalt  }
0x51: {  	_ =	shalt  }
0x52: {  	_ =	shalt  }
0x53: {  	_ =	shalt  }
0x54: {  	_ =	shalt  }
0x55: {  	_ =	shalt  }
0x56: {  	_ =	shalt  }
0x57: {  	_ =	shalt  }
0x58: {  	_ =	shalt  }
0x59: {  	_ =	shalt  }
0x5a: {  	_ =	shalt  }
0x5b: {  	_ =	shalt  }
0x5c: {  	_ =	shalt  }
0x5d: {  	_ =	shalt  }
0x5e: {  	_ =	shalt  }
0x5f: {  	_ =	shalt  }
0x60: {  	_ =	shalt  }
0x61: {  	_ =	shalt  }
0x62: {  	_ =	shalt  }
0x63: {  	_ =	shalt  }
0x64: {  	_ =	shalt  }
0x65: {  	_ =	shalt  }
0x66: {  	_ =	shalt  }
0x67: {  	_ =	shalt  }
0x68: {  	_ =	shalt  }
0x69: {  	_ =	shalt  }
0x6a: {  	_ =	shalt  }
0x6b: {  	_ =	shalt  }
0x6c: {  	_ =	shalt  }
0x6d: {  	_ =	shalt  }
0x6e: {  	_ =	shalt  }
0x6f: {  	_ =	shalt  }
0x70: {  	_ =	shalt  }
0x71: {  	_ =	shalt  }
0x72: {  	_ =	shalt  }
0x73: {  	_ =	shalt  }
0x74: {  	_ =	shalt  }
0x75: {  	_ =	shalt  }
0x76: {  	_ =	shalt  }
0x77: {  	_ =	shalt  }
0x78: {  	_ =	shalt  }
0x79: {  	_ =	shalt  }
0x7a: {  	_ =	shalt  }
0x7b: {  	_ =	shalt  }
0x7c: {  	_ =	shalt  }
0x7d: {  	_ =	shalt  }
0x7e: {  	_ =	shalt  }
0x7f: {  	_ =	shalt  }
0x80: {  	_ =	shalt  }
0x81: {  	_ =	shalt  }
0x82: {  	_ =	shalt  }
0x83: {  	_ =	shalt  }
0x84: {  	_ =	shalt  }
0x85: {  	_ =	shalt  }
0x86: {  	_ =	shalt  }
0x87: {  	_ =	shalt  }
.Lfunc_end0:
.L_simem_size_0:
called_computation.2_lowered:
.L_overlay_start_0:
0x88: {  	s2 =	sld [smem:$0x3FD9]  }
0x89: {  	s3 =	sld [smem:$0x3FFE];
	_ =	sdelay $0x1  }
0x8a: {  	s1 =	srdreg.scid  }
0x8b: {  	s0 =	sand.u32 $0x1, s1  }
0x8c: {  	s17 =	sshll.u32 s0, $0xA;
	s2 =	sadd.s32 s3, s2  }
0x8d: {  	s2 =	sadd.s32 s2, s17  }
0x8e: {  	[smem:$0x3FC0] =	sst s2  }
0x8f: {  	_ = 	snop  }
0x90: {  	s2 =	sld [smem:$0x3FD0];
	(tm) =	ssettm $0x1  }
0x91: {  	s18 =	sld [smem:$0x3FFB];
	_ =	sdelay $0x3  }
0x92: {  	_ =	strace s18  }
0x93: {  	s3 =	sld [smem:$0x3FFC];
	_ =	sdelay $0x3  }
0x94: {  	_ =	strace s3  }
0x95: {  	s3 =	sld [smem:$0x3FFD];
	_ =	sdelay $0x3  }
0x96: {  	_ =	strace s3  }
0x97: {  	_ =	strace $0x8FFFFFFF  }
0x98: {  	s19 =	sld [smem:$0x3FDB];
	_ =	sdelay $0x1  }
0x99: {  	s4 =	simm.s32 $_scs_section_size  }
0x9a: {  	s5 =	simm.s32 $_size__tile_overlayer_lowered;
	s6 =	simm.s32 $_tile_overlayer_lowered  }
0x9b: {  	s22 =	simm.s32 $0x1BFF;
	s21 =	sshll.u32 s6, $0x1;
	s3 =	sadd.s32 s4, s19  }
0x9c: {  	s7 =	simm.s32 $0x0;
	s20 =	sshll.u32 s5, $0x1;
	s5 =	sadd.s32 s21, s3  }
0x9d: {  	[timem:s7], [sflag:s22] =	dma.local [hbm:s5], s20  }
0x9e: {  	_ =	swait.ge [sflag:s22], s20  }
0x9f: {  	s4 =	ssub.s32 $0x0, s20;
	[sflag:s22] =	ssyncset.done $0x0  }
0xa0: {  	[sflag:s22] =	ssyncadd.s32 s4;
	_ =	sdelay $0x1  }
0xa1: {  	s23 =	simm.s32 $0x1B8B  }
0xa2: {  	_ =	swait.ge [sflag:s23], $0x1  }
0xa3: {  	[sflag:s23] =	ssyncset.done $0x0  }
0xa4: {  	s25 =	simm.s32 $0x1B8E;
	s24 =	sld [smem:$0x3FFE];
	[sflag:s23] =	ssyncadd.s32 $0xFFFFFFFF  }
0xa5: {  	s26 =	simm.s32 $execute0_lowered;
	[smem:$0x3FD2] =	sst s25  }
0xa6: {  	s5 =	sshll.u32 s26, $0x1;
	_ =	strace $0x8000004C;
	[dreg:$0x1] =	wrdreg $0xFFFFFFFF  }
0xa7: {  	s28 =	simm.s32 $_size_execute0_lowered;
	s3 =	sadd.s32 s3, s5;
	[dreg:$0x0] =	wrdreg $0x0  }
0xa8: {  	s5 =	sshll.u32 s28, $0x1;
	[dreg:$0x2] =	wrdreg s3  }
0xa9: {  	[dreg:$0x3] =	wrdreg s5  }
0xaa: {  	[dreg:$0x4] =	wrdreg $0xC0  }
0xab: {  	_ =	task [dreg:s7], $0x5FFFF  }
0xac: {  	[dreg:$0x1] =	wrdreg $0xFFFFFFFF  }
0xad: {  	[dreg:$0x0] =	wrdreg $0x60  }
0xae: {  	[dreg:$0x2] =	wrdreg s24  }
0xaf: {  	[dreg:$0x3] =	wrdreg s2  }
0xb0: {  	[dreg:$0x4] =	wrdreg $0x88000  }
0xb1: {  	[dreg:$0x5] =	wrdreg $0x9  }
0xb2: {  	_ =	task.clear_ibuf [dreg:s7], $0x6FFFF;
	_ =	strace $0x9000004C  }
0xb3: {  	s29 =	simm.s32 $0x9;
	_ =	strace $0x8000004E  }
0xb4: {  	_ =	swait.ge [sflag:s29], $0x1  }
0xb5: {  	[sflag:s29] =	ssyncadd.s32 $0xFFFFFFFF  }
0xb6: {  	_ =	strace $0x9000004E  }
0xb7: {  	_ =	sfence  }
0xb8: {  	s30 =	sld [smem:$0x0];
	_ =	sdelay $0x2  }
0xb9: {  	s31 =	sshll.u32 s1, $0xD;
	s1 =	sshrl.u32 s1, $0x2  }
0xba: {  	s3 =	sand.u32 $0x4000, s31;
	s1 =	sadd.s32 s1, s30  }
0xbb: {  	s0 =	sor.u32 s3, s0;
	s1 =	sshll.u32 s1, $0x11  }
0xbc: {  	s0 =	sor.u32 s1, s0  }
0xbd: {  	s0 =	sadd.s32 $0x8F2B, s0  }
0xbe: {  	[sflag:s0] =	ssyncadd.remote.s32 $0x1  }
0xbf: {  	_ =	sfence.sel $0xFFFF  }
0xc0: {  	[dreg:$0x0] =	wrdreg $0xFFFFFFFF;
	(pc) =	sbr.abs _section_cstart, $3  }
0xc1: {  	[dreg:$0x1] =	wrdreg $0xFFFFFFFF  }
0xc2: {  	_ =	task.clear_ibuf [dreg:s7], $0x2FFFF;
	_ =	strace $0x9FFFFFFF  }
0xc3: {  	(tm) =	ssettm $0x7FFFFFFF  }
tec
execute0_lowered:
.L_overlay_start_1:
0x0: {  	(tag) =	ssettag $0x1  }
0x1: {  	s0 =	rddreg [dreg:$0x0]  }
0x2: {  	s2 =	rddreg [dreg:$0x2]  }
0x3: {  	s1 =	srdreg.scid;
	s11 =	stileid.u32  }
0x4: {  	s4 =	simm.s32 $0x0;
	s28 =	simm.s32 $0x40;
	s6 =	smul.u32 $0x14000, s11  }
0x5: {  	s29 =	simm.s32 $0x800;
	s31 =	simm.s32 $0x2800;
	s12 =	smul.u32 $0x50000, s11  }
0x6: {  	s30 =	simm.s32 $0x500;
	s1 =	sand.u32 $0x1, s1;
	s24 =	smul.u32 $0xA000, s11  }
0x7: {  	[smem:$0x7FF] =	sst s4;
	s5 =	sadd.s32 $0x7C400, s0;
	s3 =	smul.u32 $0x140000, s1  }
0x8: {  	_ =	strace $0x8000004D;
	s7 =	sshll.u32 s1, $0x4;
	s8 =	ssub.s32 $0x2, s1  }
0x9: {  	s1 =	smul.u32 $0xA0000, s1;
	s10 =	sor.u32 s11, s7;
	s13 =	sshrl.u32 s8, $0x1  }
0xa: {  	s7 =	sshrl.u32 s12, $0x2;
	s3 =	sadd.s32 s6, s3;
	s9 =	smul.u32 $0xA000, s10  }
0xb: {  	s10 =	sshll.u32 s11, $0x6;
	s1 =	sadd.s32 s24, s1;
	s24 =	simm.s32 $0x580  }
0xc: {  	s6 =	sadd.s32 $0x4400, s0;
	s18 =	sor.u32 $0x1C0D, s10;
	[dreg:$0x10] =	wrdreg s24  }
0xd: {  	s7 =	sadd.s32 s7, s2;
	s19 =	sor.u32 $0x800, s9;
	[dreg:$0x14] =	wrdreg s18  }
0xe: {  	s3 =	sshrl.u32 s3, $0x3;
	s21 =	sor.u32 $0x900, s9;
	[dreg:$0x4] =	wrdreg s19  }
0xf: {  	s1 =	sor.u32 $0x700, s1;
	s22 =	sor.u32 $0xA00, s9;
	[dreg:$0x5] =	wrdreg s21  }
0x10: {  	s24 =	simm.s32 $0x500;
	s23 =	sor.u32 $0xB00, s9;
	[dreg:$0x6] =	wrdreg s22  }
0x11: {  	s10 =	simm.s32 $0x6;
	s26 =	sor.u32 $0xC00, s9;
	[dreg:$0x7] =	wrdreg s23  }
0x12: {  	s14 =	sshrl.u32 s9, $0x3;
	s11 =	sor.u32 $0xD00, s9;
	[dreg:$0x8] =	wrdreg s26  }
0x13: {  	s0 =	sadd.s32 s3, s0;
	s12 =	sadd.s32 s6, s14;
	[dreg:$0x9] =	wrdreg s11  }
0x14: {  	s3 =	ssub.s32 s8, s13;
	s0 =	sadd.s32 $0xA4400, s0;
	[dreg:$0x13] =	wrdreg s12  }
0x15: {  	s13 =	sshrl.u32 s1, $0x3;
	s14 =	smax.u32 s3, $0x1;
	[dreg:$0x1b] =	wrdreg s0  }
0x16: {  	s1 =	simm.s32 $0x1;
	s22 =	simm.s32 $0x380;
	[dreg:$0x1c] =	wrdreg s14  }
0x17: {  	s19 =	simm.s32 $0xD;
	s23 =	simm.s32 $0x480;
	[dreg:$0xe] =	wrdreg s22  }
0x18: {  	s21 =	simm.s32 $0x100;
	s26 =	simm.s32 $0x780;
	[dreg:$0xf] =	wrdreg s23  }
0x19: {  	s3 =	simm.s32 $0x4800;
	s8 =	sadd.s32 $0x20, s12;
	[dreg:$0x12] =	wrdreg s26  }
0x1a: {  	s11 =	simm.s32 $0x6800;
	s15 =	sadd.s32 $0x40, s12;
	[dreg:$0x15] =	wrdreg s8  }
0x1b: {  	s16 =	sadd.s32 $0x60, s12;
	s17 =	sadd.s32 $0x80, s12;
	[dreg:$0x16] =	wrdreg s15  }
0x1c: {  	s20 =	sadd.s32 $0xA0, s12;
	s25 =	sadd.s32 $0xC0, s12;
	[dreg:$0x17] =	wrdreg s16  }
0x1d: {  	s12 =	sor.u32 $0xE00, s9;
	s0 =	sadd.s32 s13, s6;
	[dreg:$0x18] =	wrdreg s17  }
0x1e: {  	s9 =	simm.s32 $0x300;
	s23 =	simm.s32 $0x400;
	[dreg:$0x19] =	wrdreg s20  }
0x1f: {  	s13 =	simm.s32 $0x7;
	s14 =	simm.s32 $0x3;
	[dreg:$0x1a] =	wrdreg s25  }
0x20: {  	s22 =	simm.s32 $0x0;
	s26 =	simm.s32 $0x400;
	[dreg:$0xa] =	wrdreg s12  }
0x21: {  	[dreg:$0x1d] =	wrdreg s0;
	s15 =	simm.s32 $0x80;
	s20 =	sshrl.u32 s7, $0x3  }
0x22: {  	s16 =	simm.s32 $0x180;
	s17 =	simm.s32 $0x280;
	[dreg:$0xb] =	wrdreg s15  }
0x23: {  	s25 =	simm.s32 $0x680;
	s0 =	simm.s32 $0x5;
	[dreg:$0xc] =	wrdreg s16  }
0x24: {  	s12 =	simm.s32 $0x2;
	s7 =	simm.s32 $0xB;
	[dreg:$0xd] =	wrdreg s17  }
0x25: {  	s8 =	simm.s32 $0xC;
	[dreg:$0x11] =	wrdreg s25;
	s25 =	simm.s32 $0x600  }
0x26: {  	s15 =	simm.s32 $0x700;
	s16 =	simm.s32 $0x4;
	[dreg:$0x1e] =	wrdreg s20  }
.LBB2_1:
0x27: {  	[dreg:$0x1f] =	wrdreg s22  }
0x28: {  	s17 =	rddreg [dreg:$0x1]  }
0x29: {  	[spmem:s20], [sflag:s18] =	dma.local [hbm:s17], $0x2800  }
0x2a: {  	_ =	swait.ge [sflag:s19], $0x2800  }
0x2b: {  	[sflag:s19] =	ssyncset.done $0x0  }
0x2c: {  	[sflag:s19] =	ssyncadd.s32 $0xFFFFD800  }
0x2d: {  	[bflag:$0x0] =	sbarrier.arrive $0xFFFF  }
0x2e: {  	s20 =	rddreg [dreg:$0x13]  }
0x2f: {  	[tilespmem:s4], [sflag:$0x5] =	stream.linear.gather [hbm4b:s20+s4], $0x100, $0x38;
	[tilespmem:$0x1C800] =	vst v63  }
0x30: {  	s22 =	rddreg [dreg:$0x15]  }
0x31: {  	[tilespmem:s21], [sflag:$0x6] =	stream.linear.gather [hbm4b:s22+s4], $0x100, $0x38;
	[tilespmem:$0x1C800] =	vst v63  }
0x32: {  	s18 =	rddreg [dreg:$0x16];
	s22 =	simm.s32 $0x200  }
0x33: {  	[tilespmem:s22], [sflag:$0x7] =	stream.linear.gather [hbm4b:s18+s4], $0x100, $0x38;
	[tilespmem:$0x1C800] =	vst v63  }
0x34: {  	s20 =	rddreg [dreg:$0x17]  }
0x35: {  	[tilespmem:s9], [sflag:$0x8] =	stream.linear.gather [hbm4b:s20+s4], $0x100, $0x38;
	[tilespmem:$0x1C800] =	vst v63  }
0x36: {  	s18 =	rddreg [dreg:$0x18]  }
0x37: {  	[tilespmem:s23], [sflag:$0x9] =	stream.linear.gather [hbm4b:s18+s4], $0x100, $0x38;
	[tilespmem:$0x1C800] =	vst v63  }
0x38: {  	s20 =	rddreg [dreg:$0x19]  }
0x39: {  	[tilespmem:s24], [sflag:$0xA] =	stream.linear.gather [hbm4b:s20+s4], $0x100, $0x38;
	[tilespmem:$0x1C800] =	vst v63  }
0x3a: {  	s18 =	rddreg [dreg:$0x1a]  }
0x3b: {  	[tilespmem:s25], [sflag:$0xB] =	stream.linear.gather [hbm4b:s18+s4], $0x100, $0x38;
	[tilespmem:$0x1C800] =	vst v63  }
0x3c: {  	_ =	swait.ge [sflag:s0], $0x100  }
0x3d: {  	[sflag:s0] =	ssyncset.done $0x0  }
0x3e: {  	[sflag:s0] =	ssyncadd.s32 $0xFFFFFF00  }
0x3f: {  	[tilespmem:s29], [sflag:$0x1] =	stream.indirect.gather [hbm4b:s5+s28], $0x80, s4, s28, $0xb8;
	[tilespmem:$0x1C800] =	vst v63  }
0x40: {  	_ =	swait.ge [sflag:s10], $0x100  }
0x41: {  	[sflag:s10] =	ssyncset.done $0x0  }
0x42: {  	[sflag:s10] =	ssyncadd.s32 $0xFFFFFF00  }
0x43: {  	[tilespmem:s31], [sflag:$0x2] =	stream.indirect.gather [hbm4b:s5+s28], $0x80, s21, s28, $0xb8;
	[tilespmem:$0x1C800] =	vst v63  }
0x44: {  	_ =	swait.ge [sflag:s13], $0x100  }
0x45: {  	[sflag:s13] =	ssyncset.done $0x0  }
0x46: {  	[sflag:s13] =	ssyncadd.s32 $0xFFFFFF00  }
0x47: {  	[tilespmem:s3], [sflag:$0x3] =	stream.indirect.gather [hbm4b:s5+s28], $0x80, s22, s28, $0xb8;
	[tilespmem:$0x1C800] =	vst v63  }
0x48: {  	_ =	swait.ge [sflag:s1], $0x2000  }
0x49: {  	[sflag:s1] =	ssyncset.done $0x0  }
0x4a: {  	s20 =	rddreg [dreg:$0xb];
	[sflag:s1] =	ssyncadd.s32 $0xFFFFE000  }
0x4b: {  	[spmem:s2] =	stream.indirect.scatter.add.f32 [tilespmem:s29], [sflag:$0xD], $0x80, s20, s28, $0xb8;
	[tilespmem:$0x1C800] =	vst v63  }
0x4c: {  	_ =	swait.ge [sflag:s19], $0x2000  }
0x4d: {  	[sflag:s19] =	ssyncset.done $0x0  }
0x4e: {  	s18 =	simm.s32 $0x8;
	s20 =	rddreg [dreg:$0x1d];
	[sflag:s19] =	ssyncadd.s32 $0xFFFFE000  }
0x4f: {  	[tilespmem:s15], [sflag:$0xC] =	stream.linear.gather [hbm4b:s20+s4], $0x100, $0x38;
	[tilespmem:$0x1C800] =	vst v63  }
0x50: {  	_ =	swait.ge [sflag:s18], $0x100  }
0x51: {  	[sflag:s18] =	ssyncset.done $0x0  }
0x52: {  	[sflag:s18] =	ssyncadd.s32 $0xFFFFFF00  }
0x53: {  	[tilespmem:s11], [sflag:$0x4] =	stream.indirect.gather [hbm4b:s5+s28], $0x80, s9, s28, $0xb8;
	[tilespmem:$0x1C800] =	vst v63  }
0x54: {  	_ =	swait.ge [sflag:s12], $0x2000  }
0x55: {  	[sflag:s12] =	ssyncset.done $0x0  }
0x56: {  	s18 =	rddreg [dreg:$0xc];
	[sflag:s12] =	ssyncadd.s32 $0xFFFFE000  }
0x57: {  	[spmem:s2] =	stream.indirect.scatter.add.f32 [tilespmem:s31], [sflag:$0xD], $0x80, s18, s28, $0xb8;
	[tilespmem:$0x1C800] =	vst v63  }
0x58: {  	s18 =	smin.u32 s4, $0x97;
	_ =	swait.ge [sflag:s19], $0x2000  }
0x59: {  	s18 =	sshll.u32 s18, $0x8;
	s17 =	rddreg [dreg:$0x4]  }
0x5a: {  	s17 =	sadd.s32 s18, s17  }
0x5b: {  	[sflag:s19] =	ssyncset.done $0x0;
	s17 =	sshrl.u32 s17, $0x3  }
0x5c: {  	[sflag:s19] =	ssyncadd.s32 $0xFFFFE000;
	s18 =	simm.s32 $0x9;
	s17 =	sadd.s32 s6, s17  }
0x5d: {  	[tilespmem:s4], [sflag:$0x5] =	stream.linear.gather [hbm4b:s17+s4], $0x100, $0x38;
	[tilespmem:$0x1C800] =	vst v63  }
0x5e: {  	_ =	swait.ge [sflag:s18], $0x100  }
0x5f: {  	[sflag:s18] =	ssyncset.done $0x0  }
0x60: {  	[sflag:s18] =	ssyncadd.s32 $0xFFFFFF00  }
0x61: {  	[tilespmem:s29], [sflag:$0x1] =	stream.indirect.gather [hbm4b:s5+s28], $0x80, s23, s28, $0xb8;
	[tilespmem:$0x1C800] =	vst v63  }
0x62: {  	_ =	swait.ge [sflag:s14], $0x2000  }
0x63: {  	[sflag:s14] =	ssyncset.done $0x0  }
0x64: {  	s18 =	rddreg [dreg:$0xd];
	[sflag:s14] =	ssyncadd.s32 $0xFFFFE000  }
0x65: {  	[spmem:s2] =	stream.indirect.scatter.add.f32 [tilespmem:s3], [sflag:$0xD], $0x80, s18, s28, $0xb8;
	[tilespmem:$0x1C800] =	vst v63  }
0x66: {  	s18 =	smin.u32 s4, $0x96;
	_ =	swait.ge [sflag:s19], $0x2000  }
0x67: {  	s18 =	sshll.u32 s18, $0x8;
	s17 =	rddreg [dreg:$0x5]  }
0x68: {  	s17 =	sadd.s32 s18, s17  }
0x69: {  	[sflag:s19] =	ssyncset.done $0x0;
	s17 =	sshrl.u32 s17, $0x3  }
0x6a: {  	[sflag:s19] =	ssyncadd.s32 $0xFFFFE000;
	s18 =	simm.s32 $0xA;
	s17 =	sadd.s32 s6, s17  }
0x6b: {  	[tilespmem:s21], [sflag:$0x6] =	stream.linear.gather [hbm4b:s17+s4], $0x100, $0x38;
	[tilespmem:$0x1C800] =	vst v63  }
0x6c: {  	_ =	swait.ge [sflag:s18], $0x100  }
0x6d: {  	[sflag:s18] =	ssyncset.done $0x0  }
0x6e: {  	[sflag:s18] =	ssyncadd.s32 $0xFFFFFF00  }
0x6f: {  	[tilespmem:s31], [sflag:$0x2] =	stream.indirect.gather [hbm4b:s5+s28], $0x80, s24, s28, $0xb8;
	[tilespmem:$0x1C800] =	vst v63  }
0x70: {  	_ =	swait.ge [sflag:s16], $0x2000  }
0x71: {  	[sflag:s16] =	ssyncset.done $0x0  }
0x72: {  	s18 =	rddreg [dreg:$0xe];
	[sflag:s16] =	ssyncadd.s32 $0xFFFFE000  }
0x73: {  	[spmem:s2] =	stream.indirect.scatter.add.f32 [tilespmem:s11], [sflag:$0xD], $0x80, s18, s28, $0xb8;
	[tilespmem:$0x1C800] =	vst v63  }
0x74: {  	s18 =	smin.u32 s4, $0x95;
	_ =	swait.ge [sflag:s19], $0x2000  }
0x75: {  	s18 =	sshll.u32 s18, $0x8;
	s17 =	rddreg [dreg:$0x6]  }
0x76: {  	s17 =	sadd.s32 s18, s17  }
0x77: {  	[sflag:s19] =	ssyncset.done $0x0;
	s17 =	sshrl.u32 s17, $0x3  }
0x78: {  	[sflag:s19] =	ssyncadd.s32 $0xFFFFE000;
	s17 =	sadd.s32 s6, s17  }
0x79: {  	[tilespmem:s22], [sflag:$0x7] =	stream.linear.gather [hbm4b:s17+s4], $0x100, $0x38;
	[tilespmem:$0x1C800] =	vst v63  }
0x7a: {  	_ =	swait.ge [sflag:s7], $0x100  }
0x7b: {  	[sflag:s7] =	ssyncset.done $0x0  }
0x7c: {  	[sflag:s7] =	ssyncadd.s32 $0xFFFFFF00  }
0x7d: {  	[tilespmem:s3], [sflag:$0x3] =	stream.indirect.gather [hbm4b:s5+s28], $0x80, s25, s28, $0xb8;
	[tilespmem:$0x1C800] =	vst v63  }
0x7e: {  	_ =	swait.ge [sflag:s1], $0x2000  }
0x7f: {  	[sflag:s1] =	ssyncset.done $0x0  }
0x80: {  	s18 =	rddreg [dreg:$0xf];
	[sflag:s1] =	ssyncadd.s32 $0xFFFFE000  }
0x81: {  	[spmem:s2] =	stream.indirect.scatter.add.f32 [tilespmem:s29], [sflag:$0xD], $0x80, s18, s28, $0xb8;
	[tilespmem:$0x1C800] =	vst v63  }
0x82: {  	s22 =	smin.u32 s4, $0x94;
	_ =	swait.ge [sflag:s19], $0x2000  }
0x83: {  	s18 =	sshll.u32 s22, $0x8;
	s17 =	rddreg [dreg:$0x7]  }
0x84: {  	s17 =	sadd.s32 s18, s17  }
0x85: {  	[sflag:s19] =	ssyncset.done $0x0;
	s17 =	sshrl.u32 s17, $0x3  }
0x86: {  	[sflag:s19] =	ssyncadd.s32 $0xFFFFE000;
	s17 =	sadd.s32 s6, s17  }
0x87: {  	[tilespmem:s9], [sflag:$0x8] =	stream.linear.gather [hbm4b:s17+s4], $0x100, $0x38;
	[tilespmem:$0x1C800] =	vst v63  }
0x88: {  	_ =	swait.ge [sflag:s8], $0x100  }
0x89: {  	[sflag:s8] =	ssyncset.done $0x0  }
0x8a: {  	[sflag:s8] =	ssyncadd.s32 $0xFFFFFF00  }
0x8b: {  	[tilespmem:s11], [sflag:$0x4] =	stream.indirect.gather [hbm4b:s5+s28], $0x80, s15, s28, $0xb8;
	[tilespmem:$0x1C800] =	vst v63  }
0x8c: {  	_ =	swait.ge [sflag:s12], $0x2000  }
0x8d: {  	[sflag:s12] =	ssyncset.done $0x0  }
0x8e: {  	s9 =	rddreg [dreg:$0x10];
	[sflag:s12] =	ssyncadd.s32 $0xFFFFE000  }
0x8f: {  	[spmem:s2] =	stream.indirect.scatter.add.f32 [tilespmem:s31], [sflag:$0xD], $0x80, s9, s28, $0xb8;
	[tilespmem:$0x1C800] =	vst v63  }
0x90: {  	s22 =	smin.u32 s4, $0x93;
	_ =	swait.ge [sflag:s19], $0x2000  }
0x91: {  	s18 =	sshll.u32 s22, $0x8;
	s15 =	rddreg [dreg:$0x8]  }
0x92: {  	s17 =	sadd.s32 s18, s15  }
0x93: {  	[sflag:s19] =	ssyncset.done $0x0;
	s17 =	sshrl.u32 s17, $0x3  }
0x94: {  	[sflag:s19] =	ssyncadd.s32 $0xFFFFE000;
	s17 =	sadd.s32 s6, s17  }
0x95: {  	[tilespmem:s23], [sflag:$0x9] =	stream.linear.gather [hbm4b:s17+s4], $0x100, $0x38;
	[tilespmem:$0x1C800] =	vst v63  }
0x96: {  	_ =	swait.ge [sflag:s0], $0x100  }
0x97: {  	[sflag:s0] =	ssyncset.done $0x0  }
0x98: {  	[sflag:s0] =	ssyncadd.s32 $0xFFFFFF00  }
0x99: {  	[tilespmem:s29], [sflag:$0x1] =	stream.indirect.gather [hbm4b:s5+s28], $0x80, s4, s28, $0xb8;
	[tilespmem:$0x1C800] =	vst v63  }
0x9a: {  	_ =	swait.ge [sflag:s14], $0x2000  }
0x9b: {  	[sflag:s14] =	ssyncset.done $0x0  }
0x9c: {  	s0 =	rddreg [dreg:$0x11];
	[sflag:s14] =	ssyncadd.s32 $0xFFFFE000  }
0x9d: {  	[spmem:s2] =	stream.indirect.scatter.add.f32 [tilespmem:s3], [sflag:$0xD], $0x80, s0, s28, $0xb8;
	[tilespmem:$0x1C800] =	vst v63  }
0x9e: {  	s15 =	smin.u32 s4, $0x92;
	_ =	swait.ge [sflag:s19], $0x2000  }
0x9f: {  	s18 =	sshll.u32 s15, $0x8;
	s9 =	rddreg [dreg:$0x9]  }
0xa0: {  	s17 =	sadd.s32 s18, s9  }
0xa1: {  	[sflag:s19] =	ssyncset.done $0x0;
	s17 =	sshrl.u32 s17, $0x3  }
0xa2: {  	[sflag:s19] =	ssyncadd.s32 $0xFFFFE000;
	s17 =	sadd.s32 s6, s17  }
0xa3: {  	[tilespmem:s24], [sflag:$0xA] =	stream.linear.gather [hbm4b:s17+s4], $0x100, $0x38;
	[tilespmem:$0x1C800] =	vst v63  }
0xa4: {  	_ =	swait.ge [sflag:s10], $0x100  }
0xa5: {  	[sflag:s10] =	ssyncset.done $0x0  }
0xa6: {  	[sflag:s10] =	ssyncadd.s32 $0xFFFFFF00  }
0xa7: {  	[tilespmem:s31], [sflag:$0x2] =	stream.indirect.gather [hbm4b:s5+s28], $0x80, s21, s28, $0xb8;
	[tilespmem:$0x1C800] =	vst v63  }
0xa8: {  	_ =	swait.ge [sflag:s16], $0x2000  }
0xa9: {  	[sflag:s16] =	ssyncset.done $0x0  }
0xaa: {  	s22 =	rddreg [dreg:$0x12];
	[sflag:s16] =	ssyncadd.s32 $0xFFFFE000  }
0xab: {  	[spmem:s2] =	stream.indirect.scatter.add.f32 [tilespmem:s11], [sflag:$0xD], $0x80, s22, s28, $0xb8;
	[tilespmem:$0x1C800] =	vst v63  }
0xac: {  	s24 =	smin.u32 s4, $0x91;
	_ =	swait.ge [sflag:s19], $0x2000  }
0xad: {  	s18 =	sshll.u32 s24, $0x8;
	s23 =	rddreg [dreg:$0xa]  }
0xae: {  	s17 =	sadd.s32 s18, s23  }
0xaf: {  	s15 =	simm.s32 $0x700;
	[sflag:s19] =	ssyncset.done $0x0;
	s17 =	sshrl.u32 s17, $0x3  }
0xb0: {  	s0 =	simm.s32 $0x5;
	[sflag:s19] =	ssyncadd.s32 $0xFFFFE000;
	s17 =	sadd.s32 s6, s17  }
0xb1: {  	[tilespmem:s25], [sflag:$0xB] =	stream.linear.gather [hbm4b:s17+s4], $0x100, $0x38;
	[tilespmem:$0x1C800] =	vst v63  }
0xb2: {  	s9 =	simm.s32 $0x300;
	s10 =	simm.s32 $0x6;
	_ =	swait.ge [sflag:s13], $0x100  }
0xb3: {  	s18 =	simm.s32 $0x8;
	s23 =	simm.s32 $0x100;
	[sflag:s13] =	ssyncset.done $0x0  }
0xb4: {  	s17 =	sadd.s32 $0x100, s20;
	[sflag:s13] =	ssyncadd.s32 $0xFFFFFF00;
	s13 =	simm.s32 $0x7  }
.LBB2_2:
0xb5: {  	s25 =	simm.s32 $0x200  }
0xb6: {  	[tilespmem:s3], [sflag:$0x3] =	stream.indirect.gather [hbm4b:s5+s28], $0x80, s25, s28, $0xb8;
	[tilespmem:$0x1C800] =	vst v63  }
0xb7: {  	_ =	swait.ge [sflag:s1], $0x2000  }
0xb8: {  	[sflag:s1] =	ssyncset.done $0x0  }
0xb9: {  	s21 =	rddreg [dreg:$0xb];
	[sflag:s1] =	ssyncadd.s32 $0xFFFFE000  }
0xba: {  	[spmem:s2] =	stream.indirect.scatter.add.f32 [tilespmem:s29], [sflag:$0xD], $0x80, s21, s28, $0xb8;
	[tilespmem:$0x1C800] =	vst v63  }
0xbb: {  	_ =	swait.ge [sflag:s19], $0x2000  }
0xbc: {  	[sflag:s19] =	ssyncset.done $0x0  }
0xbd: {  	s24 =	simm.s32 $0x8;
	[sflag:s19] =	ssyncadd.s32 $0xFFFFE000  }
0xbe: {  	[tilespmem:s15], [sflag:$0xC] =	stream.linear.gather [hbm4b:s17+s4], $0x100, $0x38;
	[tilespmem:$0x1C800] =	vst v63  }
0xbf: {  	_ =	swait.ge [sflag:s24], $0x100  }
0xc0: {  	[sflag:s24] =	ssyncset.done $0x0  }
0xc1: {  	[sflag:s24] =	ssyncadd.s32 $0xFFFFFF00  }
0xc2: {  	[tilespmem:s11], [sflag:$0x4] =	stream.indirect.gather [hbm4b:s5+s28], $0x80, s9, s28, $0xb8;
	[tilespmem:$0x1C800] =	vst v63  }
0xc3: {  	_ =	swait.ge [sflag:s12], $0x2000  }
0xc4: {  	[sflag:s12] =	ssyncset.done $0x0  }
0xc5: {  	s20 =	smov.u32 s18;
	s22 =	rddreg [dreg:$0xc];
	[sflag:s12] =	ssyncadd.s32 $0xFFFFE000  }
0xc6: {  	[spmem:s2] =	stream.indirect.scatter.add.f32 [tilespmem:s31], [sflag:$0xD], $0x80, s22, s28, $0xb8;
	[tilespmem:$0x1C800] =	vst v63  }
0xc7: {  	s22 =	smin.u32 s20, $0x97;
	_ =	swait.ge [sflag:s19], $0x2000  }
0xc8: {  	s22 =	sshll.u32 s22, $0x8;
	s24 =	rddreg [dreg:$0x4]  }
0xc9: {  	s21 =	sadd.s32 s22, s24  }
0xca: {  	[sflag:s19] =	ssyncset.done $0x0;
	s21 =	sshrl.u32 s21, $0x3  }
0xcb: {  	[sflag:s19] =	ssyncadd.s32 $0xFFFFE000;
	s24 =	simm.s32 $0x9;
	s21 =	sadd.s32 s6, s21  }
0xcc: {  	[tilespmem:s4], [sflag:$0x5] =	stream.linear.gather [hbm4b:s21+s4], $0x100, $0x38;
	[tilespmem:$0x1C800] =	vst v63  }
0xcd: {  	_ =	swait.ge [sflag:s24], $0x100  }
0xce: {  	[sflag:s24] =	ssyncset.done $0x0  }
0xcf: {  	[sflag:s24] =	ssyncadd.s32 $0xFFFFFF00  }
0xd0: {  	[tilespmem:s29], [sflag:$0x1] =	stream.indirect.gather [hbm4b:s5+s28], $0x80, s26, s28, $0xb8;
	[tilespmem:$0x1C800] =	vst v63  }
0xd1: {  	_ =	swait.ge [sflag:s14], $0x2000  }
0xd2: {  	[sflag:s14] =	ssyncset.done $0x0  }
0xd3: {  	s22 =	rddreg [dreg:$0xd];
	[sflag:s14] =	ssyncadd.s32 $0xFFFFE000  }
0xd4: {  	[spmem:s2] =	stream.indirect.scatter.add.f32 [tilespmem:s3], [sflag:$0xD], $0x80, s22, s28, $0xb8;
	[tilespmem:$0x1C800] =	vst v63  }
0xd5: {  	s24 =	smin.u32 s20, $0x96;
	_ =	swait.ge [sflag:s19], $0x2000  }
0xd6: {  	s22 =	sshll.u32 s24, $0x8;
	s21 =	rddreg [dreg:$0x5]  }
0xd7: {  	s21 =	sadd.s32 s22, s21  }
0xd8: {  	[sflag:s19] =	ssyncset.done $0x0;
	s21 =	sshrl.u32 s21, $0x3  }
0xd9: {  	s24 =	simm.s32 $0xA;
	[sflag:s19] =	ssyncadd.s32 $0xFFFFE000;
	s21 =	sadd.s32 s6, s21  }
0xda: {  	[tilespmem:s23], [sflag:$0x6] =	stream.linear.gather [hbm4b:s21+s4], $0x100, $0x38;
	[tilespmem:$0x1C800] =	vst v63  }
0xdb: {  	_ =	swait.ge [sflag:s24], $0x100  }
0xdc: {  	[sflag:s24] =	ssyncset.done $0x0  }
0xdd: {  	[sflag:s24] =	ssyncadd.s32 $0xFFFFFF00  }
0xde: {  	[tilespmem:s31], [sflag:$0x2] =	stream.indirect.gather [hbm4b:s5+s28], $0x80, s30, s28, $0xb8;
	[tilespmem:$0x1C800] =	vst v63  }
0xdf: {  	_ =	swait.ge [sflag:s16], $0x2000  }
0xe0: {  	[sflag:s16] =	ssyncset.done $0x0  }
0xe1: {  	s22 =	rddreg [dreg:$0xe];
	[sflag:s16] =	ssyncadd.s32 $0xFFFFE000  }
0xe2: {  	[spmem:s2] =	stream.indirect.scatter.add.f32 [tilespmem:s11], [sflag:$0xD], $0x80, s22, s28, $0xb8;
	[tilespmem:$0x1C800] =	vst v63  }
0xe3: {  	s24 =	smin.u32 s20, $0x95;
	_ =	swait.ge [sflag:s19], $0x2000  }
0xe4: {  	s22 =	sshll.u32 s24, $0x8;
	s21 =	rddreg [dreg:$0x6]  }
0xe5: {  	s21 =	sadd.s32 s22, s21  }
0xe6: {  	[sflag:s19] =	ssyncset.done $0x0;
	s21 =	sshrl.u32 s21, $0x3  }
0xe7: {  	[sflag:s19] =	ssyncadd.s32 $0xFFFFE000;
	s21 =	sadd.s32 s6, s21  }
0xe8: {  	[tilespmem:s25], [sflag:$0x7] =	stream.linear.gather [hbm4b:s21+s4], $0x100, $0x38;
	[tilespmem:$0x1C800] =	vst v63  }
0xe9: {  	_ =	swait.ge [sflag:s7], $0x100  }
0xea: {  	[sflag:s7] =	ssyncset.done $0x0  }
0xeb: {  	s25 =	simm.s32 $0x600;
	[sflag:s7] =	ssyncadd.s32 $0xFFFFFF00  }
0xec: {  	[tilespmem:s3], [sflag:$0x3] =	stream.indirect.gather [hbm4b:s5+s28], $0x80, s25, s28, $0xb8;
	[tilespmem:$0x1C800] =	vst v63  }
0xed: {  	_ =	swait.ge [sflag:s1], $0x2000  }
0xee: {  	[sflag:s1] =	ssyncset.done $0x0  }
0xef: {  	s22 =	rddreg [dreg:$0xf];
	[sflag:s1] =	ssyncadd.s32 $0xFFFFE000  }
0xf0: {  	[spmem:s2] =	stream.indirect.scatter.add.f32 [tilespmem:s29], [sflag:$0xD], $0x80, s22, s28, $0xb8;
	[tilespmem:$0x1C800] =	vst v63  }
0xf1: {  	s22 =	smin.u32 s20, $0x94;
	_ =	swait.ge [sflag:s19], $0x2000  }
0xf2: {  	s22 =	sshll.u32 s22, $0x8;
	s21 =	rddreg [dreg:$0x7]  }
0xf3: {  	s21 =	sadd.s32 s22, s21  }
0xf4: {  	[sflag:s19] =	ssyncset.done $0x0;
	s21 =	sshrl.u32 s21, $0x3  }
0xf5: {  	[sflag:s19] =	ssyncadd.s32 $0xFFFFE000;
	s21 =	sadd.s32 s6, s21  }
0xf6: {  	[tilespmem:s9], [sflag:$0x8] =	stream.linear.gather [hbm4b:s21+s4], $0x100, $0x38;
	[tilespmem:$0x1C800] =	vst v63  }
0xf7: {  	_ =	swait.ge [sflag:s8], $0x100  }
0xf8: {  	[sflag:s8] =	ssyncset.done $0x0  }
0xf9: {  	[sflag:s8] =	ssyncadd.s32 $0xFFFFFF00  }
0xfa: {  	[tilespmem:s11], [sflag:$0x4] =	stream.indirect.gather [hbm4b:s5+s28], $0x80, s15, s28, $0xb8;
	[tilespmem:$0x1C800] =	vst v63  }
0xfb: {  	_ =	swait.ge [sflag:s12], $0x2000  }
0xfc: {  	[sflag:s12] =	ssyncset.done $0x0  }
0xfd: {  	s22 =	rddreg [dreg:$0x10];
	[sflag:s12] =	ssyncadd.s32 $0xFFFFE000  }
0xfe: {  	[spmem:s2] =	stream.indirect.scatter.add.f32 [tilespmem:s31], [sflag:$0xD], $0x80, s22, s28, $0xb8;
	[tilespmem:$0x1C800] =	vst v63  }
0xff: {  	s22 =	smin.u32 s20, $0x93;
	_ =	swait.ge [sflag:s19], $0x2000  }
0x100: {  	s22 =	sshll.u32 s22, $0x8;
	s21 =	rddreg [dreg:$0x8]  }
0x101: {  	s21 =	sadd.s32 s22, s21  }
0x102: {  	[sflag:s19] =	ssyncset.done $0x0;
	s21 =	sshrl.u32 s21, $0x3  }
0x103: {  	[sflag:s19] =	ssyncadd.s32 $0xFFFFE000;
	s21 =	sadd.s32 s6, s21  }
0x104: {  	[tilespmem:s26], [sflag:$0x9] =	stream.linear.gather [hbm4b:s21+s4], $0x100, $0x38;
	[tilespmem:$0x1C800] =	vst v63  }
0x105: {  	_ =	swait.ge [sflag:s0], $0x100  }
0x106: {  	[sflag:s0] =	ssyncset.done $0x0  }
0x107: {  	[sflag:s0] =	ssyncadd.s32 $0xFFFFFF00  }
0x108: {  	[tilespmem:s29], [sflag:$0x1] =	stream.indirect.gather [hbm4b:s5+s28], $0x80, s4, s28, $0xb8;
	[tilespmem:$0x1C800] =	vst v63  }
0x109: {  	_ =	swait.ge [sflag:s14], $0x2000  }
0x10a: {  	[sflag:s14] =	ssyncset.done $0x0  }
0x10b: {  	s22 =	rddreg [dreg:$0x11];
	[sflag:s14] =	ssyncadd.s32 $0xFFFFE000  }
0x10c: {  	[spmem:s2] =	stream.indirect.scatter.add.f32 [tilespmem:s3], [sflag:$0xD], $0x80, s22, s28, $0xb8;
	[tilespmem:$0x1C800] =	vst v63  }
0x10d: {  	s22 =	smin.u32 s20, $0x92;
	_ =	swait.ge [sflag:s19], $0x2000  }
0x10e: {  	s22 =	sshll.u32 s22, $0x8;
	s21 =	rddreg [dreg:$0x9]  }
0x10f: {  	s21 =	sadd.s32 s22, s21  }
0x110: {  	[sflag:s19] =	ssyncset.done $0x0;
	s21 =	sshrl.u32 s21, $0x3  }
0x111: {  	[sflag:s19] =	ssyncadd.s32 $0xFFFFE000;
	s21 =	sadd.s32 s6, s21  }
0x112: {  	[tilespmem:s30], [sflag:$0xA] =	stream.linear.gather [hbm4b:s21+s4], $0x100, $0x38;
	[tilespmem:$0x1C800] =	vst v63  }
0x113: {  	_ =	swait.ge [sflag:s10], $0x100  }
0x114: {  	[sflag:s10] =	ssyncset.done $0x0  }
0x115: {  	[sflag:s10] =	ssyncadd.s32 $0xFFFFFF00  }
0x116: {  	[tilespmem:s31], [sflag:$0x2] =	stream.indirect.gather [hbm4b:s5+s28], $0x80, s23, s28, $0xb8;
	[tilespmem:$0x1C800] =	vst v63  }
0x117: {  	_ =	swait.ge [sflag:s16], $0x2000  }
0x118: {  	[sflag:s16] =	ssyncset.done $0x0  }
0x119: {  	s22 =	rddreg [dreg:$0x12];
	[sflag:s16] =	ssyncadd.s32 $0xFFFFE000  }
0x11a: {  	[spmem:s2] =	stream.indirect.scatter.add.f32 [tilespmem:s11], [sflag:$0xD], $0x80, s22, s28, $0xb8;
	[tilespmem:$0x1C800] =	vst v63  }
0x11b: {  	s20 =	smin.u32 s20, $0x91;
	_ =	swait.ge [sflag:s19], $0x2000  }
0x11c: {  	s20 =	sshll.u32 s20, $0x8;
	s22 =	rddreg [dreg:$0xa]  }
0x11d: {  	s20 =	sadd.s32 s20, s22  }
0x11e: {  	p0 =	sne.s32 s18, $0x98;
	[sflag:s19] =	ssyncset.done $0x0;
	s20 =	sshrl.u32 s20, $0x3  }
.Ltmp0:
0x11f: {  	[sflag:s19] =	ssyncadd.s32 $0xFFFFE000;
	s20 =	sadd.s32 s6, s20;
	(pc) =	sbr.rel @p0 .LBB2_2-.Ltmp0, $4  }
0x120: {  	[tilespmem:s25], [sflag:$0xB] =	stream.linear.gather [hbm4b:s20+s4], $0x100, $0x38;
	[tilespmem:$0x1C800] =	vst v63  }
0x121: {  	_ =	swait.ge [sflag:s13], $0x100  }
0x122: {  	s18 =	sadd.s32 $0x8, s18;
	[sflag:s13] =	ssyncset.done $0x0  }
0x123: {  	s17 =	sadd.s32 $0x100, s17;
	s24 =	simm.s32 $0x200;
	[sflag:s13] =	ssyncadd.s32 $0xFFFFFF00  }
0x124: {  	[tilespmem:s3], [sflag:$0x3] =	stream.indirect.gather [hbm4b:s5+s28], $0x80, s24, s28, $0xb8;
	[tilespmem:$0x1C800] =	vst v63  }
0x125: {  	_ =	swait.ge [sflag:s1], $0x2000  }
0x126: {  	[sflag:s1] =	ssyncset.done $0x0  }
0x127: {  	[sflag:s1] =	ssyncadd.s32 $0xFFFFE000  }
0x128: {  	_ =	swait.ge [sflag:s12], $0x2000  }
0x129: {  	[sflag:s12] =	ssyncset.done $0x0  }
0x12a: {  	[sflag:s12] =	ssyncadd.s32 $0xFFFFE000  }
0x12b: {  	_ =	swait.ge [sflag:s14], $0x2000  }
0x12c: {  	[sflag:s14] =	ssyncset.done $0x0  }
0x12d: {  	s0 =	simm.s32 $0x8;
	[sflag:s14] =	ssyncadd.s32 $0xFFFFE000  }
0x12e: {  	_ =	swait.ge [sflag:s0], $0x100  }
0x12f: {  	[sflag:s0] =	ssyncset.done $0x0  }
0x130: {  	s22 =	simm.s32 $0x9;
	[sflag:s0] =	ssyncadd.s32 $0xFFFFFF00  }
0x131: {  	_ =	swait.ge [sflag:s22], $0x100  }
0x132: {  	[sflag:s22] =	ssyncset.done $0x0  }
0x133: {  	s23 =	simm.s32 $0xA;
	[sflag:s22] =	ssyncadd.s32 $0xFFFFFF00  }
0x134: {  	_ =	swait.ge [sflag:s23], $0x100  }
0x135: {  	[sflag:s23] =	ssyncset.done $0x0  }
0x136: {  	[sflag:s23] =	ssyncadd.s32 $0xFFFFFF00  }
0x137: {  	_ =	swait.ge [sflag:s7], $0x100  }
0x138: {  	[sflag:s7] =	ssyncset.done $0x0  }
0x139: {  	[sflag:s7] =	ssyncadd.s32 $0xFFFFFF00  }
0x13a: {  	[bflag:$0x0] =	sbarrier.arrive $0xFFFF  }
0x13b: {  	s18 =	rddreg [dreg:$0x14]  }
0x13c: {  	s17 =	rddreg [dreg:$0x1b]  }
0x13d: {  	s20 =	rddreg [dreg:$0x1e]  }
0x13e: {  	[hbm:s17], [sflag:s18] =	dma.local [spmem:s20], $0x2800  }
0x13f: {  	_ =	swait.ge [sflag:s19], $0x2800  }
0x140: {  	s22 =	rddreg [dreg:$0x1f]  }
0x141: {  	s24 =	rddreg [dreg:$0x1c];
	s22 =	sadd.s32 $0x1, s22  }
0x142: {  	p0 =	sne.s32 s22, s24  }
.Ltmp1:
0x143: {  	_ = 	snop;
	(pc) =	sbr.rel @p0 .LBB2_1-.Ltmp1, $4  }
0x144: {  	s21 =	simm.s32 $0x100  }
0x145: {  	s9 =	simm.s32 $0x300;
	s10 =	simm.s32 $0x6;
	s13 =	simm.s32 $0x7  }
0x146: {  	s15 =	simm.s32 $0x700;
	s0 =	simm.s32 $0x5;
	[sflag:s19] =	ssyncset.done $0x0  }
0x147: {  	s23 =	simm.s32 $0x400;
	[sflag:s19] =	ssyncadd.s32 $0xFFFFD800;
	s24 =	simm.s32 $0x500  }
0x148: {  	_ =	sfence.sel $0x180000  }
0x149: {  	[bflag:$0x0] =	sbarrier.arrive $0xFFFF  }
0x14a: {  	_ =	strace $0x9000004D  }
0x14b: {  	s0 =	stileid.u32;
	[bflag:$0x2] =	sbarrier.arrive $0xFFFF  }
0x14c: {  	p0 =	sne.s32 s0, $0x0;
	s0 =	rddreg [dreg:$0x3]  }
0x14d: {  	s0 =	sadd.s32 @!p0 $0x100000, s0  }
0x14e: {  	[sflag:s0] =	ssyncadd.tile.s32 @!p0 $0x1;
	_ =	shalt  }
.Lfunc_end2:
_tile_overlayer_lowered:
.L_overlay_start_2:
0x14f: {  	(tag) =	ssettag $0x2  }
0x150: {  	s0 =	rddreg [dreg:$0x0];
	s2 =	stileid.u32  }
0x151: {  	s1 =	rddreg [dreg:$0x1];
	p0 =	sne.s32 s2, $0x0  }
0x152: {  	s3 =	rddreg [dreg:$0x2];
	[bflag:$0x3] =	sbarrier.arrive $0xFFFF;
	s2 =	simm.s32 @!p0 $0x1C0D  }
0x153: {  	[timem:s3], [sflag:s2] =	dma.local @!p0 [hbm:s0], s1  }
0x154: {  	s0 =	simm.s32 @!p0 $0xD  }
0x155: {  	_ =	swait.ge @!p0 [sflag:s0], s1  }
0x156: {  	s1 =	ssub.s32 @!p0 $0x0, s1;
	[sflag:s0] =	ssyncset.done @!p0 $0x0  }
0x157: {  	[sflag:s0] =	ssyncadd.s32 @!p0 s1  }
0x158: {  	[bflag:$0x3] =	sbarrier.arrive $0xFFFF  }
0x159: {  	_ =	shalt  }

</sc_bundles>
